<compile_context>
chip_gen: v7x
topology: tpu7x:2x2x1
jax: 0.10.2.dev20260603
libtpu: 0.0.44.dev20260713+nightly
codegen_flags: <defaults>
</compile_context>

<pallas_src>
import jax
import jax.numpy as jnp
from jax import lax
from jax.experimental import pallas as pl
from jax.experimental.pallas import tpu as pltpu
from jax.experimental.pallas import tpu_sc as plsc

NUM_NODES = 1000000
MEMORY_DIM = 64
BATCH = 16384

_NC = 2
_NS = 16
_NW = _NC * _NS
_BPT = BATCH // _NW
_G = 32


_mesh = plsc.VectorSubcoreMesh(core_axis_name="c", subcore_axis_name="s")


@pl.kernel(
    out_type=(
        jax.ShapeDtypeStruct((MEMORY_DIM, BATCH), jnp.float32),
        jax.ShapeDtypeStruct((BATCH,), jnp.int32),
    ),
    mesh=_mesh,
    compiler_params=pltpu.CompilerParams(needs_layout_passes=False),
    scratch_types=[
        pltpu.VMEM((_BPT,), jnp.int32),
        pltpu.VMEM((MEMORY_DIM, _BPT), jnp.float32),
        pltpu.VMEM((MEMORY_DIM, 128), jnp.float32),
        pltpu.VMEM((MEMORY_DIM, 128), jnp.float32),
        pltpu.VMEM((MEMORY_DIM, 128), jnp.float32),
        pltpu.VMEM((MEMORY_DIM, 128), jnp.float32),
        pltpu.VMEM((MEMORY_DIM, 128), jnp.float32),
        pltpu.VMEM((MEMORY_DIM, 128), jnp.float32),
        pltpu.VMEM((MEMORY_DIM, 128), jnp.float32),
        pltpu.VMEM((MEMORY_DIM, 128), jnp.float32),
        pltpu.VMEM((_BPT,), jnp.int32),
        pltpu.SemaphoreType.DMA,
        pltpu.SemaphoreType.DMA,
        pltpu.SemaphoreType.DMA,
        pltpu.SemaphoreType.DMA,
        pltpu.SemaphoreType.DMA,
        pltpu.SemaphoreType.DMA,
        pltpu.SemaphoreType.DMA,
        pltpu.SemaphoreType.DMA,
        pltpu.SemaphoreType.DMA,
    ],
)
def _gather_kernel(n_id_hbm, memt_hbm, last_hbm, outt_hbm, last_out_hbm,
                   idx_v, stag_v, buf0_v, buf1_v, buf2_v, buf3_v,
                   buf4_v, buf5_v, buf6_v, buf7_v, last_v,
                   sem0, sem1, sem2, sem3, sem4, sem5, sem6, sem7, sem_last):
    wid = lax.axis_index("s") * _NC + lax.axis_index("c")
    base = wid * _BPT
    pltpu.sync_copy(n_id_hbm.at[pl.ds(base, _BPT)], idx_v)
    cp_last = pltpu.async_copy(last_hbm.at[idx_v], last_v, sem_last)

    bufs = (buf0_v, buf1_v, buf2_v, buf3_v, buf4_v, buf5_v, buf6_v, buf7_v)
    sems = (sem0, sem1, sem2, sem3, sem4, sem5, sem6, sem7)
    _D = len(bufs)
    lanes = lax.iota(jnp.int32, 16)
    jvecs = [lanes + 16 * k for k in range(MEMORY_DIM // 16)]

    def fetch(i, slot):
        blk = pl.multiple_of((i >> 7) << 7, 128)
        return pltpu.async_copy(
            memt_hbm.at[:, pl.ds(blk, 128)], bufs[slot], sems[slot])

    def serve(off, r, slot):
        offv = jnp.full((16,), off, dtype=jnp.int32)
        rv = jnp.full((16,), r, dtype=jnp.int32)
        for jv in jvecs:
            vals = plsc.load_gather(bufs[slot], [jv, offv])
            plsc.store_scatter(stag_v, [jv, rv], vals)

    def group(g):
        ivs = [plsc.load_gather(idx_v, [lanes + (g * _G + 16 * h)])
               for h in range(_G // 16)]
        offs = [iv & 127 for iv in ivs]
        copies = [None] * _D

        def idx_at(k):
            return ivs[k // 16][k % 16]

        def off_at(k):
            return offs[k // 16][k % 16]

        for k in range(_G):
            slot = k % _D
            if copies[slot] is not None:
                copies[slot].wait()
                serve(off_at(k - _D), g * _G + k - _D, slot)
            copies[slot] = fetch(idx_at(k), slot)
        for k in range(_G - _D, _G):
            slot = k % _D
            copies[slot].wait()
            serve(off_at(k), g * _G + k, slot)

    pl.loop(0, _BPT // _G)(group)

    cp_last.wait()
    pltpu.sync_copy(last_v, last_out_hbm.at[pl.ds(base, _BPT)])
    pltpu.sync_copy(stag_v, outt_hbm.at[:, pl.ds(base, _BPT)])


def kernel(n_id, memory, last_update):
    outt, last_out = _gather_kernel(n_id, memory.T, last_update)
    return (outt.T, last_out, jnp.array(0, dtype=jnp.int32))

# --- scband reference (transcript-rebuilt; emitter-appended) ---
"""Pipeline reference for scband-static-memory-32615981645898 (READ-ONLY COPY).

The authoritative reference and input builder live on the scoring server;
editing this copy changes nothing except your own understanding.
"""

import jax, jax.numpy as jnp
import numpy as np

NUM_NODES = 1000000
MEMORY_DIM = 64
BATCH = 16384

def setup_inputs(seed: int = 0) -> dict:
    key = jax.random.key(seed)
    k1, k2 = jax.random.split(key)
    n_id = jax.random.randint(k1, (BATCH,), 0, NUM_NODES, dtype=jnp.int64 if jax.config.jax_enable_x64 else jnp.int32)
    # Embedding table (nn.Embedding default init: N(0,1))
    memory = jax.random.normal(k2, (NUM_NODES, MEMORY_DIM), dtype=jnp.float32)
    # last_update buffer reset to zeros (long dtype)
    last_update = jnp.zeros((NUM_NODES,), dtype=jnp.int32)
    return {"n_id": n_id, "memory": memory, "last_update": last_update}

def reference(n_id, memory, last_update):
    # StaticMemory.forward: return (self.memory(n_id), self.last_update[n_id], 0)
    mem_out = jnp.take(memory, n_id, axis=0)
    last_out = jnp.take(last_update, n_id, axis=0)
    return (mem_out, last_out, jnp.array(0, dtype=jnp.int32))

if __name__ == "__main__":
    import jax
    _d = setup_inputs()
    print(jax.jit(kernel)(*tuple(_d.values())))

</pallas_src>

<mosaic_0001>
#map = affine_map<(d0, d1) -> (0)>
#map1 = affine_map<(d0, d1) -> (0, 0)>
module attributes {stable_mosaic.version = 14 : i64} {
  func.func @_gather_kernel(%arg0: i32, %arg1: i32, %arg2: memref<16384xi32, #tpu.memory_space<hbm>>, %arg3: memref<64x1000000xf32, #tpu.memory_space<hbm>>, %arg4: memref<1000000xi32, #tpu.memory_space<hbm>>, %arg5: memref<64x16384xf32, #tpu.memory_space<hbm>>, %arg6: memref<16384xi32, #tpu.memory_space<hbm>>, %arg7: memref<512xi32, #tpu.memory_space<vmem>>, %arg8: memref<64x512xf32, #tpu.memory_space<vmem>>, %arg9: memref<64x128xf32, #tpu.memory_space<vmem>>, %arg10: memref<64x128xf32, #tpu.memory_space<vmem>>, %arg11: memref<64x128xf32, #tpu.memory_space<vmem>>, %arg12: memref<64x128xf32, #tpu.memory_space<vmem>>, %arg13: memref<64x128xf32, #tpu.memory_space<vmem>>, %arg14: memref<64x128xf32, #tpu.memory_space<vmem>>, %arg15: memref<64x128xf32, #tpu.memory_space<vmem>>, %arg16: memref<64x128xf32, #tpu.memory_space<vmem>>, %arg17: memref<512xi32, #tpu.memory_space<vmem>>, %arg18: memref<!tpu.dma_semaphore, #tpu.memory_space<semaphore_mem>>, %arg19: memref<!tpu.dma_semaphore, #tpu.memory_space<semaphore_mem>>, %arg20: memref<!tpu.dma_semaphore, #tpu.memory_space<semaphore_mem>>, %arg21: memref<!tpu.dma_semaphore, #tpu.memory_space<semaphore_mem>>, %arg22: memref<!tpu.dma_semaphore, #tpu.memory_space<semaphore_mem>>, %arg23: memref<!tpu.dma_semaphore, #tpu.memory_space<semaphore_mem>>, %arg24: memref<!tpu.dma_semaphore, #tpu.memory_space<semaphore_mem>>, %arg25: memref<!tpu.dma_semaphore, #tpu.memory_space<semaphore_mem>>, %arg26: memref<!tpu.dma_semaphore, #tpu.memory_space<semaphore_mem>>) attributes {dimension_semantics = [#tpu.dimension_semantics<core_parallel>, #tpu.dimension_semantics<subcore_parallel>], iteration_bounds = array<i64: 2, 16>, scalar_prefetch = 0 : i64, scratch_operands = 20 : i64, tpu.core_type = #tpu.core_type<sc_vector_subcore>, window_params = [{transform_indices = #map}, {transform_indices = #map1}, {transform_indices = #map}, {transform_indices = #map1}, {transform_indices = #map}]} {
    %mul3A = arith.constant 2 : i32
    %mul3A_0 = arith.muli %arg1, %mul3A : i32
    %add3A = arith.addi %mul3A_0, %arg0 : i32
    %mul3A_1 = arith.constant 512 : i32
    %mul3A_2 = arith.muli %add3A, %mul3A_1 : i32
    "tpu.region"() ({
      %run_scoped3A = tpu.sem_alloc : memref<!tpu.dma_semaphore, #tpu.memory_space<semaphore_mem>>
      %dma_start3A_21 = tpu.memref_slice %arg2[%mul3A_2] : memref<16384xi32, #tpu.memory_space<hbm>> -> memref<512xi32, #tpu.memory_space<hbm>>
      %dma_start3A_22 = tpu.memref_slice %arg2[%mul3A_2] : memref<16384xi32, #tpu.memory_space<hbm>> -> memref<512xi32, #tpu.memory_space<hbm>>
      tpu.enqueue_dma source(%dma_start3A_22 : memref<512xi32, #tpu.memory_space<hbm>>) target(%arg7 : memref<512xi32, #tpu.memory_space<vmem>>) target_semaphore(%run_scoped3A : memref<!tpu.dma_semaphore, #tpu.memory_space<semaphore_mem>>)
      %dma_wait3A_23 = tpu.memref_slice %arg2[%mul3A_2] : memref<16384xi32, #tpu.memory_space<hbm>> -> memref<512xi32, #tpu.memory_space<hbm>>
      %dma_wait3A_24 = tpu.memref_slice %arg2[%mul3A_2] : memref<16384xi32, #tpu.memory_space<hbm>> -> memref<512xi32, #tpu.memory_space<hbm>>
      tpu.wait_dma2 semaphore(%run_scoped3A : memref<!tpu.dma_semaphore, #tpu.memory_space<semaphore_mem>>) src(%dma_wait3A_24 : memref<512xi32, #tpu.memory_space<hbm>>) dst(%arg7 : memref<512xi32, #tpu.memory_space<vmem>>)
      tpu.yield
    }) : () -> ()
    %dma_start3A = arith.constant 0 : i32
    %dma_start3A_3 = tpu.memref_slice %arg4[%dma_start3A] : memref<1000000xi32, #tpu.memory_space<hbm>> -> memref<1000000xi32, #tpu.memory_space<hbm>>
    tpu.enqueue_indirect_dma source(%dma_start3A_3 : memref<1000000xi32, #tpu.memory_space<hbm>>) target(%arg17 : memref<512xi32, #tpu.memory_space<vmem>>) offsets(%arg7 : memref<512xi32, #tpu.memory_space<vmem>>) semaphore(%arg26 : memref<!tpu.dma_semaphore, #tpu.memory_space<semaphore_mem>>)
    %iota3A = tpu.iota {dimensions = array<i32: 0>} : vector<16xi32>
    %add3A_4 = arith.constant 0 : i32
    %add3A_5 = vector.broadcast %add3A_4 : i32 to vector<16xi32>
    %add3A_6 = arith.addi %iota3A, %add3A_5 : vector<16xi32>
    %add3A_7 = arith.constant 16 : i32
    %add3A_8 = vector.broadcast %add3A_7 : i32 to vector<16xi32>
    %add3A_9 = arith.addi %iota3A, %add3A_8 : vector<16xi32>
    %add3A_10 = arith.constant 32 : i32
    %add3A_11 = vector.broadcast %add3A_10 : i32 to vector<16xi32>
    %add3A_12 = arith.addi %iota3A, %add3A_11 : vector<16xi32>
    %add3A_13 = arith.constant 48 : i32
    %add3A_14 = vector.broadcast %add3A_13 : i32 to vector<16xi32>
    %add3A_15 = arith.addi %iota3A, %add3A_14 : vector<16xi32>
    %scan3A = arith.constant 0 : i32
    %scan3A_16 = arith.constant 16 : i32
    %scan3A_17 = arith.addi %scan3A, %scan3A_16 : i32
    %scan3A_18 = arith.constant 1 : i32
    scf.for %scan3A_21 = %scan3A to %scan3A_17 step %scan3A_18  : i32 {
      %mul3A_22 = arith.constant 1 : i32
      %mul3A_23 = arith.muli %scan3A_21, %mul3A_22 : i32
      %add3A_24 = arith.constant 0 : i32
      %add3A_25 = arith.addi %add3A_24, %mul3A_23 : i32
      %mul3A_26 = arith.constant 32 : i32
      %mul3A_27 = arith.muli %add3A_25, %mul3A_26 : i32
      %add3A_28 = arith.constant 0 : i32
      %add3A_29 = arith.addi %mul3A_27, %add3A_28 : i32
      %add3A_30 = vector.broadcast %add3A_29 : i32 to vector<16xi32>
      %add3A_31 = arith.addi %iota3A, %add3A_30 : vector<16xi32>
      %gather3A = tpu.vector_load_idx %arg7[%add3A_31] : memref<512xi32, #tpu.memory_space<vmem>>[vector<16xi32>], vector<16xi32>,
      %mul3A_32 = arith.constant 32 : i32
      %mul3A_33 = arith.muli %add3A_25, %mul3A_32 : i32
      %add3A_34 = arith.constant 16 : i32
      %add3A_35 = arith.addi %mul3A_33, %add3A_34 : i32
      %add3A_36 = vector.broadcast %add3A_35 : i32 to vector<16xi32>
      %add3A_37 = arith.addi %iota3A, %add3A_36 : vector<16xi32>
      %gather3A_38 = tpu.vector_load_idx %arg7[%add3A_37] : memref<512xi32, #tpu.memory_space<vmem>>[vector<16xi32>], vector<16xi32>,
      %and3A = arith.constant 127 : i32
      %and3A_39 = vector.broadcast %and3A : i32 to vector<16xi32>
      %and3A_40 = arith.andi %gather3A, %and3A_39 : vector<16xi32>
      %and3A_41 = arith.constant 127 : i32
      %and3A_42 = vector.broadcast %and3A_41 : i32 to vector<16xi32>
      %and3A_43 = arith.andi %gather3A_38, %and3A_42 : vector<16xi32>
      %slice3A = vector.extract_strided_slice %gather3A {offsets = [0], sizes = [1], strides = [1]} : vector<16xi32> to vector<1xi32>
      %squeeze3A = vector.extract %slice3A[0] : i32 from vector<1xi32>
      %shift_right_arithmetic3A = arith.constant 7 : i32
      %shift_right_arithmetic3A_44 = arith.shrsi %squeeze3A, %shift_right_arithmetic3A : i32
      %shift_left3A = arith.constant 7 : i32
      %shift_left3A_45 = arith.shli %shift_right_arithmetic3A_44, %shift_left3A : i32
      %multiple_of3A = tpu.assume_multiple %shift_left3A_45, 128 : i32
      %dma_start3A_46 = arith.constant 0 : i32
      %dma_start3A_47 = tpu.memref_slice %arg3[%dma_start3A_46, %multiple_of3A] : memref<64x1000000xf32, #tpu.memory_space<hbm>> -> memref<64x128xf32, #tpu.memory_space<hbm>>
      %dma_start3A_48 = arith.constant 0 : i32
      %dma_start3A_49 = tpu.memref_slice %arg3[%dma_start3A_48, %multiple_of3A] : memref<64x1000000xf32, #tpu.memory_space<hbm>> -> memref<64x128xf32, #tpu.memory_space<hbm>>
      tpu.enqueue_dma source(%dma_start3A_49 : memref<64x128xf32, #tpu.memory_space<hbm>>) target(%arg9 : memref<64x128xf32, #tpu.memory_space<vmem>>) target_semaphore(%arg18 : memref<!tpu.dma_semaphore, #tpu.memory_space<semaphore_mem>>)
      %slice3A_50 = vector.extract_strided_slice %gather3A {offsets = [1], sizes = [1], strides = [1]} : vector<16xi32> to vector<1xi32>
      %squeeze3A_51 = vector.extract %slice3A_50[0] : i32 from vector<1xi32>
      %shift_right_arithmetic3A_52 = arith.constant 7 : i32
      %shift_right_arithmetic3A_53 = arith.shrsi %squeeze3A_51, %shift_right_arithmetic3A_52 : i32
      %shift_left3A_54 = arith.constant 7 : i32
      %shift_left3A_55 = arith.shli %shift_right_arithmetic3A_53, %shift_left3A_54 : i32
      %multiple_of3A_56 = tpu.assume_multiple %shift_left3A_55, 128 : i32
      %dma_start3A_57 = arith.constant 0 : i32
      %dma_start3A_58 = tpu.memref_slice %arg3[%dma_start3A_57, %multiple_of3A_56] : memref<64x1000000xf32, #tpu.memory_space<hbm>> -> memref<64x128xf32, #tpu.memory_space<hbm>>
      %dma_start3A_59 = arith.constant 0 : i32
      %dma_start3A_60 = tpu.memref_slice %arg3[%dma_start3A_59, %multiple_of3A_56] : memref<64x1000000xf32, #tpu.memory_space<hbm>> -> memref<64x128xf32, #tpu.memory_space<hbm>>
      tpu.enqueue_dma source(%dma_start3A_60 : memref<64x128xf32, #tpu.memory_space<hbm>>) target(%arg10 : memref<64x128xf32, #tpu.memory_space<vmem>>) target_semaphore(%arg19 : memref<!tpu.dma_semaphore, #tpu.memory_space<semaphore_mem>>)
      %slice3A_61 = vector.extract_strided_slice %gather3A {offsets = [2], sizes = [1], strides = [1]} : vector<16xi32> to vector<1xi32>
      %squeeze3A_62 = vector.extract %slice3A_61[0] : i32 from vector<1xi32>
      %shift_right_arithmetic3A_63 = arith.constant 7 : i32
      %shift_right_arithmetic3A_64 = arith.shrsi %squeeze3A_62, %shift_right_arithmetic3A_63 : i32
      %shift_left3A_65 = arith.constant 7 : i32
      %shift_left3A_66 = arith.shli %shift_right_arithmetic3A_64, %shift_left3A_65 : i32
      %multiple_of3A_67 = tpu.assume_multiple %shift_left3A_66, 128 : i32
      %dma_start3A_68 = arith.constant 0 : i32
      %dma_start3A_69 = tpu.memref_slice %arg3[%dma_start3A_68, %multiple_of3A_67] : memref<64x1000000xf32, #tpu.memory_space<hbm>> -> memref<64x128xf32, #tpu.memory_space<hbm>>
      %dma_start3A_70 = arith.constant 0 : i32
      %dma_start3A_71 = tpu.memref_slice %arg3[%dma_start3A_70, %multiple_of3A_67] : memref<64x1000000xf32, #tpu.memory_space<hbm>> -> memref<64x128xf32, #tpu.memory_space<hbm>>
      tpu.enqueue_dma source(%dma_start3A_71 : memref<64x128xf32, #tpu.memory_space<hbm>>) target(%arg11 : memref<64x128xf32, #tpu.memory_space<vmem>>) target_semaphore(%arg20 : memref<!tpu.dma_semaphore, #tpu.memory_space<semaphore_mem>>)
      %slice3A_72 = vector.extract_strided_slice %gather3A {offsets = [3], sizes = [1], strides = [1]} : vector<16xi32> to vector<1xi32>
      %squeeze3A_73 = vector.extract %slice3A_72[0] : i32 from vector<1xi32>
      %shift_right_arithmetic3A_74 = arith.constant 7 : i32
      %shift_right_arithmetic3A_75 = arith.shrsi %squeeze3A_73, %shift_right_arithmetic3A_74 : i32
      %shift_left3A_76 = arith.constant 7 : i32
      %shift_left3A_77 = arith.shli %shift_right_arithmetic3A_75, %shift_left3A_76 : i32
      %multiple_of3A_78 = tpu.assume_multiple %shift_left3A_77, 128 : i32
      %dma_start3A_79 = arith.constant 0 : i32
      %dma_start3A_80 = tpu.memref_slice %arg3[%dma_start3A_79, %multiple_of3A_78] : memref<64x1000000xf32, #tpu.memory_space<hbm>> -> memref<64x128xf32, #tpu.memory_space<hbm>>
      %dma_start3A_81 = arith.constant 0 : i32
      %dma_start3A_82 = tpu.memref_slice %arg3[%dma_start3A_81, %multiple_of3A_78] : memref<64x1000000xf32, #tpu.memory_space<hbm>> -> memref<64x128xf32, #tpu.memory_space<hbm>>
      tpu.enqueue_dma source(%dma_start3A_82 : memref<64x128xf32, #tpu.memory_space<hbm>>) target(%arg12 : memref<64x128xf32, #tpu.memory_space<vmem>>) target_semaphore(%arg21 : memref<!tpu.dma_semaphore, #tpu.memory_space<semaphore_mem>>)
      %slice3A_83 = vector.extract_strided_slice %gather3A {offsets = [4], sizes = [1], strides = [1]} : vector<16xi32> to vector<1xi32>
      %squeeze3A_84 = vector.extract %slice3A_83[0] : i32 from vector<1xi32>
      %shift_right_arithmetic3A_85 = arith.constant 7 : i32
      %shift_right_arithmetic3A_86 = arith.shrsi %squeeze3A_84, %shift_right_arithmetic3A_85 : i32
      %shift_left3A_87 = arith.constant 7 : i32
      %shift_left3A_88 = arith.shli %shift_right_arithmetic3A_86, %shift_left3A_87 : i32
      %multiple_of3A_89 = tpu.assume_multiple %shift_left3A_88, 128 : i32
      %dma_start3A_90 = arith.constant 0 : i32
      %dma_start3A_91 = tpu.memref_slice %arg3[%dma_start3A_90, %multiple_of3A_89] : memref<64x1000000xf32, #tpu.memory_space<hbm>> -> memref<64x128xf32, #tpu.memory_space<hbm>>
      %dma_start3A_92 = arith.constant 0 : i32
      %dma_start3A_93 = tpu.memref_slice %arg3[%dma_start3A_92, %multiple_of3A_89] : memref<64x1000000xf32, #tpu.memory_space<hbm>> -> memref<64x128xf32, #tpu.memory_space<hbm>>
      tpu.enqueue_dma source(%dma_start3A_93 : memref<64x128xf32, #tpu.memory_space<hbm>>) target(%arg13 : memref<64x128xf32, #tpu.memory_space<vmem>>) target_semaphore(%arg22 : memref<!tpu.dma_semaphore, #tpu.memory_space<semaphore_mem>>)
      %slice3A_94 = vector.extract_strided_slice %gather3A {offsets = [5], sizes = [1], strides = [1]} : vector<16xi32> to vector<1xi32>
      %squeeze3A_95 = vector.extract %slice3A_94[0] : i32 from vector<1xi32>
      %shift_right_arithmetic3A_96 = arith.constant 7 : i32
      %shift_right_arithmetic3A_97 = arith.shrsi %squeeze3A_95, %shift_right_arithmetic3A_96 : i32
      %shift_left3A_98 = arith.constant 7 : i32
      %shift_left3A_99 = arith.shli %shift_right_arithmetic3A_97, %shift_left3A_98 : i32
      %multiple_of3A_100 = tpu.assume_multiple %shift_left3A_99, 128 : i32
      %dma_start3A_101 = arith.constant 0 : i32
      %dma_start3A_102 = tpu.memref_slice %arg3[%dma_start3A_101, %multiple_of3A_100] : memref<64x1000000xf32, #tpu.memory_space<hbm>> -> memref<64x128xf32, #tpu.memory_space<hbm>>
      %dma_start3A_103 = arith.constant 0 : i32
      %dma_start3A_104 = tpu.memref_slice %arg3[%dma_start3A_103, %multiple_of3A_100] : memref<64x1000000xf32, #tpu.memory_space<hbm>> -> memref<64x128xf32, #tpu.memory_space<hbm>>
      tpu.enqueue_dma source(%dma_start3A_104 : memref<64x128xf32, #tpu.memory_space<hbm>>) target(%arg14 : memref<64x128xf32, #tpu.memory_space<vmem>>) target_semaphore(%arg23 : memref<!tpu.dma_semaphore, #tpu.memory_space<semaphore_mem>>)
      %slice3A_105 = vector.extract_strided_slice %gather3A {offsets = [6], sizes = [1], strides = [1]} : vector<16xi32> to vector<1xi32>
      %squeeze3A_106 = vector.extract %slice3A_105[0] : i32 from vector<1xi32>
      %shift_right_arithmetic3A_107 = arith.constant 7 : i32
      %shift_right_arithmetic3A_108 = arith.shrsi %squeeze3A_106, %shift_right_arithmetic3A_107 : i32
      %shift_left3A_109 = arith.constant 7 : i32
      %shift_left3A_110 = arith.shli %shift_right_arithmetic3A_108, %shift_left3A_109 : i32
      %multiple_of3A_111 = tpu.assume_multiple %shift_left3A_110, 128 : i32
      %dma_start3A_112 = arith.constant 0 : i32
      %dma_start3A_113 = tpu.memref_slice %arg3[%dma_start3A_112, %multiple_of3A_111] : memref<64x1000000xf32, #tpu.memory_space<hbm>> -> memref<64x128xf32, #tpu.memory_space<hbm>>
      %dma_start3A_114 = arith.constant 0 : i32
      %dma_start3A_115 = tpu.memref_slice %arg3[%dma_start3A_114, %multiple_of3A_111] : memref<64x1000000xf32, #tpu.memory_space<hbm>> -> memref<64x128xf32, #tpu.memory_space<hbm>>
      tpu.enqueue_dma source(%dma_start3A_115 : memref<64x128xf32, #tpu.memory_space<hbm>>) target(%arg15 : memref<64x128xf32, #tpu.memory_space<vmem>>) target_semaphore(%arg24 : memref<!tpu.dma_semaphore, #tpu.memory_space<semaphore_mem>>)
      %slice3A_116 = vector.extract_strided_slice %gather3A {offsets = [7], sizes = [1], strides = [1]} : vector<16xi32> to vector<1xi32>
      %squeeze3A_117 = vector.extract %slice3A_116[0] : i32 from vector<1xi32>
      %shift_right_arithmetic3A_118 = arith.constant 7 : i32
      %shift_right_arithmetic3A_119 = arith.shrsi %squeeze3A_117, %shift_right_arithmetic3A_118 : i32
      %shift_left3A_120 = arith.constant 7 : i32
      %shift_left3A_121 = arith.shli %shift_right_arithmetic3A_119, %shift_left3A_120 : i32
      %multiple_of3A_122 = tpu.assume_multiple %shift_left3A_121, 128 : i32
      %dma_start3A_123 = arith.constant 0 : i32
      %dma_start3A_124 = tpu.memref_slice %arg3[%dma_start3A_123, %multiple_of3A_122] : memref<64x1000000xf32, #tpu.memory_space<hbm>> -> memref<64x128xf32, #tpu.memory_space<hbm>>
      %dma_start3A_125 = arith.constant 0 : i32
      %dma_start3A_126 = tpu.memref_slice %arg3[%dma_start3A_125, %multiple_of3A_122] : memref<64x1000000xf32, #tpu.memory_space<hbm>> -> memref<64x128xf32, #tpu.memory_space<hbm>>
      tpu.enqueue_dma source(%dma_start3A_126 : memref<64x128xf32, #tpu.memory_space<hbm>>) target(%arg16 : memref<64x128xf32, #tpu.memory_space<vmem>>) target_semaphore(%arg25 : memref<!tpu.dma_semaphore, #tpu.memory_space<semaphore_mem>>)
      %dma_wait3A_127 = arith.constant 0 : i32
      %dma_wait3A_128 = tpu.memref_slice %arg3[%dma_wait3A_127, %multiple_of3A] : memref<64x1000000xf32, #tpu.memory_space<hbm>> -> memref<64x128xf32, #tpu.memory_space<hbm>>
      %dma_wait3A_129 = arith.constant 0 : i32
      %dma_wait3A_130 = tpu.memref_slice %arg3[%dma_wait3A_129, %multiple_of3A] : memref<64x1000000xf32, #tpu.memory_space<hbm>> -> memref<64x128xf32, #tpu.memory_space<hbm>>
      tpu.wait_dma2 semaphore(%arg18 : memref<!tpu.dma_semaphore, #tpu.memory_space<semaphore_mem>>) src(%dma_wait3A_130 : memref<64x128xf32, #tpu.memory_space<hbm>>) dst(%arg9 : memref<64x128xf32, #tpu.memory_space<vmem>>)
      %slice3A_131 = vector.extract_strided_slice %and3A_40 {offsets = [0], sizes = [1], strides = [1]} : vector<16xi32> to vector<1xi32>
      %squeeze3A_132 = vector.extract %slice3A_131[0] : i32 from vector<1xi32>
      %mul3A_133 = arith.constant 32 : i32
      %mul3A_134 = arith.muli %add3A_25, %mul3A_133 : i32
      %add3A_135 = arith.constant 8 : i32
      %add3A_136 = arith.addi %mul3A_134, %add3A_135 : i32
      %sub3A = arith.constant 8 : i32
      %sub3A_137 = arith.subi %add3A_136, %sub3A : i32
      %broadcast_in_dim3A = vector.broadcast %squeeze3A_132 : i32 to vector<16xi32>
      %broadcast_in_dim3A_138 = vector.broadcast %sub3A_137 : i32 to vector<16xi32>
      %gather3A_139 = tpu.vector_load_idx %arg9[%add3A_6, %broadcast_in_dim3A] : memref<64x128xf32, #tpu.memory_space<vmem>>[vector<16xi32>, vector<16xi32>], vector<16xf32>,
      tpu.vector_store_idx %arg8[%add3A_6, %broadcast_in_dim3A_138], %gather3A_139 : memref<64x512xf32, #tpu.memory_space<vmem>>[vector<16xi32>, vector<16xi32>], vector<16xf32>,
      %gather3A_140 = tpu.vector_load_idx %arg9[%add3A_9, %broadcast_in_dim3A] : memref<64x128xf32, #tpu.memory_space<vmem>>[vector<16xi32>, vector<16xi32>], vector<16xf32>,
      tpu.vector_store_idx %arg8[%add3A_9, %broadcast_in_dim3A_138], %gather3A_140 : memref<64x512xf32, #tpu.memory_space<vmem>>[vector<16xi32>, vector<16xi32>], vector<16xf32>,
      %gather3A_141 = tpu.vector_load_idx %arg9[%add3A_12, %broadcast_in_dim3A] : memref<64x128xf32, #tpu.memory_space<vmem>>[vector<16xi32>, vector<16xi32>], vector<16xf32>,
      tpu.vector_store_idx %arg8[%add3A_12, %broadcast_in_dim3A_138], %gather3A_141 : memref<64x512xf32, #tpu.memory_space<vmem>>[vector<16xi32>, vector<16xi32>], vector<16xf32>,
      %gather3A_142 = tpu.vector_load_idx %arg9[%add3A_15, %broadcast_in_dim3A] : memref<64x128xf32, #tpu.memory_space<vmem>>[vector<16xi32>, vector<16xi32>], vector<16xf32>,
      tpu.vector_store_idx %arg8[%add3A_15, %broadcast_in_dim3A_138], %gather3A_142 : memref<64x512xf32, #tpu.memory_space<vmem>>[vector<16xi32>, vector<16xi32>], vector<16xf32>,
      %slice3A_143 = vector.extract_strided_slice %gather3A {offsets = [8], sizes = [1], strides = [1]} : vector<16xi32> to vector<1xi32>
      %squeeze3A_144 = vector.extract %slice3A_143[0] : i32 from vector<1xi32>
      %shift_right_arithmetic3A_145 = arith.constant 7 : i32
      %shift_right_arithmetic3A_146 = arith.shrsi %squeeze3A_144, %shift_right_arithmetic3A_145 : i32
      %shift_left3A_147 = arith.constant 7 : i32
      %shift_left3A_148 = arith.shli %shift_right_arithmetic3A_146, %shift_left3A_147 : i32
      %multiple_of3A_149 = tpu.assume_multiple %shift_left3A_148, 128 : i32
      %dma_start3A_150 = arith.constant 0 : i32
      %dma_start3A_151 = tpu.memref_slice %arg3[%dma_start3A_150, %multiple_of3A_149] : memref<64x1000000xf32, #tpu.memory_space<hbm>> -> memref<64x128xf32, #tpu.memory_space<hbm>>
      %dma_start3A_152 = arith.constant 0 : i32
      %dma_start3A_153 = tpu.memref_slice %arg3[%dma_start3A_152, %multiple_of3A_149] : memref<64x1000000xf32, #tpu.memory_space<hbm>> -> memref<64x128xf32, #tpu.memory_space<hbm>>
      tpu.enqueue_dma source(%dma_start3A_153 : memref<64x128xf32, #tpu.memory_space<hbm>>) target(%arg9 : memref<64x128xf32, #tpu.memory_space<vmem>>) target_semaphore(%arg18 : memref<!tpu.dma_semaphore, #tpu.memory_space<semaphore_mem>>)
      %dma_wait3A_154 = arith.constant 0 : i32
      %dma_wait3A_155 = tpu.memref_slice %arg3[%dma_wait3A_154, %multiple_of3A_56] : memref<64x1000000xf32, #tpu.memory_space<hbm>> -> memref<64x128xf32, #tpu.memory_space<hbm>>
      %dma_wait3A_156 = arith.constant 0 : i32
      %dma_wait3A_157 = tpu.memref_slice %arg3[%dma_wait3A_156, %multiple_of3A_56] : memref<64x1000000xf32, #tpu.memory_space<hbm>> -> memref<64x128xf32, #tpu.memory_space<hbm>>
      tpu.wait_dma2 semaphore(%arg19 : memref<!tpu.dma_semaphore, #tpu.memory_space<semaphore_mem>>) src(%dma_wait3A_157 : memref<64x128xf32, #tpu.memory_space<hbm>>) dst(%arg10 : memref<64x128xf32, #tpu.memory_space<vmem>>)
      %slice3A_158 = vector.extract_strided_slice %and3A_40 {offsets = [1], sizes = [1], strides = [1]} : vector<16xi32> to vector<1xi32>
      %squeeze3A_159 = vector.extract %slice3A_158[0] : i32 from vector<1xi32>
      %mul3A_160 = arith.constant 32 : i32
      %mul3A_161 = arith.muli %add3A_25, %mul3A_160 : i32
      %add3A_162 = arith.constant 9 : i32
      %add3A_163 = arith.addi %mul3A_161, %add3A_162 : i32
      %sub3A_164 = arith.constant 8 : i32
      %sub3A_165 = arith.subi %add3A_163, %sub3A_164 : i32
      %broadcast_in_dim3A_166 = vector.broadcast %squeeze3A_159 : i32 to vector<16xi32>
      %broadcast_in_dim3A_167 = vector.broadcast %sub3A_165 : i32 to vector<16xi32>
      %gather3A_168 = tpu.vector_load_idx %arg10[%add3A_6, %broadcast_in_dim3A_166] : memref<64x128xf32, #tpu.memory_space<vmem>>[vector<16xi32>, vector<16xi32>], vector<16xf32>,
      tpu.vector_store_idx %arg8[%add3A_6, %broadcast_in_dim3A_167], %gather3A_168 : memref<64x512xf32, #tpu.memory_space<vmem>>[vector<16xi32>, vector<16xi32>], vector<16xf32>,
      %gather3A_169 = tpu.vector_load_idx %arg10[%add3A_9, %broadcast_in_dim3A_166] : memref<64x128xf32, #tpu.memory_space<vmem>>[vector<16xi32>, vector<16xi32>], vector<16xf32>,
      tpu.vector_store_idx %arg8[%add3A_9, %broadcast_in_dim3A_167], %gather3A_169 : memref<64x512xf32, #tpu.memory_space<vmem>>[vector<16xi32>, vector<16xi32>], vector<16xf32>,
      %gather3A_170 = tpu.vector_load_idx %arg10[%add3A_12, %broadcast_in_dim3A_166] : memref<64x128xf32, #tpu.memory_space<vmem>>[vector<16xi32>, vector<16xi32>], vector<16xf32>,
      tpu.vector_store_idx %arg8[%add3A_12, %broadcast_in_dim3A_167], %gather3A_170 : memref<64x512xf32, #tpu.memory_space<vmem>>[vector<16xi32>, vector<16xi32>], vector<16xf32>,
      %gather3A_171 = tpu.vector_load_idx %arg10[%add3A_15, %broadcast_in_dim3A_166] : memref<64x128xf32, #tpu.memory_space<vmem>>[vector<16xi32>, vector<16xi32>], vector<16xf32>,
      tpu.vector_store_idx %arg8[%add3A_15, %broadcast_in_dim3A_167], %gather3A_171 : memref<64x512xf32, #tpu.memory_space<vmem>>[vector<16xi32>, vector<16xi32>], vector<16xf32>,
      %slice3A_172 = vector.extract_strided_slice %gather3A {offsets = [9], sizes = [1], strides = [1]} : vector<16xi32> to vector<1xi32>
      %squeeze3A_173 = vector.extract %slice3A_172[0] : i32 from vector<1xi32>
      %shift_right_arithmetic3A_174 = arith.constant 7 : i32
      %shift_right_arithmetic3A_175 = arith.shrsi %squeeze3A_173, %shift_right_arithmetic3A_174 : i32
      %shift_left3A_176 = arith.constant 7 : i32
      %shift_left3A_177 = arith.shli %shift_right_arithmetic3A_175, %shift_left3A_176 : i32
      %multiple_of3A_178 = tpu.assume_multiple %shift_left3A_177, 128 : i32
      %dma_start3A_179 = arith.constant 0 : i32
      %dma_start3A_180 = tpu.memref_slice %arg3[%dma_start3A_179, %multiple_of3A_178] : memref<64x1000000xf32, #tpu.memory_space<hbm>> -> memref<64x128xf32, #tpu.memory_space<hbm>>
      %dma_start3A_181 = arith.constant 0 : i32
      %dma_start3A_182 = tpu.memref_slice %arg3[%dma_start3A_181, %multiple_of3A_178] : memref<64x1000000xf32, #tpu.memory_space<hbm>> -> memref<64x128xf32, #tpu.memory_space<hbm>>
      tpu.enqueue_dma source(%dma_start3A_182 : memref<64x128xf32, #tpu.memory_space<hbm>>) target(%arg10 : memref<64x128xf32, #tpu.memory_space<vmem>>) target_semaphore(%arg19 : memref<!tpu.dma_semaphore, #tpu.memory_space<semaphore_mem>>)
      %dma_wait3A_183 = arith.constant 0 : i32
      %dma_wait3A_184 = tpu.memref_slice %arg3[%dma_wait3A_183, %multiple_of3A_67] : memref<64x1000000xf32, #tpu.memory_space<hbm>> -> memref<64x128xf32, #tpu.memory_space<hbm>>
      %dma_wait3A_185 = arith.constant 0 : i32
      %dma_wait3A_186 = tpu.memref_slice %arg3[%dma_wait3A_185, %multiple_of3A_67] : memref<64x1000000xf32, #tpu.memory_space<hbm>> -> memref<64x128xf32, #tpu.memory_space<hbm>>
      tpu.wait_dma2 semaphore(%arg20 : memref<!tpu.dma_semaphore, #tpu.memory_space<semaphore_mem>>) src(%dma_wait3A_186 : memref<64x128xf32, #tpu.memory_space<hbm>>) dst(%arg11 : memref<64x128xf32, #tpu.memory_space<vmem>>)
      %slice3A_187 = vector.extract_strided_slice %and3A_40 {offsets = [2], sizes = [1], strides = [1]} : vector<16xi32> to vector<1xi32>
      %squeeze3A_188 = vector.extract %slice3A_187[0] : i32 from vector<1xi32>
      %mul3A_189 = arith.constant 32 : i32
      %mul3A_190 = arith.muli %add3A_25, %mul3A_189 : i32
      %add3A_191 = arith.constant 10 : i32
      %add3A_192 = arith.addi %mul3A_190, %add3A_191 : i32
      %sub3A_193 = arith.constant 8 : i32
      %sub3A_194 = arith.subi %add3A_192, %sub3A_193 : i32
      %broadcast_in_dim3A_195 = vector.broadcast %squeeze3A_188 : i32 to vector<16xi32>
      %broadcast_in_dim3A_196 = vector.broadcast %sub3A_194 : i32 to vector<16xi32>
      %gather3A_197 = tpu.vector_load_idx %arg11[%add3A_6, %broadcast_in_dim3A_195] : memref<64x128xf32, #tpu.memory_space<vmem>>[vector<16xi32>, vector<16xi32>], vector<16xf32>,
      tpu.vector_store_idx %arg8[%add3A_6, %broadcast_in_dim3A_196], %gather3A_197 : memref<64x512xf32, #tpu.memory_space<vmem>>[vector<16xi32>, vector<16xi32>], vector<16xf32>,
      %gather3A_198 = tpu.vector_load_idx %arg11[%add3A_9, %broadcast_in_dim3A_195] : memref<64x128xf32, #tpu.memory_space<vmem>>[vector<16xi32>, vector<16xi32>], vector<16xf32>,
      tpu.vector_store_idx %arg8[%add3A_9, %broadcast_in_dim3A_196], %gather3A_198 : memref<64x512xf32, #tpu.memory_space<vmem>>[vector<16xi32>, vector<16xi32>], vector<16xf32>,
      %gather3A_199 = tpu.vector_load_idx %arg11[%add3A_12, %broadcast_in_dim3A_195] : memref<64x128xf32, #tpu.memory_space<vmem>>[vector<16xi32>, vector<16xi32>], vector<16xf32>,
      tpu.vector_store_idx %arg8[%add3A_12, %broadcast_in_dim3A_196], %gather3A_199 : memref<64x512xf32, #tpu.memory_space<vmem>>[vector<16xi32>, vector<16xi32>], vector<16xf32>,
      %gather3A_200 = tpu.vector_load_idx %arg11[%add3A_15, %broadcast_in_dim3A_195] : memref<64x128xf32, #tpu.memory_space<vmem>>[vector<16xi32>, vector<16xi32>], vector<16xf32>,
      tpu.vector_store_idx %arg8[%add3A_15, %broadcast_in_dim3A_196], %gather3A_200 : memref<64x512xf32, #tpu.memory_space<vmem>>[vector<16xi32>, vector<16xi32>], vector<16xf32>,
      %slice3A_201 = vector.extract_strided_slice %gather3A {offsets = [10], sizes = [1], strides = [1]} : vector<16xi32> to vector<1xi32>
      %squeeze3A_202 = vector.extract %slice3A_201[0] : i32 from vector<1xi32>
      %shift_right_arithmetic3A_203 = arith.constant 7 : i32
      %shift_right_arithmetic3A_204 = arith.shrsi %squeeze3A_202, %shift_right_arithmetic3A_203 : i32
      %shift_left3A_205 = arith.constant 7 : i32
      %shift_left3A_206 = arith.shli %shift_right_arithmetic3A_204, %shift_left3A_205 : i32
      %multiple_of3A_207 = tpu.assume_multiple %shift_left3A_206, 128 : i32
      %dma_start3A_208 = arith.constant 0 : i32
      %dma_start3A_209 = tpu.memref_slice %arg3[%dma_start3A_208, %multiple_of3A_207] : memref<64x1000000xf32, #tpu.memory_space<hbm>> -> memref<64x128xf32, #tpu.memory_space<hbm>>
      %dma_start3A_210 = arith.constant 0 : i32
      %dma_start3A_211 = tpu.memref_slice %arg3[%dma_start3A_210, %multiple_of3A_207] : memref<64x1000000xf32, #tpu.memory_space<hbm>> -> memref<64x128xf32, #tpu.memory_space<hbm>>
      tpu.enqueue_dma source(%dma_start3A_211 : memref<64x128xf32, #tpu.memory_space<hbm>>) target(%arg11 : memref<64x128xf32, #tpu.memory_space<vmem>>) target_semaphore(%arg20 : memref<!tpu.dma_semaphore, #tpu.memory_space<semaphore_mem>>)
      %dma_wait3A_212 = arith.constant 0 : i32
      %dma_wait3A_213 = tpu.memref_slice %arg3[%dma_wait3A_212, %multiple_of3A_78] : memref<64x1000000xf32, #tpu.memory_space<hbm>> -> memref<64x128xf32, #tpu.memory_space<hbm>>
      %dma_wait3A_214 = arith.constant 0 : i32
      %dma_wait3A_215 = tpu.memref_slice %arg3[%dma_wait3A_214, %multiple_of3A_78] : memref<64x1000000xf32, #tpu.memory_space<hbm>> -> memref<64x128xf32, #tpu.memory_space<hbm>>
      tpu.wait_dma2 semaphore(%arg21 : memref<!tpu.dma_semaphore, #tpu.memory_space<semaphore_mem>>) src(%dma_wait3A_215 : memref<64x128xf32, #tpu.memory_space<hbm>>) dst(%arg12 : memref<64x128xf32, #tpu.memory_space<vmem>>)
      %slice3A_216 = vector.extract_strided_slice %and3A_40 {offsets = [3], sizes = [1], strides = [1]} : vector<16xi32> to vector<1xi32>
      %squeeze3A_217 = vector.extract %slice3A_216[0] : i32 from vector<1xi32>
      %mul3A_218 = arith.constant 32 : i32
      %mul3A_219 = arith.muli %add3A_25, %mul3A_218 : i32
      %add3A_220 = arith.constant 11 : i32
      %add3A_221 = arith.addi %mul3A_219, %add3A_220 : i32
      %sub3A_222 = arith.constant 8 : i32
      %sub3A_223 = arith.subi %add3A_221, %sub3A_222 : i32
      %broadcast_in_dim3A_224 = vector.broadcast %squeeze3A_217 : i32 to vector<16xi32>
      %broadcast_in_dim3A_225 = vector.broadcast %sub3A_223 : i32 to vector<16xi32>
      %gather3A_226 = tpu.vector_load_idx %arg12[%add3A_6, %broadcast_in_dim3A_224] : memref<64x128xf32, #tpu.memory_space<vmem>>[vector<16xi32>, vector<16xi32>], vector<16xf32>,
      tpu.vector_store_idx %arg8[%add3A_6, %broadcast_in_dim3A_225], %gather3A_226 : memref<64x512xf32, #tpu.memory_space<vmem>>[vector<16xi32>, vector<16xi32>], vector<16xf32>,
      %gather3A_227 = tpu.vector_load_idx %arg12[%add3A_9, %broadcast_in_dim3A_224] : memref<64x128xf32, #tpu.memory_space<vmem>>[vector<16xi32>, vector<16xi32>], vector<16xf32>,
      tpu.vector_store_idx %arg8[%add3A_9, %broadcast_in_dim3A_225], %gather3A_227 : memref<64x512xf32, #tpu.memory_space<vmem>>[vector<16xi32>, vector<16xi32>], vector<16xf32>,
      %gather3A_228 = tpu.vector_load_idx %arg12[%add3A_12, %broadcast_in_dim3A_224] : memref<64x128xf32, #tpu.memory_space<vmem>>[vector<16xi32>, vector<16xi32>], vector<16xf32>,
      tpu.vector_store_idx %arg8[%add3A_12, %broadcast_in_dim3A_225], %gather3A_228 : memref<64x512xf32, #tpu.memory_space<vmem>>[vector<16xi32>, vector<16xi32>], vector<16xf32>,
      %gather3A_229 = tpu.vector_load_idx %arg12[%add3A_15, %broadcast_in_dim3A_224] : memref<64x128xf32, #tpu.memory_space<vmem>>[vector<16xi32>, vector<16xi32>], vector<16xf32>,
      tpu.vector_store_idx %arg8[%add3A_15, %broadcast_in_dim3A_225], %gather3A_229 : memref<64x512xf32, #tpu.memory_space<vmem>>[vector<16xi32>, vector<16xi32>], vector<16xf32>,
      %slice3A_230 = vector.extract_strided_slice %gather3A {offsets = [11], sizes = [1], strides = [1]} : vector<16xi32> to vector<1xi32>
      %squeeze3A_231 = vector.extract %slice3A_230[0] : i32 from vector<1xi32>
      %shift_right_arithmetic3A_232 = arith.constant 7 : i32
      %shift_right_arithmetic3A_233 = arith.shrsi %squeeze3A_231, %shift_right_arithmetic3A_232 : i32
      %shift_left3A_234 = arith.constant 7 : i32
      %shift_left3A_235 = arith.shli %shift_right_arithmetic3A_233, %shift_left3A_234 : i32
      %multiple_of3A_236 = tpu.assume_multiple %shift_left3A_235, 128 : i32
      %dma_start3A_237 = arith.constant 0 : i32
      %dma_start3A_238 = tpu.memref_slice %arg3[%dma_start3A_237, %multiple_of3A_236] : memref<64x1000000xf32, #tpu.memory_space<hbm>> -> memref<64x128xf32, #tpu.memory_space<hbm>>
      %dma_start3A_239 = arith.constant 0 : i32
      %dma_start3A_240 = tpu.memref_slice %arg3[%dma_start3A_239, %multiple_of3A_236] : memref<64x1000000xf32, #tpu.memory_space<hbm>> -> memref<64x128xf32, #tpu.memory_space<hbm>>
      tpu.enqueue_dma source(%dma_start3A_240 : memref<64x128xf32, #tpu.memory_space<hbm>>) target(%arg12 : memref<64x128xf32, #tpu.memory_space<vmem>>) target_semaphore(%arg21 : memref<!tpu.dma_semaphore, #tpu.memory_space<semaphore_mem>>)
      %dma_wait3A_241 = arith.constant 0 : i32
      %dma_wait3A_242 = tpu.memref_slice %arg3[%dma_wait3A_241, %multiple_of3A_89] : memref<64x1000000xf32, #tpu.memory_space<hbm>> -> memref<64x128xf32, #tpu.memory_space<hbm>>
      %dma_wait3A_243 = arith.constant 0 : i32
      %dma_wait3A_244 = tpu.memref_slice %arg3[%dma_wait3A_243, %multiple_of3A_89] : memref<64x1000000xf32, #tpu.memory_space<hbm>> -> memref<64x128xf32, #tpu.memory_space<hbm>>
      tpu.wait_dma2 semaphore(%arg22 : memref<!tpu.dma_semaphore, #tpu.memory_space<semaphore_mem>>) src(%dma_wait3A_244 : memref<64x128xf32, #tpu.memory_space<hbm>>) dst(%arg13 : memref<64x128xf32, #tpu.memory_space<vmem>>)
      %slice3A_245 = vector.extract_strided_slice %and3A_40 {offsets = [4], sizes = [1], strides = [1]} : vector<16xi32> to vector<1xi32>
      %squeeze3A_246 = vector.extract %slice3A_245[0] : i32 from vector<1xi32>
      %mul3A_247 = arith.constant 32 : i32
      %mul3A_248 = arith.muli %add3A_25, %mul3A_247 : i32
      %add3A_249 = arith.constant 12 : i32
      %add3A_250 = arith.addi %mul3A_248, %add3A_249 : i32
      %sub3A_251 = arith.constant 8 : i32
      %sub3A_252 = arith.subi %add3A_250, %sub3A_251 : i32
      %broadcast_in_dim3A_253 = vector.broadcast %squeeze3A_246 : i32 to vector<16xi32>
      %broadcast_in_dim3A_254 = vector.broadcast %sub3A_252 : i32 to vector<16xi32>
      %gather3A_255 = tpu.vector_load_idx %arg13[%add3A_6, %broadcast_in_dim3A_253] : memref<64x128xf32, #tpu.memory_space<vmem>>[vector<16xi32>, vector<16xi32>], vector<16xf32>,
      tpu.vector_store_idx %arg8[%add3A_6, %broadcast_in_dim3A_254], %gather3A_255 : memref<64x512xf32, #tpu.memory_space<vmem>>[vector<16xi32>, vector<16xi32>], vector<16xf32>,
      %gather3A_256 = tpu.vector_load_idx %arg13[%add3A_9, %broadcast_in_dim3A_253] : memref<64x128xf32, #tpu.memory_space<vmem>>[vector<16xi32>, vector<16xi32>], vector<16xf32>,
      tpu.vector_store_idx %arg8[%add3A_9, %broadcast_in_dim3A_254], %gather3A_256 : memref<64x512xf32, #tpu.memory_space<vmem>>[vector<16xi32>, vector<16xi32>], vector<16xf32>,
      %gather3A_257 = tpu.vector_load_idx %arg13[%add3A_12, %broadcast_in_dim3A_253] : memref<64x128xf32, #tpu.memory_space<vmem>>[vector<16xi32>, vector<16xi32>], vector<16xf32>,
      tpu.vector_store_idx %arg8[%add3A_12, %broadcast_in_dim3A_254], %gather3A_257 : memref<64x512xf32, #tpu.memory_space<vmem>>[vector<16xi32>, vector<16xi32>], vector<16xf32>,
      %gather3A_258 = tpu.vector_load_idx %arg13[%add3A_15, %broadcast_in_dim3A_253] : memref<64x128xf32, #tpu.memory_space<vmem>>[vector<16xi32>, vector<16xi32>], vector<16xf32>,
      tpu.vector_store_idx %arg8[%add3A_15, %broadcast_in_dim3A_254], %gather3A_258 : memref<64x512xf32, #tpu.memory_space<vmem>>[vector<16xi32>, vector<16xi32>], vector<16xf32>,
      %slice3A_259 = vector.extract_strided_slice %gather3A {offsets = [12], sizes = [1], strides = [1]} : vector<16xi32> to vector<1xi32>
      %squeeze3A_260 = vector.extract %slice3A_259[0] : i32 from vector<1xi32>
      %shift_right_arithmetic3A_261 = arith.constant 7 : i32
      %shift_right_arithmetic3A_262 = arith.shrsi %squeeze3A_260, %shift_right_arithmetic3A_261 : i32
      %shift_left3A_263 = arith.constant 7 : i32
      %shift_left3A_264 = arith.shli %shift_right_arithmetic3A_262, %shift_left3A_263 : i32
      %multiple_of3A_265 = tpu.assume_multiple %shift_left3A_264, 128 : i32
      %dma_start3A_266 = arith.constant 0 : i32
      %dma_start3A_267 = tpu.memref_slice %arg3[%dma_start3A_266, %multiple_of3A_265] : memref<64x1000000xf32, #tpu.memory_space<hbm>> -> memref<64x128xf32, #tpu.memory_space<hbm>>
      %dma_start3A_268 = arith.constant 0 : i32
      %dma_start3A_269 = tpu.memref_slice %arg3[%dma_start3A_268, %multiple_of3A_265] : memref<64x1000000xf32, #tpu.memory_space<hbm>> -> memref<64x128xf32, #tpu.memory_space<hbm>>
      tpu.enqueue_dma source(%dma_start3A_269 : memref<64x128xf32, #tpu.memory_space<hbm>>) target(%arg13 : memref<64x128xf32, #tpu.memory_space<vmem>>) target_semaphore(%arg22 : memref<!tpu.dma_semaphore, #tpu.memory_space<semaphore_mem>>)
      %dma_wait3A_270 = arith.constant 0 : i32
      %dma_wait3A_271 = tpu.memref_slice %arg3[%dma_wait3A_270, %multiple_of3A_100] : memref<64x1000000xf32, #tpu.memory_space<hbm>> -> memref<64x128xf32, #tpu.memory_space<hbm>>
      %dma_wait3A_272 = arith.constant 0 : i32
      %dma_wait3A_273 = tpu.memref_slice %arg3[%dma_wait3A_272, %multiple_of3A_100] : memref<64x1000000xf32, #tpu.memory_space<hbm>> -> memref<64x128xf32, #tpu.memory_space<hbm>>
      tpu.wait_dma2 semaphore(%arg23 : memref<!tpu.dma_semaphore, #tpu.memory_space<semaphore_mem>>) src(%dma_wait3A_273 : memref<64x128xf32, #tpu.memory_space<hbm>>) dst(%arg14 : memref<64x128xf32, #tpu.memory_space<vmem>>)
      %slice3A_274 = vector.extract_strided_slice %and3A_40 {offsets = [5], sizes = [1], strides = [1]} : vector<16xi32> to vector<1xi32>
      %squeeze3A_275 = vector.extract %slice3A_274[0] : i32 from vector<1xi32>
      %mul3A_276 = arith.constant 32 : i32
      %mul3A_277 = arith.muli %add3A_25, %mul3A_276 : i32
      %add3A_278 = arith.constant 13 : i32
      %add3A_279 = arith.addi %mul3A_277, %add3A_278 : i32
      %sub3A_280 = arith.constant 8 : i32
      %sub3A_281 = arith.subi %add3A_279, %sub3A_280 : i32
      %broadcast_in_dim3A_282 = vector.broadcast %squeeze3A_275 : i32 to vector<16xi32>
      %broadcast_in_dim3A_283 = vector.broadcast %sub3A_281 : i32 to vector<16xi32>
      %gather3A_284 = tpu.vector_load_idx %arg14[%add3A_6, %broadcast_in_dim3A_282] : memref<64x128xf32, #tpu.memory_space<vmem>>[vector<16xi32>, vector<16xi32>], vector<16xf32>,
      tpu.vector_store_idx %arg8[%add3A_6, %broadcast_in_dim3A_283], %gather3A_284 : memref<64x512xf32, #tpu.memory_space<vmem>>[vector<16xi32>, vector<16xi32>], vector<16xf32>,
      %gather3A_285 = tpu.vector_load_idx %arg14[%add3A_9, %broadcast_in_dim3A_282] : memref<64x128xf32, #tpu.memory_space<vmem>>[vector<16xi32>, vector<16xi32>], vector<16xf32>,
      tpu.vector_store_idx %arg8[%add3A_9, %broadcast_in_dim3A_283], %gather3A_285 : memref<64x512xf32, #tpu.memory_space<vmem>>[vector<16xi32>, vector<16xi32>], vector<16xf32>,
      %gather3A_286 = tpu.vector_load_idx %arg14[%add3A_12, %broadcast_in_dim3A_282] : memref<64x128xf32, #tpu.memory_space<vmem>>[vector<16xi32>, vector<16xi32>], vector<16xf32>,
      tpu.vector_store_idx %arg8[%add3A_12, %broadcast_in_dim3A_283], %gather3A_286 : memref<64x512xf32, #tpu.memory_space<vmem>>[vector<16xi32>, vector<16xi32>], vector<16xf32>,
      %gather3A_287 = tpu.vector_load_idx %arg14[%add3A_15, %broadcast_in_dim3A_282] : memref<64x128xf32, #tpu.memory_space<vmem>>[vector<16xi32>, vector<16xi32>], vector<16xf32>,
      tpu.vector_store_idx %arg8[%add3A_15, %broadcast_in_dim3A_283], %gather3A_287 : memref<64x512xf32, #tpu.memory_space<vmem>>[vector<16xi32>, vector<16xi32>], vector<16xf32>,
      %slice3A_288 = vector.extract_strided_slice %gather3A {offsets = [13], sizes = [1], strides = [1]} : vector<16xi32> to vector<1xi32>
      %squeeze3A_289 = vector.extract %slice3A_288[0] : i32 from vector<1xi32>
      %shift_right_arithmetic3A_290 = arith.constant 7 : i32
      %shift_right_arithmetic3A_291 = arith.shrsi %squeeze3A_289, %shift_right_arithmetic3A_290 : i32
      %shift_left3A_292 = arith.constant 7 : i32
      %shift_left3A_293 = arith.shli %shift_right_arithmetic3A_291, %shift_left3A_292 : i32
      %multiple_of3A_294 = tpu.assume_multiple %shift_left3A_293, 128 : i32
      %dma_start3A_295 = arith.constant 0 : i32
      %dma_start3A_296 = tpu.memref_slice %arg3[%dma_start3A_295, %multiple_of3A_294] : memref<64x1000000xf32, #tpu.memory_space<hbm>> -> memref<64x128xf32, #tpu.memory_space<hbm>>
      %dma_start3A_297 = arith.constant 0 : i32
      %dma_start3A_298 = tpu.memref_slice %arg3[%dma_start3A_297, %multiple_of3A_294] : memref<64x1000000xf32, #tpu.memory_space<hbm>> -> memref<64x128xf32, #tpu.memory_space<hbm>>
      tpu.enqueue_dma source(%dma_start3A_298 : memref<64x128xf32, #tpu.memory_space<hbm>>) target(%arg14 : memref<64x128xf32, #tpu.memory_space<vmem>>) target_semaphore(%arg23 : memref<!tpu.dma_semaphore, #tpu.memory_space<semaphore_mem>>)
      %dma_wait3A_299 = arith.constant 0 : i32
      %dma_wait3A_300 = tpu.memref_slice %arg3[%dma_wait3A_299, %multiple_of3A_111] : memref<64x1000000xf32, #tpu.memory_space<hbm>> -> memref<64x128xf32, #tpu.memory_space<hbm>>
      %dma_wait3A_301 = arith.constant 0 : i32
      %dma_wait3A_302 = tpu.memref_slice %arg3[%dma_wait3A_301, %multiple_of3A_111] : memref<64x1000000xf32, #tpu.memory_space<hbm>> -> memref<64x128xf32, #tpu.memory_space<hbm>>
      tpu.wait_dma2 semaphore(%arg24 : memref<!tpu.dma_semaphore, #tpu.memory_space<semaphore_mem>>) src(%dma_wait3A_302 : memref<64x128xf32, #tpu.memory_space<hbm>>) dst(%arg15 : memref<64x128xf32, #tpu.memory_space<vmem>>)
      %slice3A_303 = vector.extract_strided_slice %and3A_40 {offsets = [6], sizes = [1], strides = [1]} : vector<16xi32> to vector<1xi32>
      %squeeze3A_304 = vector.extract %slice3A_303[0] : i32 from vector<1xi32>
      %mul3A_305 = arith.constant 32 : i32
      %mul3A_306 = arith.muli %add3A_25, %mul3A_305 : i32
      %add3A_307 = arith.constant 14 : i32
      %add3A_308 = arith.addi %mul3A_306, %add3A_307 : i32
      %sub3A_309 = arith.constant 8 : i32
      %sub3A_310 = arith.subi %add3A_308, %sub3A_309 : i32
      %broadcast_in_dim3A_311 = vector.broadcast %squeeze3A_304 : i32 to vector<16xi32>
      %broadcast_in_dim3A_312 = vector.broadcast %sub3A_310 : i32 to vector<16xi32>
      %gather3A_313 = tpu.vector_load_idx %arg15[%add3A_6, %broadcast_in_dim3A_311] : memref<64x128xf32, #tpu.memory_space<vmem>>[vector<16xi32>, vector<16xi32>], vector<16xf32>,
      tpu.vector_store_idx %arg8[%add3A_6, %broadcast_in_dim3A_312], %gather3A_313 : memref<64x512xf32, #tpu.memory_space<vmem>>[vector<16xi32>, vector<16xi32>], vector<16xf32>,
      %gather3A_314 = tpu.vector_load_idx %arg15[%add3A_9, %broadcast_in_dim3A_311] : memref<64x128xf32, #tpu.memory_space<vmem>>[vector<16xi32>, vector<16xi32>], vector<16xf32>,
      tpu.vector_store_idx %arg8[%add3A_9, %broadcast_in_dim3A_312], %gather3A_314 : memref<64x512xf32, #tpu.memory_space<vmem>>[vector<16xi32>, vector<16xi32>], vector<16xf32>,
      %gather3A_315 = tpu.vector_load_idx %arg15[%add3A_12, %broadcast_in_dim3A_311] : memref<64x128xf32, #tpu.memory_space<vmem>>[vector<16xi32>, vector<16xi32>], vector<16xf32>,
      tpu.vector_store_idx %arg8[%add3A_12, %broadcast_in_dim3A_312], %gather3A_315 : memref<64x512xf32, #tpu.memory_space<vmem>>[vector<16xi32>, vector<16xi32>], vector<16xf32>,
      %gather3A_316 = tpu.vector_load_idx %arg15[%add3A_15, %broadcast_in_dim3A_311] : memref<64x128xf32, #tpu.memory_space<vmem>>[vector<16xi32>, vector<16xi32>], vector<16xf32>,
      tpu.vector_store_idx %arg8[%add3A_15, %broadcast_in_dim3A_312], %gather3A_316 : memref<64x512xf32, #tpu.memory_space<vmem>>[vector<16xi32>, vector<16xi32>], vector<16xf32>,
      %slice3A_317 = vector.extract_strided_slice %gather3A {offsets = [14], sizes = [1], strides = [1]} : vector<16xi32> to vector<1xi32>
      %squeeze3A_318 = vector.extract %slice3A_317[0] : i32 from vector<1xi32>
      %shift_right_arithmetic3A_319 = arith.constant 7 : i32
      %shift_right_arithmetic3A_320 = arith.shrsi %squeeze3A_318, %shift_right_arithmetic3A_319 : i32
      %shift_left3A_321 = arith.constant 7 : i32
      %shift_left3A_322 = arith.shli %shift_right_arithmetic3A_320, %shift_left3A_321 : i32
      %multiple_of3A_323 = tpu.assume_multiple %shift_left3A_322, 128 : i32
      %dma_start3A_324 = arith.constant 0 : i32
      %dma_start3A_325 = tpu.memref_slice %arg3[%dma_start3A_324, %multiple_of3A_323] : memref<64x1000000xf32, #tpu.memory_space<hbm>> -> memref<64x128xf32, #tpu.memory_space<hbm>>
      %dma_start3A_326 = arith.constant 0 : i32
      %dma_start3A_327 = tpu.memref_slice %arg3[%dma_start3A_326, %multiple_of3A_323] : memref<64x1000000xf32, #tpu.memory_space<hbm>> -> memref<64x128xf32, #tpu.memory_space<hbm>>
      tpu.enqueue_dma source(%dma_start3A_327 : memref<64x128xf32, #tpu.memory_space<hbm>>) target(%arg15 : memref<64x128xf32, #tpu.memory_space<vmem>>) target_semaphore(%arg24 : memref<!tpu.dma_semaphore, #tpu.memory_space<semaphore_mem>>)
      %dma_wait3A_328 = arith.constant 0 : i32
      %dma_wait3A_329 = tpu.memref_slice %arg3[%dma_wait3A_328, %multiple_of3A_122] : memref<64x1000000xf32, #tpu.memory_space<hbm>> -> memref<64x128xf32, #tpu.memory_space<hbm>>
      %dma_wait3A_330 = arith.constant 0 : i32
      %dma_wait3A_331 = tpu.memref_slice %arg3[%dma_wait3A_330, %multiple_of3A_122] : memref<64x1000000xf32, #tpu.memory_space<hbm>> -> memref<64x128xf32, #tpu.memory_space<hbm>>
      tpu.wait_dma2 semaphore(%arg25 : memref<!tpu.dma_semaphore, #tpu.memory_space<semaphore_mem>>) src(%dma_wait3A_331 : memref<64x128xf32, #tpu.memory_space<hbm>>) dst(%arg16 : memref<64x128xf32, #tpu.memory_space<vmem>>)
      %slice3A_332 = vector.extract_strided_slice %and3A_40 {offsets = [7], sizes = [1], strides = [1]} : vector<16xi32> to vector<1xi32>
      %squeeze3A_333 = vector.extract %slice3A_332[0] : i32 from vector<1xi32>
      %mul3A_334 = arith.constant 32 : i32
      %mul3A_335 = arith.muli %add3A_25, %mul3A_334 : i32
      %add3A_336 = arith.constant 15 : i32
      %add3A_337 = arith.addi %mul3A_335, %add3A_336 : i32
      %sub3A_338 = arith.constant 8 : i32
      %sub3A_339 = arith.subi %add3A_337, %sub3A_338 : i32
      %broadcast_in_dim3A_340 = vector.broadcast %squeeze3A_333 : i32 to vector<16xi32>
      %broadcast_in_dim3A_341 = vector.broadcast %sub3A_339 : i32 to vector<16xi32>
      %gather3A_342 = tpu.vector_load_idx %arg16[%add3A_6, %broadcast_in_dim3A_340] : memref<64x128xf32, #tpu.memory_space<vmem>>[vector<16xi32>, vector<16xi32>], vector<16xf32>,
      tpu.vector_store_idx %arg8[%add3A_6, %broadcast_in_dim3A_341], %gather3A_342 : memref<64x512xf32, #tpu.memory_space<vmem>>[vector<16xi32>, vector<16xi32>], vector<16xf32>,
      %gather3A_343 = tpu.vector_load_idx %arg16[%add3A_9, %broadcast_in_dim3A_340] : memref<64x128xf32, #tpu.memory_space<vmem>>[vector<16xi32>, vector<16xi32>], vector<16xf32>,
      tpu.vector_store_idx %arg8[%add3A_9, %broadcast_in_dim3A_341], %gather3A_343 : memref<64x512xf32, #tpu.memory_space<vmem>>[vector<16xi32>, vector<16xi32>], vector<16xf32>,
      %gather3A_344 = tpu.vector_load_idx %arg16[%add3A_12, %broadcast_in_dim3A_340] : memref<64x128xf32, #tpu.memory_space<vmem>>[vector<16xi32>, vector<16xi32>], vector<16xf32>,
      tpu.vector_store_idx %arg8[%add3A_12, %broadcast_in_dim3A_341], %gather3A_344 : memref<64x512xf32, #tpu.memory_space<vmem>>[vector<16xi32>, vector<16xi32>], vector<16xf32>,
      %gather3A_345 = tpu.vector_load_idx %arg16[%add3A_15, %broadcast_in_dim3A_340] : memref<64x128xf32, #tpu.memory_space<vmem>>[vector<16xi32>, vector<16xi32>], vector<16xf32>,
      tpu.vector_store_idx %arg8[%add3A_15, %broadcast_in_dim3A_341], %gather3A_345 : memref<64x512xf32, #tpu.memory_space<vmem>>[vector<16xi32>, vector<16xi32>], vector<16xf32>,
      %slice3A_346 = vector.extract_strided_slice %gather3A {offsets = [15], sizes = [1], strides = [1]} : vector<16xi32> to vector<1xi32>
      %squeeze3A_347 = vector.extract %slice3A_346[0] : i32 from vector<1xi32>
      %shift_right_arithmetic3A_348 = arith.constant 7 : i32
      %shift_right_arithmetic3A_349 = arith.shrsi %squeeze3A_347, %shift_right_arithmetic3A_348 : i32
      %shift_left3A_350 = arith.constant 7 : i32
      %shift_left3A_351 = arith.shli %shift_right_arithmetic3A_349, %shift_left3A_350 : i32
      %multiple_of3A_352 = tpu.assume_multiple %shift_left3A_351, 128 : i32
      %dma_start3A_353 = arith.constant 0 : i32
      %dma_start3A_354 = tpu.memref_slice %arg3[%dma_start3A_353, %multiple_of3A_352] : memref<64x1000000xf32, #tpu.memory_space<hbm>> -> memref<64x128xf32, #tpu.memory_space<hbm>>
      %dma_start3A_355 = arith.constant 0 : i32
      %dma_start3A_356 = tpu.memref_slice %arg3[%dma_start3A_355, %multiple_of3A_352] : memref<64x1000000xf32, #tpu.memory_space<hbm>> -> memref<64x128xf32, #tpu.memory_space<hbm>>
      tpu.enqueue_dma source(%dma_start3A_356 : memref<64x128xf32, #tpu.memory_space<hbm>>) target(%arg16 : memref<64x128xf32, #tpu.memory_space<vmem>>) target_semaphore(%arg25 : memref<!tpu.dma_semaphore, #tpu.memory_space<semaphore_mem>>)
      %dma_wait3A_357 = arith.constant 0 : i32
      %dma_wait3A_358 = tpu.memref_slice %arg3[%dma_wait3A_357, %multiple_of3A_149] : memref<64x1000000xf32, #tpu.memory_space<hbm>> -> memref<64x128xf32, #tpu.memory_space<hbm>>
      %dma_wait3A_359 = arith.constant 0 : i32
      %dma_wait3A_360 = tpu.memref_slice %arg3[%dma_wait3A_359, %multiple_of3A_149] : memref<64x1000000xf32, #tpu.memory_space<hbm>> -> memref<64x128xf32, #tpu.memory_space<hbm>>
      tpu.wait_dma2 semaphore(%arg18 : memref<!tpu.dma_semaphore, #tpu.memory_space<semaphore_mem>>) src(%dma_wait3A_360 : memref<64x128xf32, #tpu.memory_space<hbm>>) dst(%arg9 : memref<64x128xf32, #tpu.memory_space<vmem>>)
      %slice3A_361 = vector.extract_strided_slice %and3A_40 {offsets = [8], sizes = [1], strides = [1]} : vector<16xi32> to vector<1xi32>
      %squeeze3A_362 = vector.extract %slice3A_361[0] : i32 from vector<1xi32>
      %mul3A_363 = arith.constant 32 : i32
      %mul3A_364 = arith.muli %add3A_25, %mul3A_363 : i32
      %add3A_365 = arith.constant 16 : i32
      %add3A_366 = arith.addi %mul3A_364, %add3A_365 : i32
      %sub3A_367 = arith.constant 8 : i32
      %sub3A_368 = arith.subi %add3A_366, %sub3A_367 : i32
      %broadcast_in_dim3A_369 = vector.broadcast %squeeze3A_362 : i32 to vector<16xi32>
      %broadcast_in_dim3A_370 = vector.broadcast %sub3A_368 : i32 to vector<16xi32>
      %gather3A_371 = tpu.vector_load_idx %arg9[%add3A_6, %broadcast_in_dim3A_369] : memref<64x128xf32, #tpu.memory_space<vmem>>[vector<16xi32>, vector<16xi32>], vector<16xf32>,
      tpu.vector_store_idx %arg8[%add3A_6, %broadcast_in_dim3A_370], %gather3A_371 : memref<64x512xf32, #tpu.memory_space<vmem>>[vector<16xi32>, vector<16xi32>], vector<16xf32>,
      %gather3A_372 = tpu.vector_load_idx %arg9[%add3A_9, %broadcast_in_dim3A_369] : memref<64x128xf32, #tpu.memory_space<vmem>>[vector<16xi32>, vector<16xi32>], vector<16xf32>,
      tpu.vector_store_idx %arg8[%add3A_9, %broadcast_in_dim3A_370], %gather3A_372 : memref<64x512xf32, #tpu.memory_space<vmem>>[vector<16xi32>, vector<16xi32>], vector<16xf32>,
      %gather3A_373 = tpu.vector_load_idx %arg9[%add3A_12, %broadcast_in_dim3A_369] : memref<64x128xf32, #tpu.memory_space<vmem>>[vector<16xi32>, vector<16xi32>], vector<16xf32>,
      tpu.vector_store_idx %arg8[%add3A_12, %broadcast_in_dim3A_370], %gather3A_373 : memref<64x512xf32, #tpu.memory_space<vmem>>[vector<16xi32>, vector<16xi32>], vector<16xf32>,
      %gather3A_374 = tpu.vector_load_idx %arg9[%add3A_15, %broadcast_in_dim3A_369] : memref<64x128xf32, #tpu.memory_space<vmem>>[vector<16xi32>, vector<16xi32>], vector<16xf32>,
      tpu.vector_store_idx %arg8[%add3A_15, %broadcast_in_dim3A_370], %gather3A_374 : memref<64x512xf32, #tpu.memory_space<vmem>>[vector<16xi32>, vector<16xi32>], vector<16xf32>,
      %slice3A_375 = vector.extract_strided_slice %gather3A_38 {offsets = [0], sizes = [1], strides = [1]} : vector<16xi32> to vector<1xi32>
      %squeeze3A_376 = vector.extract %slice3A_375[0] : i32 from vector<1xi32>
      %shift_right_arithmetic3A_377 = arith.constant 7 : i32
      %shift_right_arithmetic3A_378 = arith.shrsi %squeeze3A_376, %shift_right_arithmetic3A_377 : i32
      %shift_left3A_379 = arith.constant 7 : i32
      %shift_left3A_380 = arith.shli %shift_right_arithmetic3A_378, %shift_left3A_379 : i32
      %multiple_of3A_381 = tpu.assume_multiple %shift_left3A_380, 128 : i32
      %dma_start3A_382 = arith.constant 0 : i32
      %dma_start3A_383 = tpu.memref_slice %arg3[%dma_start3A_382, %multiple_of3A_381] : memref<64x1000000xf32, #tpu.memory_space<hbm>> -> memref<64x128xf32, #tpu.memory_space<hbm>>
      %dma_start3A_384 = arith.constant 0 : i32
      %dma_start3A_385 = tpu.memref_slice %arg3[%dma_start3A_384, %multiple_of3A_381] : memref<64x1000000xf32, #tpu.memory_space<hbm>> -> memref<64x128xf32, #tpu.memory_space<hbm>>
      tpu.enqueue_dma source(%dma_start3A_385 : memref<64x128xf32, #tpu.memory_space<hbm>>) target(%arg9 : memref<64x128xf32, #tpu.memory_space<vmem>>) target_semaphore(%arg18 : memref<!tpu.dma_semaphore, #tpu.memory_space<semaphore_mem>>)
      %dma_wait3A_386 = arith.constant 0 : i32
      %dma_wait3A_387 = tpu.memref_slice %arg3[%dma_wait3A_386, %multiple_of3A_178] : memref<64x1000000xf32, #tpu.memory_space<hbm>> -> memref<64x128xf32, #tpu.memory_space<hbm>>
      %dma_wait3A_388 = arith.constant 0 : i32
      %dma_wait3A_389 = tpu.memref_slice %arg3[%dma_wait3A_388, %multiple_of3A_178] : memref<64x1000000xf32, #tpu.memory_space<hbm>> -> memref<64x128xf32, #tpu.memory_space<hbm>>
      tpu.wait_dma2 semaphore(%arg19 : memref<!tpu.dma_semaphore, #tpu.memory_space<semaphore_mem>>) src(%dma_wait3A_389 : memref<64x128xf32, #tpu.memory_space<hbm>>) dst(%arg10 : memref<64x128xf32, #tpu.memory_space<vmem>>)
      %slice3A_390 = vector.extract_strided_slice %and3A_40 {offsets = [9], sizes = [1], strides = [1]} : vector<16xi32> to vector<1xi32>
      %squeeze3A_391 = vector.extract %slice3A_390[0] : i32 from vector<1xi32>
      %mul3A_392 = arith.constant 32 : i32
      %mul3A_393 = arith.muli %add3A_25, %mul3A_392 : i32
      %add3A_394 = arith.constant 17 : i32
      %add3A_395 = arith.addi %mul3A_393, %add3A_394 : i32
      %sub3A_396 = arith.constant 8 : i32
      %sub3A_397 = arith.subi %add3A_395, %sub3A_396 : i32
      %broadcast_in_dim3A_398 = vector.broadcast %squeeze3A_391 : i32 to vector<16xi32>
      %broadcast_in_dim3A_399 = vector.broadcast %sub3A_397 : i32 to vector<16xi32>
      %gather3A_400 = tpu.vector_load_idx %arg10[%add3A_6, %broadcast_in_dim3A_398] : memref<64x128xf32, #tpu.memory_space<vmem>>[vector<16xi32>, vector<16xi32>], vector<16xf32>,
      tpu.vector_store_idx %arg8[%add3A_6, %broadcast_in_dim3A_399], %gather3A_400 : memref<64x512xf32, #tpu.memory_space<vmem>>[vector<16xi32>, vector<16xi32>], vector<16xf32>,
      %gather3A_401 = tpu.vector_load_idx %arg10[%add3A_9, %broadcast_in_dim3A_398] : memref<64x128xf32, #tpu.memory_space<vmem>>[vector<16xi32>, vector<16xi32>], vector<16xf32>,
      tpu.vector_store_idx %arg8[%add3A_9, %broadcast_in_dim3A_399], %gather3A_401 : memref<64x512xf32, #tpu.memory_space<vmem>>[vector<16xi32>, vector<16xi32>], vector<16xf32>,
      %gather3A_402 = tpu.vector_load_idx %arg10[%add3A_12, %broadcast_in_dim3A_398] : memref<64x128xf32, #tpu.memory_space<vmem>>[vector<16xi32>, vector<16xi32>], vector<16xf32>,
      tpu.vector_store_idx %arg8[%add3A_12, %broadcast_in_dim3A_399], %gather3A_402 : memref<64x512xf32, #tpu.memory_space<vmem>>[vector<16xi32>, vector<16xi32>], vector<16xf32>,
      %gather3A_403 = tpu.vector_load_idx %arg10[%add3A_15, %broadcast_in_dim3A_398] : memref<64x128xf32, #tpu.memory_space<vmem>>[vector<16xi32>, vector<16xi32>], vector<16xf32>,
      tpu.vector_store_idx %arg8[%add3A_15, %broadcast_in_dim3A_399], %gather3A_403 : memref<64x512xf32, #tpu.memory_space<vmem>>[vector<16xi32>, vector<16xi32>], vector<16xf32>,
      %slice3A_404 = vector.extract_strided_slice %gather3A_38 {offsets = [1], sizes = [1], strides = [1]} : vector<16xi32> to vector<1xi32>
      %squeeze3A_405 = vector.extract %slice3A_404[0] : i32 from vector<1xi32>
      %shift_right_arithmetic3A_406 = arith.constant 7 : i32
      %shift_right_arithmetic3A_407 = arith.shrsi %squeeze3A_405, %shift_right_arithmetic3A_406 : i32
      %shift_left3A_408 = arith.constant 7 : i32
      %shift_left3A_409 = arith.shli %shift_right_arithmetic3A_407, %shift_left3A_408 : i32
      %multiple_of3A_410 = tpu.assume_multiple %shift_left3A_409, 128 : i32
      %dma_start3A_411 = arith.constant 0 : i32
      %dma_start3A_412 = tpu.memref_slice %arg3[%dma_start3A_411, %multiple_of3A_410] : memref<64x1000000xf32, #tpu.memory_space<hbm>> -> memref<64x128xf32, #tpu.memory_space<hbm>>
      %dma_start3A_413 = arith.constant 0 : i32
      %dma_start3A_414 = tpu.memref_slice %arg3[%dma_start3A_413, %multiple_of3A_410] : memref<64x1000000xf32, #tpu.memory_space<hbm>> -> memref<64x128xf32, #tpu.memory_space<hbm>>
      tpu.enqueue_dma source(%dma_start3A_414 : memref<64x128xf32, #tpu.memory_space<hbm>>) target(%arg10 : memref<64x128xf32, #tpu.memory_space<vmem>>) target_semaphore(%arg19 : memref<!tpu.dma_semaphore, #tpu.memory_space<semaphore_mem>>)
      %dma_wait3A_415 = arith.constant 0 : i32
      %dma_wait3A_416 = tpu.memref_slice %arg3[%dma_wait3A_415, %multiple_of3A_207] : memref<64x1000000xf32, #tpu.memory_space<hbm>> -> memref<64x128xf32, #tpu.memory_space<hbm>>
      %dma_wait3A_417 = arith.constant 0 : i32
      %dma_wait3A_418 = tpu.memref_slice %arg3[%dma_wait3A_417, %multiple_of3A_207] : memref<64x1000000xf32, #tpu.memory_space<hbm>> -> memref<64x128xf32, #tpu.memory_space<hbm>>
      tpu.wait_dma2 semaphore(%arg20 : memref<!tpu.dma_semaphore, #tpu.memory_space<semaphore_mem>>) src(%dma_wait3A_418 : memref<64x128xf32, #tpu.memory_space<hbm>>) dst(%arg11 : memref<64x128xf32, #tpu.memory_space<vmem>>)
      %slice3A_419 = vector.extract_strided_slice %and3A_40 {offsets = [10], sizes = [1], strides = [1]} : vector<16xi32> to vector<1xi32>
      %squeeze3A_420 = vector.extract %slice3A_419[0] : i32 from vector<1xi32>
      %mul3A_421 = arith.constant 32 : i32
      %mul3A_422 = arith.muli %add3A_25, %mul3A_421 : i32
      %add3A_423 = arith.constant 18 : i32
      %add3A_424 = arith.addi %mul3A_422, %add3A_423 : i32
      %sub3A_425 = arith.constant 8 : i32
      %sub3A_426 = arith.subi %add3A_424, %sub3A_425 : i32
      %broadcast_in_dim3A_427 = vector.broadcast %squeeze3A_420 : i32 to vector<16xi32>
      %broadcast_in_dim3A_428 = vector.broadcast %sub3A_426 : i32 to vector<16xi32>
      %gather3A_429 = tpu.vector_load_idx %arg11[%add3A_6, %broadcast_in_dim3A_427] : memref<64x128xf32, #tpu.memory_space<vmem>>[vector<16xi32>, vector<16xi32>], vector<16xf32>,
      tpu.vector_store_idx %arg8[%add3A_6, %broadcast_in_dim3A_428], %gather3A_429 : memref<64x512xf32, #tpu.memory_space<vmem>>[vector<16xi32>, vector<16xi32>], vector<16xf32>,
      %gather3A_430 = tpu.vector_load_idx %arg11[%add3A_9, %broadcast_in_dim3A_427] : memref<64x128xf32, #tpu.memory_space<vmem>>[vector<16xi32>, vector<16xi32>], vector<16xf32>,
      tpu.vector_store_idx %arg8[%add3A_9, %broadcast_in_dim3A_428], %gather3A_430 : memref<64x512xf32, #tpu.memory_space<vmem>>[vector<16xi32>, vector<16xi32>], vector<16xf32>,
      %gather3A_431 = tpu.vector_load_idx %arg11[%add3A_12, %broadcast_in_dim3A_427] : memref<64x128xf32, #tpu.memory_space<vmem>>[vector<16xi32>, vector<16xi32>], vector<16xf32>,
      tpu.vector_store_idx %arg8[%add3A_12, %broadcast_in_dim3A_428], %gather3A_431 : memref<64x512xf32, #tpu.memory_space<vmem>>[vector<16xi32>, vector<16xi32>], vector<16xf32>,
      %gather3A_432 = tpu.vector_load_idx %arg11[%add3A_15, %broadcast_in_dim3A_427] : memref<64x128xf32, #tpu.memory_space<vmem>>[vector<16xi32>, vector<16xi32>], vector<16xf32>,
      tpu.vector_store_idx %arg8[%add3A_15, %broadcast_in_dim3A_428], %gather3A_432 : memref<64x512xf32, #tpu.memory_space<vmem>>[vector<16xi32>, vector<16xi32>], vector<16xf32>,
      %slice3A_433 = vector.extract_strided_slice %gather3A_38 {offsets = [2], sizes = [1], strides = [1]} : vector<16xi32> to vector<1xi32>
      %squeeze3A_434 = vector.extract %slice3A_433[0] : i32 from vector<1xi32>
      %shift_right_arithmetic3A_435 = arith.constant 7 : i32
      %shift_right_arithmetic3A_436 = arith.shrsi %squeeze3A_434, %shift_right_arithmetic3A_435 : i32
      %shift_left3A_437 = arith.constant 7 : i32
      %shift_left3A_438 = arith.shli %shift_right_arithmetic3A_436, %shift_left3A_437 : i32
      %multiple_of3A_439 = tpu.assume_multiple %shift_left3A_438, 128 : i32
      %dma_start3A_440 = arith.constant 0 : i32
      %dma_start3A_441 = tpu.memref_slice %arg3[%dma_start3A_440, %multiple_of3A_439] : memref<64x1000000xf32, #tpu.memory_space<hbm>> -> memref<64x128xf32, #tpu.memory_space<hbm>>
      %dma_start3A_442 = arith.constant 0 : i32
      %dma_start3A_443 = tpu.memref_slice %arg3[%dma_start3A_442, %multiple_of3A_439] : memref<64x1000000xf32, #tpu.memory_space<hbm>> -> memref<64x128xf32, #tpu.memory_space<hbm>>
      tpu.enqueue_dma source(%dma_start3A_443 : memref<64x128xf32, #tpu.memory_space<hbm>>) target(%arg11 : memref<64x128xf32, #tpu.memory_space<vmem>>) target_semaphore(%arg20 : memref<!tpu.dma_semaphore, #tpu.memory_space<semaphore_mem>>)
      %dma_wait3A_444 = arith.constant 0 : i32
      %dma_wait3A_445 = tpu.memref_slice %arg3[%dma_wait3A_444, %multiple_of3A_236] : memref<64x1000000xf32, #tpu.memory_space<hbm>> -> memref<64x128xf32, #tpu.memory_space<hbm>>
      %dma_wait3A_446 = arith.constant 0 : i32
      %dma_wait3A_447 = tpu.memref_slice %arg3[%dma_wait3A_446, %multiple_of3A_236] : memref<64x1000000xf32, #tpu.memory_space<hbm>> -> memref<64x128xf32, #tpu.memory_space<hbm>>
      tpu.wait_dma2 semaphore(%arg21 : memref<!tpu.dma_semaphore, #tpu.memory_space<semaphore_mem>>) src(%dma_wait3A_447 : memref<64x128xf32, #tpu.memory_space<hbm>>) dst(%arg12 : memref<64x128xf32, #tpu.memory_space<vmem>>)
      %slice3A_448 = vector.extract_strided_slice %and3A_40 {offsets = [11], sizes = [1], strides = [1]} : vector<16xi32> to vector<1xi32>
      %squeeze3A_449 = vector.extract %slice3A_448[0] : i32 from vector<1xi32>
      %mul3A_450 = arith.constant 32 : i32
      %mul3A_451 = arith.muli %add3A_25, %mul3A_450 : i32
      %add3A_452 = arith.constant 19 : i32
      %add3A_453 = arith.addi %mul3A_451, %add3A_452 : i32
      %sub3A_454 = arith.constant 8 : i32
      %sub3A_455 = arith.subi %add3A_453, %sub3A_454 : i32
      %broadcast_in_dim3A_456 = vector.broadcast %squeeze3A_449 : i32 to vector<16xi32>
      %broadcast_in_dim3A_457 = vector.broadcast %sub3A_455 : i32 to vector<16xi32>
      %gather3A_458 = tpu.vector_load_idx %arg12[%add3A_6, %broadcast_in_dim3A_456] : memref<64x128xf32, #tpu.memory_space<vmem>>[vector<16xi32>, vector<16xi32>], vector<16xf32>,
      tpu.vector_store_idx %arg8[%add3A_6, %broadcast_in_dim3A_457], %gather3A_458 : memref<64x512xf32, #tpu.memory_space<vmem>>[vector<16xi32>, vector<16xi32>], vector<16xf32>,
      %gather3A_459 = tpu.vector_load_idx %arg12[%add3A_9, %broadcast_in_dim3A_456] : memref<64x128xf32, #tpu.memory_space<vmem>>[vector<16xi32>, vector<16xi32>], vector<16xf32>,
      tpu.vector_store_idx %arg8[%add3A_9, %broadcast_in_dim3A_457], %gather3A_459 : memref<64x512xf32, #tpu.memory_space<vmem>>[vector<16xi32>, vector<16xi32>], vector<16xf32>,
      %gather3A_460 = tpu.vector_load_idx %arg12[%add3A_12, %broadcast_in_dim3A_456] : memref<64x128xf32, #tpu.memory_space<vmem>>[vector<16xi32>, vector<16xi32>], vector<16xf32>,
      tpu.vector_store_idx %arg8[%add3A_12, %broadcast_in_dim3A_457], %gather3A_460 : memref<64x512xf32, #tpu.memory_space<vmem>>[vector<16xi32>, vector<16xi32>], vector<16xf32>,
      %gather3A_461 = tpu.vector_load_idx %arg12[%add3A_15, %broadcast_in_dim3A_456] : memref<64x128xf32, #tpu.memory_space<vmem>>[vector<16xi32>, vector<16xi32>], vector<16xf32>,
      tpu.vector_store_idx %arg8[%add3A_15, %broadcast_in_dim3A_457], %gather3A_461 : memref<64x512xf32, #tpu.memory_space<vmem>>[vector<16xi32>, vector<16xi32>], vector<16xf32>,
      %slice3A_462 = vector.extract_strided_slice %gather3A_38 {offsets = [3], sizes = [1], strides = [1]} : vector<16xi32> to vector<1xi32>
      %squeeze3A_463 = vector.extract %slice3A_462[0] : i32 from vector<1xi32>
      %shift_right_arithmetic3A_464 = arith.constant 7 : i32
      %shift_right_arithmetic3A_465 = arith.shrsi %squeeze3A_463, %shift_right_arithmetic3A_464 : i32
      %shift_left3A_466 = arith.constant 7 : i32
      %shift_left3A_467 = arith.shli %shift_right_arithmetic3A_465, %shift_left3A_466 : i32
      %multiple_of3A_468 = tpu.assume_multiple %shift_left3A_467, 128 : i32
      %dma_start3A_469 = arith.constant 0 : i32
      %dma_start3A_470 = tpu.memref_slice %arg3[%dma_start3A_469, %multiple_of3A_468] : memref<64x1000000xf32, #tpu.memory_space<hbm>> -> memref<64x128xf32, #tpu.memory_space<hbm>>
      %dma_start3A_471 = arith.constant 0 : i32
      %dma_start3A_472 = tpu.memref_slice %arg3[%dma_start3A_471, %multiple_of3A_468] : memref<64x1000000xf32, #tpu.memory_space<hbm>> -> memref<64x128xf32, #tpu.memory_space<hbm>>
      tpu.enqueue_dma source(%dma_start3A_472 : memref<64x128xf32, #tpu.memory_space<hbm>>) target(%arg12 : memref<64x128xf32, #tpu.memory_space<vmem>>) target_semaphore(%arg21 : memref<!tpu.dma_semaphore, #tpu.memory_space<semaphore_mem>>)
      %dma_wait3A_473 = arith.constant 0 : i32
      %dma_wait3A_474 = tpu.memref_slice %arg3[%dma_wait3A_473, %multiple_of3A_265] : memref<64x1000000xf32, #tpu.memory_space<hbm>> -> memref<64x128xf32, #tpu.memory_space<hbm>>
      %dma_wait3A_475 = arith.constant 0 : i32
      %dma_wait3A_476 = tpu.memref_slice %arg3[%dma_wait3A_475, %multiple_of3A_265] : memref<64x1000000xf32, #tpu.memory_space<hbm>> -> memref<64x128xf32, #tpu.memory_space<hbm>>
      tpu.wait_dma2 semaphore(%arg22 : memref<!tpu.dma_semaphore, #tpu.memory_space<semaphore_mem>>) src(%dma_wait3A_476 : memref<64x128xf32, #tpu.memory_space<hbm>>) dst(%arg13 : memref<64x128xf32, #tpu.memory_space<vmem>>)
      %slice3A_477 = vector.extract_strided_slice %and3A_40 {offsets = [12], sizes = [1], strides = [1]} : vector<16xi32> to vector<1xi32>
      %squeeze3A_478 = vector.extract %slice3A_477[0] : i32 from vector<1xi32>
      %mul3A_479 = arith.constant 32 : i32
      %mul3A_480 = arith.muli %add3A_25, %mul3A_479 : i32
      %add3A_481 = arith.constant 20 : i32
      %add3A_482 = arith.addi %mul3A_480, %add3A_481 : i32
      %sub3A_483 = arith.constant 8 : i32
      %sub3A_484 = arith.subi %add3A_482, %sub3A_483 : i32
      %broadcast_in_dim3A_485 = vector.broadcast %squeeze3A_478 : i32 to vector<16xi32>
      %broadcast_in_dim3A_486 = vector.broadcast %sub3A_484 : i32 to vector<16xi32>
      %gather3A_487 = tpu.vector_load_idx %arg13[%add3A_6, %broadcast_in_dim3A_485] : memref<64x128xf32, #tpu.memory_space<vmem>>[vector<16xi32>, vector<16xi32>], vector<16xf32>,
      tpu.vector_store_idx %arg8[%add3A_6, %broadcast_in_dim3A_486], %gather3A_487 : memref<64x512xf32, #tpu.memory_space<vmem>>[vector<16xi32>, vector<16xi32>], vector<16xf32>,
      %gather3A_488 = tpu.vector_load_idx %arg13[%add3A_9, %broadcast_in_dim3A_485] : memref<64x128xf32, #tpu.memory_space<vmem>>[vector<16xi32>, vector<16xi32>], vector<16xf32>,
      tpu.vector_store_idx %arg8[%add3A_9, %broadcast_in_dim3A_486], %gather3A_488 : memref<64x512xf32, #tpu.memory_space<vmem>>[vector<16xi32>, vector<16xi32>], vector<16xf32>,
      %gather3A_489 = tpu.vector_load_idx %arg13[%add3A_12, %broadcast_in_dim3A_485] : memref<64x128xf32, #tpu.memory_space<vmem>>[vector<16xi32>, vector<16xi32>], vector<16xf32>,
      tpu.vector_store_idx %arg8[%add3A_12, %broadcast_in_dim3A_486], %gather3A_489 : memref<64x512xf32, #tpu.memory_space<vmem>>[vector<16xi32>, vector<16xi32>], vector<16xf32>,
      %gather3A_490 = tpu.vector_load_idx %arg13[%add3A_15, %broadcast_in_dim3A_485] : memref<64x128xf32, #tpu.memory_space<vmem>>[vector<16xi32>, vector<16xi32>], vector<16xf32>,
      tpu.vector_store_idx %arg8[%add3A_15, %broadcast_in_dim3A_486], %gather3A_490 : memref<64x512xf32, #tpu.memory_space<vmem>>[vector<16xi32>, vector<16xi32>], vector<16xf32>,
      %slice3A_491 = vector.extract_strided_slice %gather3A_38 {offsets = [4], sizes = [1], strides = [1]} : vector<16xi32> to vector<1xi32>
      %squeeze3A_492 = vector.extract %slice3A_491[0] : i32 from vector<1xi32>
      %shift_right_arithmetic3A_493 = arith.constant 7 : i32
      %shift_right_arithmetic3A_494 = arith.shrsi %squeeze3A_492, %shift_right_arithmetic3A_493 : i32
      %shift_left3A_495 = arith.constant 7 : i32
      %shift_left3A_496 = arith.shli %shift_right_arithmetic3A_494, %shift_left3A_495 : i32
      %multiple_of3A_497 = tpu.assume_multiple %shift_left3A_496, 128 : i32
      %dma_start3A_498 = arith.constant 0 : i32
      %dma_start3A_499 = tpu.memref_slice %arg3[%dma_start3A_498, %multiple_of3A_497] : memref<64x1000000xf32, #tpu.memory_space<hbm>> -> memref<64x128xf32, #tpu.memory_space<hbm>>
      %dma_start3A_500 = arith.constant 0 : i32
      %dma_start3A_501 = tpu.memref_slice %arg3[%dma_start3A_500, %multiple_of3A_497] : memref<64x1000000xf32, #tpu.memory_space<hbm>> -> memref<64x128xf32, #tpu.memory_space<hbm>>
      tpu.enqueue_dma source(%dma_start3A_501 : memref<64x128xf32, #tpu.memory_space<hbm>>) target(%arg13 : memref<64x128xf32, #tpu.memory_space<vmem>>) target_semaphore(%arg22 : memref<!tpu.dma_semaphore, #tpu.memory_space<semaphore_mem>>)
      %dma_wait3A_502 = arith.constant 0 : i32
      %dma_wait3A_503 = tpu.memref_slice %arg3[%dma_wait3A_502, %multiple_of3A_294] : memref<64x1000000xf32, #tpu.memory_space<hbm>> -> memref<64x128xf32, #tpu.memory_space<hbm>>
      %dma_wait3A_504 = arith.constant 0 : i32
      %dma_wait3A_505 = tpu.memref_slice %arg3[%dma_wait3A_504, %multiple_of3A_294] : memref<64x1000000xf32, #tpu.memory_space<hbm>> -> memref<64x128xf32, #tpu.memory_space<hbm>>
      tpu.wait_dma2 semaphore(%arg23 : memref<!tpu.dma_semaphore, #tpu.memory_space<semaphore_mem>>) src(%dma_wait3A_505 : memref<64x128xf32, #tpu.memory_space<hbm>>) dst(%arg14 : memref<64x128xf32, #tpu.memory_space<vmem>>)
      %slice3A_506 = vector.extract_strided_slice %and3A_40 {offsets = [13], sizes = [1], strides = [1]} : vector<16xi32> to vector<1xi32>
      %squeeze3A_507 = vector.extract %slice3A_506[0] : i32 from vector<1xi32>
      %mul3A_508 = arith.constant 32 : i32
      %mul3A_509 = arith.muli %add3A_25, %mul3A_508 : i32
      %add3A_510 = arith.constant 21 : i32
      %add3A_511 = arith.addi %mul3A_509, %add3A_510 : i32
      %sub3A_512 = arith.constant 8 : i32
      %sub3A_513 = arith.subi %add3A_511, %sub3A_512 : i32
      %broadcast_in_dim3A_514 = vector.broadcast %squeeze3A_507 : i32 to vector<16xi32>
      %broadcast_in_dim3A_515 = vector.broadcast %sub3A_513 : i32 to vector<16xi32>
      %gather3A_516 = tpu.vector_load_idx %arg14[%add3A_6, %broadcast_in_dim3A_514] : memref<64x128xf32, #tpu.memory_space<vmem>>[vector<16xi32>, vector<16xi32>], vector<16xf32>,
      tpu.vector_store_idx %arg8[%add3A_6, %broadcast_in_dim3A_515], %gather3A_516 : memref<64x512xf32, #tpu.memory_space<vmem>>[vector<16xi32>, vector<16xi32>], vector<16xf32>,
      %gather3A_517 = tpu.vector_load_idx %arg14[%add3A_9, %broadcast_in_dim3A_514] : memref<64x128xf32, #tpu.memory_space<vmem>>[vector<16xi32>, vector<16xi32>], vector<16xf32>,
      tpu.vector_store_idx %arg8[%add3A_9, %broadcast_in_dim3A_515], %gather3A_517 : memref<64x512xf32, #tpu.memory_space<vmem>>[vector<16xi32>, vector<16xi32>], vector<16xf32>,
      %gather3A_518 = tpu.vector_load_idx %arg14[%add3A_12, %broadcast_in_dim3A_514] : memref<64x128xf32, #tpu.memory_space<vmem>>[vector<16xi32>, vector<16xi32>], vector<16xf32>,
      tpu.vector_store_idx %arg8[%add3A_12, %broadcast_in_dim3A_515], %gather3A_518 : memref<64x512xf32, #tpu.memory_space<vmem>>[vector<16xi32>, vector<16xi32>], vector<16xf32>,
      %gather3A_519 = tpu.vector_load_idx %arg14[%add3A_15, %broadcast_in_dim3A_514] : memref<64x128xf32, #tpu.memory_space<vmem>>[vector<16xi32>, vector<16xi32>], vector<16xf32>,
      tpu.vector_store_idx %arg8[%add3A_15, %broadcast_in_dim3A_515], %gather3A_519 : memref<64x512xf32, #tpu.memory_space<vmem>>[vector<16xi32>, vector<16xi32>], vector<16xf32>,
      %slice3A_520 = vector.extract_strided_slice %gather3A_38 {offsets = [5], sizes = [1], strides = [1]} : vector<16xi32> to vector<1xi32>
      %squeeze3A_521 = vector.extract %slice3A_520[0] : i32 from vector<1xi32>
      %shift_right_arithmetic3A_522 = arith.constant 7 : i32
      %shift_right_arithmetic3A_523 = arith.shrsi %squeeze3A_521, %shift_right_arithmetic3A_522 : i32
      %shift_left3A_524 = arith.constant 7 : i32
      %shift_left3A_525 = arith.shli %shift_right_arithmetic3A_523, %shift_left3A_524 : i32
      %multiple_of3A_526 = tpu.assume_multiple %shift_left3A_525, 128 : i32
      %dma_start3A_527 = arith.constant 0 : i32
      %dma_start3A_528 = tpu.memref_slice %arg3[%dma_start3A_527, %multiple_of3A_526] : memref<64x1000000xf32, #tpu.memory_space<hbm>> -> memref<64x128xf32, #tpu.memory_space<hbm>>
      %dma_start3A_529 = arith.constant 0 : i32
      %dma_start3A_530 = tpu.memref_slice %arg3[%dma_start3A_529, %multiple_of3A_526] : memref<64x1000000xf32, #tpu.memory_space<hbm>> -> memref<64x128xf32, #tpu.memory_space<hbm>>
      tpu.enqueue_dma source(%dma_start3A_530 : memref<64x128xf32, #tpu.memory_space<hbm>>) target(%arg14 : memref<64x128xf32, #tpu.memory_space<vmem>>) target_semaphore(%arg23 : memref<!tpu.dma_semaphore, #tpu.memory_space<semaphore_mem>>)
      %dma_wait3A_531 = arith.constant 0 : i32
      %dma_wait3A_532 = tpu.memref_slice %arg3[%dma_wait3A_531, %multiple_of3A_323] : memref<64x1000000xf32, #tpu.memory_space<hbm>> -> memref<64x128xf32, #tpu.memory_space<hbm>>
      %dma_wait3A_533 = arith.constant 0 : i32
      %dma_wait3A_534 = tpu.memref_slice %arg3[%dma_wait3A_533, %multiple_of3A_323] : memref<64x1000000xf32, #tpu.memory_space<hbm>> -> memref<64x128xf32, #tpu.memory_space<hbm>>
      tpu.wait_dma2 semaphore(%arg24 : memref<!tpu.dma_semaphore, #tpu.memory_space<semaphore_mem>>) src(%dma_wait3A_534 : memref<64x128xf32, #tpu.memory_space<hbm>>) dst(%arg15 : memref<64x128xf32, #tpu.memory_space<vmem>>)
      %slice3A_535 = vector.extract_strided_slice %and3A_40 {offsets = [14], sizes = [1], strides = [1]} : vector<16xi32> to vector<1xi32>
      %squeeze3A_536 = vector.extract %slice3A_535[0] : i32 from vector<1xi32>
      %mul3A_537 = arith.constant 32 : i32
      %mul3A_538 = arith.muli %add3A_25, %mul3A_537 : i32
      %add3A_539 = arith.constant 22 : i32
      %add3A_540 = arith.addi %mul3A_538, %add3A_539 : i32
      %sub3A_541 = arith.constant 8 : i32
      %sub3A_542 = arith.subi %add3A_540, %sub3A_541 : i32
      %broadcast_in_dim3A_543 = vector.broadcast %squeeze3A_536 : i32 to vector<16xi32>
      %broadcast_in_dim3A_544 = vector.broadcast %sub3A_542 : i32 to vector<16xi32>
      %gather3A_545 = tpu.vector_load_idx %arg15[%add3A_6, %broadcast_in_dim3A_543] : memref<64x128xf32, #tpu.memory_space<vmem>>[vector<16xi32>, vector<16xi32>], vector<16xf32>,
      tpu.vector_store_idx %arg8[%add3A_6, %broadcast_in_dim3A_544], %gather3A_545 : memref<64x512xf32, #tpu.memory_space<vmem>>[vector<16xi32>, vector<16xi32>], vector<16xf32>,
      %gather3A_546 = tpu.vector_load_idx %arg15[%add3A_9, %broadcast_in_dim3A_543] : memref<64x128xf32, #tpu.memory_space<vmem>>[vector<16xi32>, vector<16xi32>], vector<16xf32>,
      tpu.vector_store_idx %arg8[%add3A_9, %broadcast_in_dim3A_544], %gather3A_546 : memref<64x512xf32, #tpu.memory_space<vmem>>[vector<16xi32>, vector<16xi32>], vector<16xf32>,
      %gather3A_547 = tpu.vector_load_idx %arg15[%add3A_12, %broadcast_in_dim3A_543] : memref<64x128xf32, #tpu.memory_space<vmem>>[vector<16xi32>, vector<16xi32>], vector<16xf32>,
      tpu.vector_store_idx %arg8[%add3A_12, %broadcast_in_dim3A_544], %gather3A_547 : memref<64x512xf32, #tpu.memory_space<vmem>>[vector<16xi32>, vector<16xi32>], vector<16xf32>,
      %gather3A_548 = tpu.vector_load_idx %arg15[%add3A_15, %broadcast_in_dim3A_543] : memref<64x128xf32, #tpu.memory_space<vmem>>[vector<16xi32>, vector<16xi32>], vector<16xf32>,
      tpu.vector_store_idx %arg8[%add3A_15, %broadcast_in_dim3A_544], %gather3A_548 : memref<64x512xf32, #tpu.memory_space<vmem>>[vector<16xi32>, vector<16xi32>], vector<16xf32>,
      %slice3A_549 = vector.extract_strided_slice %gather3A_38 {offsets = [6], sizes = [1], strides = [1]} : vector<16xi32> to vector<1xi32>
      %squeeze3A_550 = vector.extract %slice3A_549[0] : i32 from vector<1xi32>
      %shift_right_arithmetic3A_551 = arith.constant 7 : i32
      %shift_right_arithmetic3A_552 = arith.shrsi %squeeze3A_550, %shift_right_arithmetic3A_551 : i32
      %shift_left3A_553 = arith.constant 7 : i32
      %shift_left3A_554 = arith.shli %shift_right_arithmetic3A_552, %shift_left3A_553 : i32
      %multiple_of3A_555 = tpu.assume_multiple %shift_left3A_554, 128 : i32
      %dma_start3A_556 = arith.constant 0 : i32
      %dma_start3A_557 = tpu.memref_slice %arg3[%dma_start3A_556, %multiple_of3A_555] : memref<64x1000000xf32, #tpu.memory_space<hbm>> -> memref<64x128xf32, #tpu.memory_space<hbm>>
      %dma_start3A_558 = arith.constant 0 : i32
      %dma_start3A_559 = tpu.memref_slice %arg3[%dma_start3A_558, %multiple_of3A_555] : memref<64x1000000xf32, #tpu.memory_space<hbm>> -> memref<64x128xf32, #tpu.memory_space<hbm>>
      tpu.enqueue_dma source(%dma_start3A_559 : memref<64x128xf32, #tpu.memory_space<hbm>>) target(%arg15 : memref<64x128xf32, #tpu.memory_space<vmem>>) target_semaphore(%arg24 : memref<!tpu.dma_semaphore, #tpu.memory_space<semaphore_mem>>)
      %dma_wait3A_560 = arith.constant 0 : i32
      %dma_wait3A_561 = tpu.memref_slice %arg3[%dma_wait3A_560, %multiple_of3A_352] : memref<64x1000000xf32, #tpu.memory_space<hbm>> -> memref<64x128xf32, #tpu.memory_space<hbm>>
      %dma_wait3A_562 = arith.constant 0 : i32
      %dma_wait3A_563 = tpu.memref_slice %arg3[%dma_wait3A_562, %multiple_of3A_352] : memref<64x1000000xf32, #tpu.memory_space<hbm>> -> memref<64x128xf32, #tpu.memory_space<hbm>>
      tpu.wait_dma2 semaphore(%arg25 : memref<!tpu.dma_semaphore, #tpu.memory_space<semaphore_mem>>) src(%dma_wait3A_563 : memref<64x128xf32, #tpu.memory_space<hbm>>) dst(%arg16 : memref<64x128xf32, #tpu.memory_space<vmem>>)
      %slice3A_564 = vector.extract_strided_slice %and3A_40 {offsets = [15], sizes = [1], strides = [1]} : vector<16xi32> to vector<1xi32>
      %squeeze3A_565 = vector.extract %slice3A_564[0] : i32 from vector<1xi32>
      %mul3A_566 = arith.constant 32 : i32
      %mul3A_567 = arith.muli %add3A_25, %mul3A_566 : i32
      %add3A_568 = arith.constant 23 : i32
      %add3A_569 = arith.addi %mul3A_567, %add3A_568 : i32
      %sub3A_570 = arith.constant 8 : i32
      %sub3A_571 = arith.subi %add3A_569, %sub3A_570 : i32
      %broadcast_in_dim3A_572 = vector.broadcast %squeeze3A_565 : i32 to vector<16xi32>
      %broadcast_in_dim3A_573 = vector.broadcast %sub3A_571 : i32 to vector<16xi32>
      %gather3A_574 = tpu.vector_load_idx %arg16[%add3A_6, %broadcast_in_dim3A_572] : memref<64x128xf32, #tpu.memory_space<vmem>>[vector<16xi32>, vector<16xi32>], vector<16xf32>,
      tpu.vector_store_idx %arg8[%add3A_6, %broadcast_in_dim3A_573], %gather3A_574 : memref<64x512xf32, #tpu.memory_space<vmem>>[vector<16xi32>, vector<16xi32>], vector<16xf32>,
      %gather3A_575 = tpu.vector_load_idx %arg16[%add3A_9, %broadcast_in_dim3A_572] : memref<64x128xf32, #tpu.memory_space<vmem>>[vector<16xi32>, vector<16xi32>], vector<16xf32>,
      tpu.vector_store_idx %arg8[%add3A_9, %broadcast_in_dim3A_573], %gather3A_575 : memref<64x512xf32, #tpu.memory_space<vmem>>[vector<16xi32>, vector<16xi32>], vector<16xf32>,
      %gather3A_576 = tpu.vector_load_idx %arg16[%add3A_12, %broadcast_in_dim3A_572] : memref<64x128xf32, #tpu.memory_space<vmem>>[vector<16xi32>, vector<16xi32>], vector<16xf32>,
      tpu.vector_store_idx %arg8[%add3A_12, %broadcast_in_dim3A_573], %gather3A_576 : memref<64x512xf32, #tpu.memory_space<vmem>>[vector<16xi32>, vector<16xi32>], vector<16xf32>,
      %gather3A_577 = tpu.vector_load_idx %arg16[%add3A_15, %broadcast_in_dim3A_572] : memref<64x128xf32, #tpu.memory_space<vmem>>[vector<16xi32>, vector<16xi32>], vector<16xf32>,
      tpu.vector_store_idx %arg8[%add3A_15, %broadcast_in_dim3A_573], %gather3A_577 : memref<64x512xf32, #tpu.memory_space<vmem>>[vector<16xi32>, vector<16xi32>], vector<16xf32>,
      %slice3A_578 = vector.extract_strided_slice %gather3A_38 {offsets = [7], sizes = [1], strides = [1]} : vector<16xi32> to vector<1xi32>
      %squeeze3A_579 = vector.extract %slice3A_578[0] : i32 from vector<1xi32>
      %shift_right_arithmetic3A_580 = arith.constant 7 : i32
      %shift_right_arithmetic3A_581 = arith.shrsi %squeeze3A_579, %shift_right_arithmetic3A_580 : i32
      %shift_left3A_582 = arith.constant 7 : i32
      %shift_left3A_583 = arith.shli %shift_right_arithmetic3A_581, %shift_left3A_582 : i32
      %multiple_of3A_584 = tpu.assume_multiple %shift_left3A_583, 128 : i32
      %dma_start3A_585 = arith.constant 0 : i32
      %dma_start3A_586 = tpu.memref_slice %arg3[%dma_start3A_585, %multiple_of3A_584] : memref<64x1000000xf32, #tpu.memory_space<hbm>> -> memref<64x128xf32, #tpu.memory_space<hbm>>
      %dma_start3A_587 = arith.constant 0 : i32
      %dma_start3A_588 = tpu.memref_slice %arg3[%dma_start3A_587, %multiple_of3A_584] : memref<64x1000000xf32, #tpu.memory_space<hbm>> -> memref<64x128xf32, #tpu.memory_space<hbm>>
      tpu.enqueue_dma source(%dma_start3A_588 : memref<64x128xf32, #tpu.memory_space<hbm>>) target(%arg16 : memref<64x128xf32, #tpu.memory_space<vmem>>) target_semaphore(%arg25 : memref<!tpu.dma_semaphore, #tpu.memory_space<semaphore_mem>>)
      %dma_wait3A_589 = arith.constant 0 : i32
      %dma_wait3A_590 = tpu.memref_slice %arg3[%dma_wait3A_589, %multiple_of3A_381] : memref<64x1000000xf32, #tpu.memory_space<hbm>> -> memref<64x128xf32, #tpu.memory_space<hbm>>
      %dma_wait3A_591 = arith.constant 0 : i32
      %dma_wait3A_592 = tpu.memref_slice %arg3[%dma_wait3A_591, %multiple_of3A_381] : memref<64x1000000xf32, #tpu.memory_space<hbm>> -> memref<64x128xf32, #tpu.memory_space<hbm>>
      tpu.wait_dma2 semaphore(%arg18 : memref<!tpu.dma_semaphore, #tpu.memory_space<semaphore_mem>>) src(%dma_wait3A_592 : memref<64x128xf32, #tpu.memory_space<hbm>>) dst(%arg9 : memref<64x128xf32, #tpu.memory_space<vmem>>)
      %slice3A_593 = vector.extract_strided_slice %and3A_43 {offsets = [0], sizes = [1], strides = [1]} : vector<16xi32> to vector<1xi32>
      %squeeze3A_594 = vector.extract %slice3A_593[0] : i32 from vector<1xi32>
      %mul3A_595 = arith.constant 32 : i32
      %mul3A_596 = arith.muli %add3A_25, %mul3A_595 : i32
      %add3A_597 = arith.constant 24 : i32
      %add3A_598 = arith.addi %mul3A_596, %add3A_597 : i32
      %sub3A_599 = arith.constant 8 : i32
      %sub3A_600 = arith.subi %add3A_598, %sub3A_599 : i32
      %broadcast_in_dim3A_601 = vector.broadcast %squeeze3A_594 : i32 to vector<16xi32>
      %broadcast_in_dim3A_602 = vector.broadcast %sub3A_600 : i32 to vector<16xi32>
      %gather3A_603 = tpu.vector_load_idx %arg9[%add3A_6, %broadcast_in_dim3A_601] : memref<64x128xf32, #tpu.memory_space<vmem>>[vector<16xi32>, vector<16xi32>], vector<16xf32>,
      tpu.vector_store_idx %arg8[%add3A_6, %broadcast_in_dim3A_602], %gather3A_603 : memref<64x512xf32, #tpu.memory_space<vmem>>[vector<16xi32>, vector<16xi32>], vector<16xf32>,
      %gather3A_604 = tpu.vector_load_idx %arg9[%add3A_9, %broadcast_in_dim3A_601] : memref<64x128xf32, #tpu.memory_space<vmem>>[vector<16xi32>, vector<16xi32>], vector<16xf32>,
      tpu.vector_store_idx %arg8[%add3A_9, %broadcast_in_dim3A_602], %gather3A_604 : memref<64x512xf32, #tpu.memory_space<vmem>>[vector<16xi32>, vector<16xi32>], vector<16xf32>,
      %gather3A_605 = tpu.vector_load_idx %arg9[%add3A_12, %broadcast_in_dim3A_601] : memref<64x128xf32, #tpu.memory_space<vmem>>[vector<16xi32>, vector<16xi32>], vector<16xf32>,
      tpu.vector_store_idx %arg8[%add3A_12, %broadcast_in_dim3A_602], %gather3A_605 : memref<64x512xf32, #tpu.memory_space<vmem>>[vector<16xi32>, vector<16xi32>], vector<16xf32>,
      %gather3A_606 = tpu.vector_load_idx %arg9[%add3A_15, %broadcast_in_dim3A_601] : memref<64x128xf32, #tpu.memory_space<vmem>>[vector<16xi32>, vector<16xi32>], vector<16xf32>,
      tpu.vector_store_idx %arg8[%add3A_15, %broadcast_in_dim3A_602], %gather3A_606 : memref<64x512xf32, #tpu.memory_space<vmem>>[vector<16xi32>, vector<16xi32>], vector<16xf32>,
      %slice3A_607 = vector.extract_strided_slice %gather3A_38 {offsets = [8], sizes = [1], strides = [1]} : vector<16xi32> to vector<1xi32>
      %squeeze3A_608 = vector.extract %slice3A_607[0] : i32 from vector<1xi32>
      %shift_right_arithmetic3A_609 = arith.constant 7 : i32
      %shift_right_arithmetic3A_610 = arith.shrsi %squeeze3A_608, %shift_right_arithmetic3A_609 : i32
      %shift_left3A_611 = arith.constant 7 : i32
      %shift_left3A_612 = arith.shli %shift_right_arithmetic3A_610, %shift_left3A_611 : i32
      %multiple_of3A_613 = tpu.assume_multiple %shift_left3A_612, 128 : i32
      %dma_start3A_614 = arith.constant 0 : i32
      %dma_start3A_615 = tpu.memref_slice %arg3[%dma_start3A_614, %multiple_of3A_613] : memref<64x1000000xf32, #tpu.memory_space<hbm>> -> memref<64x128xf32, #tpu.memory_space<hbm>>
      %dma_start3A_616 = arith.constant 0 : i32
      %dma_start3A_617 = tpu.memref_slice %arg3[%dma_start3A_616, %multiple_of3A_613] : memref<64x1000000xf32, #tpu.memory_space<hbm>> -> memref<64x128xf32, #tpu.memory_space<hbm>>
      tpu.enqueue_dma source(%dma_start3A_617 : memref<64x128xf32, #tpu.memory_space<hbm>>) target(%arg9 : memref<64x128xf32, #tpu.memory_space<vmem>>) target_semaphore(%arg18 : memref<!tpu.dma_semaphore, #tpu.memory_space<semaphore_mem>>)
      %dma_wait3A_618 = arith.constant 0 : i32
      %dma_wait3A_619 = tpu.memref_slice %arg3[%dma_wait3A_618, %multiple_of3A_410] : memref<64x1000000xf32, #tpu.memory_space<hbm>> -> memref<64x128xf32, #tpu.memory_space<hbm>>
      %dma_wait3A_620 = arith.constant 0 : i32
      %dma_wait3A_621 = tpu.memref_slice %arg3[%dma_wait3A_620, %multiple_of3A_410] : memref<64x1000000xf32, #tpu.memory_space<hbm>> -> memref<64x128xf32, #tpu.memory_space<hbm>>
      tpu.wait_dma2 semaphore(%arg19 : memref<!tpu.dma_semaphore, #tpu.memory_space<semaphore_mem>>) src(%dma_wait3A_621 : memref<64x128xf32, #tpu.memory_space<hbm>>) dst(%arg10 : memref<64x128xf32, #tpu.memory_space<vmem>>)
      %slice3A_622 = vector.extract_strided_slice %and3A_43 {offsets = [1], sizes = [1], strides = [1]} : vector<16xi32> to vector<1xi32>
      %squeeze3A_623 = vector.extract %slice3A_622[0] : i32 from vector<1xi32>
      %mul3A_624 = arith.constant 32 : i32
      %mul3A_625 = arith.muli %add3A_25, %mul3A_624 : i32
      %add3A_626 = arith.constant 25 : i32
      %add3A_627 = arith.addi %mul3A_625, %add3A_626 : i32
      %sub3A_628 = arith.constant 8 : i32
      %sub3A_629 = arith.subi %add3A_627, %sub3A_628 : i32
      %broadcast_in_dim3A_630 = vector.broadcast %squeeze3A_623 : i32 to vector<16xi32>
      %broadcast_in_dim3A_631 = vector.broadcast %sub3A_629 : i32 to vector<16xi32>
      %gather3A_632 = tpu.vector_load_idx %arg10[%add3A_6, %broadcast_in_dim3A_630] : memref<64x128xf32, #tpu.memory_space<vmem>>[vector<16xi32>, vector<16xi32>], vector<16xf32>,
      tpu.vector_store_idx %arg8[%add3A_6, %broadcast_in_dim3A_631], %gather3A_632 : memref<64x512xf32, #tpu.memory_space<vmem>>[vector<16xi32>, vector<16xi32>], vector<16xf32>,
      %gather3A_633 = tpu.vector_load_idx %arg10[%add3A_9, %broadcast_in_dim3A_630] : memref<64x128xf32, #tpu.memory_space<vmem>>[vector<16xi32>, vector<16xi32>], vector<16xf32>,
      tpu.vector_store_idx %arg8[%add3A_9, %broadcast_in_dim3A_631], %gather3A_633 : memref<64x512xf32, #tpu.memory_space<vmem>>[vector<16xi32>, vector<16xi32>], vector<16xf32>,
      %gather3A_634 = tpu.vector_load_idx %arg10[%add3A_12, %broadcast_in_dim3A_630] : memref<64x128xf32, #tpu.memory_space<vmem>>[vector<16xi32>, vector<16xi32>], vector<16xf32>,
      tpu.vector_store_idx %arg8[%add3A_12, %broadcast_in_dim3A_631], %gather3A_634 : memref<64x512xf32, #tpu.memory_space<vmem>>[vector<16xi32>, vector<16xi32>], vector<16xf32>,
      %gather3A_635 = tpu.vector_load_idx %arg10[%add3A_15, %broadcast_in_dim3A_630] : memref<64x128xf32, #tpu.memory_space<vmem>>[vector<16xi32>, vector<16xi32>], vector<16xf32>,
      tpu.vector_store_idx %arg8[%add3A_15, %broadcast_in_dim3A_631], %gather3A_635 : memref<64x512xf32, #tpu.memory_space<vmem>>[vector<16xi32>, vector<16xi32>], vector<16xf32>,
      %slice3A_636 = vector.extract_strided_slice %gather3A_38 {offsets = [9], sizes = [1], strides = [1]} : vector<16xi32> to vector<1xi32>
      %squeeze3A_637 = vector.extract %slice3A_636[0] : i32 from vector<1xi32>
      %shift_right_arithmetic3A_638 = arith.constant 7 : i32
      %shift_right_arithmetic3A_639 = arith.shrsi %squeeze3A_637, %shift_right_arithmetic3A_638 : i32
      %shift_left3A_640 = arith.constant 7 : i32
      %shift_left3A_641 = arith.shli %shift_right_arithmetic3A_639, %shift_left3A_640 : i32
      %multiple_of3A_642 = tpu.assume_multiple %shift_left3A_641, 128 : i32
      %dma_start3A_643 = arith.constant 0 : i32
      %dma_start3A_644 = tpu.memref_slice %arg3[%dma_start3A_643, %multiple_of3A_642] : memref<64x1000000xf32, #tpu.memory_space<hbm>> -> memref<64x128xf32, #tpu.memory_space<hbm>>
      %dma_start3A_645 = arith.constant 0 : i32
      %dma_start3A_646 = tpu.memref_slice %arg3[%dma_start3A_645, %multiple_of3A_642] : memref<64x1000000xf32, #tpu.memory_space<hbm>> -> memref<64x128xf32, #tpu.memory_space<hbm>>
      tpu.enqueue_dma source(%dma_start3A_646 : memref<64x128xf32, #tpu.memory_space<hbm>>) target(%arg10 : memref<64x128xf32, #tpu.memory_space<vmem>>) target_semaphore(%arg19 : memref<!tpu.dma_semaphore, #tpu.memory_space<semaphore_mem>>)
      %dma_wait3A_647 = arith.constant 0 : i32
      %dma_wait3A_648 = tpu.memref_slice %arg3[%dma_wait3A_647, %multiple_of3A_439] : memref<64x1000000xf32, #tpu.memory_space<hbm>> -> memref<64x128xf32, #tpu.memory_space<hbm>>
      %dma_wait3A_649 = arith.constant 0 : i32
      %dma_wait3A_650 = tpu.memref_slice %arg3[%dma_wait3A_649, %multiple_of3A_439] : memref<64x1000000xf32, #tpu.memory_space<hbm>> -> memref<64x128xf32, #tpu.memory_space<hbm>>
      tpu.wait_dma2 semaphore(%arg20 : memref<!tpu.dma_semaphore, #tpu.memory_space<semaphore_mem>>) src(%dma_wait3A_650 : memref<64x128xf32, #tpu.memory_space<hbm>>) dst(%arg11 : memref<64x128xf32, #tpu.memory_space<vmem>>)
      %slice3A_651 = vector.extract_strided_slice %and3A_43 {offsets = [2], sizes = [1], strides = [1]} : vector<16xi32> to vector<1xi32>
      %squeeze3A_652 = vector.extract %slice3A_651[0] : i32 from vector<1xi32>
      %mul3A_653 = arith.constant 32 : i32
      %mul3A_654 = arith.muli %add3A_25, %mul3A_653 : i32
      %add3A_655 = arith.constant 26 : i32
      %add3A_656 = arith.addi %mul3A_654, %add3A_655 : i32
      %sub3A_657 = arith.constant 8 : i32
      %sub3A_658 = arith.subi %add3A_656, %sub3A_657 : i32
      %broadcast_in_dim3A_659 = vector.broadcast %squeeze3A_652 : i32 to vector<16xi32>
      %broadcast_in_dim3A_660 = vector.broadcast %sub3A_658 : i32 to vector<16xi32>
      %gather3A_661 = tpu.vector_load_idx %arg11[%add3A_6, %broadcast_in_dim3A_659] : memref<64x128xf32, #tpu.memory_space<vmem>>[vector<16xi32>, vector<16xi32>], vector<16xf32>,
      tpu.vector_store_idx %arg8[%add3A_6, %broadcast_in_dim3A_660], %gather3A_661 : memref<64x512xf32, #tpu.memory_space<vmem>>[vector<16xi32>, vector<16xi32>], vector<16xf32>,
      %gather3A_662 = tpu.vector_load_idx %arg11[%add3A_9, %broadcast_in_dim3A_659] : memref<64x128xf32, #tpu.memory_space<vmem>>[vector<16xi32>, vector<16xi32>], vector<16xf32>,
      tpu.vector_store_idx %arg8[%add3A_9, %broadcast_in_dim3A_660], %gather3A_662 : memref<64x512xf32, #tpu.memory_space<vmem>>[vector<16xi32>, vector<16xi32>], vector<16xf32>,
      %gather3A_663 = tpu.vector_load_idx %arg11[%add3A_12, %broadcast_in_dim3A_659] : memref<64x128xf32, #tpu.memory_space<vmem>>[vector<16xi32>, vector<16xi32>], vector<16xf32>,
      tpu.vector_store_idx %arg8[%add3A_12, %broadcast_in_dim3A_660], %gather3A_663 : memref<64x512xf32, #tpu.memory_space<vmem>>[vector<16xi32>, vector<16xi32>], vector<16xf32>,
      %gather3A_664 = tpu.vector_load_idx %arg11[%add3A_15, %broadcast_in_dim3A_659] : memref<64x128xf32, #tpu.memory_space<vmem>>[vector<16xi32>, vector<16xi32>], vector<16xf32>,
      tpu.vector_store_idx %arg8[%add3A_15, %broadcast_in_dim3A_660], %gather3A_664 : memref<64x512xf32, #tpu.memory_space<vmem>>[vector<16xi32>, vector<16xi32>], vector<16xf32>,
      %slice3A_665 = vector.extract_strided_slice %gather3A_38 {offsets = [10], sizes = [1], strides = [1]} : vector<16xi32> to vector<1xi32>
      %squeeze3A_666 = vector.extract %slice3A_665[0] : i32 from vector<1xi32>
      %shift_right_arithmetic3A_667 = arith.constant 7 : i32
      %shift_right_arithmetic3A_668 = arith.shrsi %squeeze3A_666, %shift_right_arithmetic3A_667 : i32
      %shift_left3A_669 = arith.constant 7 : i32
      %shift_left3A_670 = arith.shli %shift_right_arithmetic3A_668, %shift_left3A_669 : i32
      %multiple_of3A_671 = tpu.assume_multiple %shift_left3A_670, 128 : i32
      %dma_start3A_672 = arith.constant 0 : i32
      %dma_start3A_673 = tpu.memref_slice %arg3[%dma_start3A_672, %multiple_of3A_671] : memref<64x1000000xf32, #tpu.memory_space<hbm>> -> memref<64x128xf32, #tpu.memory_space<hbm>>
      %dma_start3A_674 = arith.constant 0 : i32
      %dma_start3A_675 = tpu.memref_slice %arg3[%dma_start3A_674, %multiple_of3A_671] : memref<64x1000000xf32, #tpu.memory_space<hbm>> -> memref<64x128xf32, #tpu.memory_space<hbm>>
      tpu.enqueue_dma source(%dma_start3A_675 : memref<64x128xf32, #tpu.memory_space<hbm>>) target(%arg11 : memref<64x128xf32, #tpu.memory_space<vmem>>) target_semaphore(%arg20 : memref<!tpu.dma_semaphore, #tpu.memory_space<semaphore_mem>>)
      %dma_wait3A_676 = arith.constant 0 : i32
      %dma_wait3A_677 = tpu.memref_slice %arg3[%dma_wait3A_676, %multiple_of3A_468] : memref<64x1000000xf32, #tpu.memory_space<hbm>> -> memref<64x128xf32, #tpu.memory_space<hbm>>
      %dma_wait3A_678 = arith.constant 0 : i32
      %dma_wait3A_679 = tpu.memref_slice %arg3[%dma_wait3A_678, %multiple_of3A_468] : memref<64x1000000xf32, #tpu.memory_space<hbm>> -> memref<64x128xf32, #tpu.memory_space<hbm>>
      tpu.wait_dma2 semaphore(%arg21 : memref<!tpu.dma_semaphore, #tpu.memory_space<semaphore_mem>>) src(%dma_wait3A_679 : memref<64x128xf32, #tpu.memory_space<hbm>>) dst(%arg12 : memref<64x128xf32, #tpu.memory_space<vmem>>)
      %slice3A_680 = vector.extract_strided_slice %and3A_43 {offsets = [3], sizes = [1], strides = [1]} : vector<16xi32> to vector<1xi32>
      %squeeze3A_681 = vector.extract %slice3A_680[0] : i32 from vector<1xi32>
      %mul3A_682 = arith.constant 32 : i32
      %mul3A_683 = arith.muli %add3A_25, %mul3A_682 : i32
      %add3A_684 = arith.constant 27 : i32
      %add3A_685 = arith.addi %mul3A_683, %add3A_684 : i32
      %sub3A_686 = arith.constant 8 : i32
      %sub3A_687 = arith.subi %add3A_685, %sub3A_686 : i32
      %broadcast_in_dim3A_688 = vector.broadcast %squeeze3A_681 : i32 to vector<16xi32>
      %broadcast_in_dim3A_689 = vector.broadcast %sub3A_687 : i32 to vector<16xi32>
      %gather3A_690 = tpu.vector_load_idx %arg12[%add3A_6, %broadcast_in_dim3A_688] : memref<64x128xf32, #tpu.memory_space<vmem>>[vector<16xi32>, vector<16xi32>], vector<16xf32>,
      tpu.vector_store_idx %arg8[%add3A_6, %broadcast_in_dim3A_689], %gather3A_690 : memref<64x512xf32, #tpu.memory_space<vmem>>[vector<16xi32>, vector<16xi32>], vector<16xf32>,
      %gather3A_691 = tpu.vector_load_idx %arg12[%add3A_9, %broadcast_in_dim3A_688] : memref<64x128xf32, #tpu.memory_space<vmem>>[vector<16xi32>, vector<16xi32>], vector<16xf32>,
      tpu.vector_store_idx %arg8[%add3A_9, %broadcast_in_dim3A_689], %gather3A_691 : memref<64x512xf32, #tpu.memory_space<vmem>>[vector<16xi32>, vector<16xi32>], vector<16xf32>,
      %gather3A_692 = tpu.vector_load_idx %arg12[%add3A_12, %broadcast_in_dim3A_688] : memref<64x128xf32, #tpu.memory_space<vmem>>[vector<16xi32>, vector<16xi32>], vector<16xf32>,
      tpu.vector_store_idx %arg8[%add3A_12, %broadcast_in_dim3A_689], %gather3A_692 : memref<64x512xf32, #tpu.memory_space<vmem>>[vector<16xi32>, vector<16xi32>], vector<16xf32>,
      %gather3A_693 = tpu.vector_load_idx %arg12[%add3A_15, %broadcast_in_dim3A_688] : memref<64x128xf32, #tpu.memory_space<vmem>>[vector<16xi32>, vector<16xi32>], vector<16xf32>,
      tpu.vector_store_idx %arg8[%add3A_15, %broadcast_in_dim3A_689], %gather3A_693 : memref<64x512xf32, #tpu.memory_space<vmem>>[vector<16xi32>, vector<16xi32>], vector<16xf32>,
      %slice3A_694 = vector.extract_strided_slice %gather3A_38 {offsets = [11], sizes = [1], strides = [1]} : vector<16xi32> to vector<1xi32>
      %squeeze3A_695 = vector.extract %slice3A_694[0] : i32 from vector<1xi32>
      %shift_right_arithmetic3A_696 = arith.constant 7 : i32
      %shift_right_arithmetic3A_697 = arith.shrsi %squeeze3A_695, %shift_right_arithmetic3A_696 : i32
      %shift_left3A_698 = arith.constant 7 : i32
      %shift_left3A_699 = arith.shli %shift_right_arithmetic3A_697, %shift_left3A_698 : i32
      %multiple_of3A_700 = tpu.assume_multiple %shift_left3A_699, 128 : i32
      %dma_start3A_701 = arith.constant 0 : i32
      %dma_start3A_702 = tpu.memref_slice %arg3[%dma_start3A_701, %multiple_of3A_700] : memref<64x1000000xf32, #tpu.memory_space<hbm>> -> memref<64x128xf32, #tpu.memory_space<hbm>>
      %dma_start3A_703 = arith.constant 0 : i32
      %dma_start3A_704 = tpu.memref_slice %arg3[%dma_start3A_703, %multiple_of3A_700] : memref<64x1000000xf32, #tpu.memory_space<hbm>> -> memref<64x128xf32, #tpu.memory_space<hbm>>
      tpu.enqueue_dma source(%dma_start3A_704 : memref<64x128xf32, #tpu.memory_space<hbm>>) target(%arg12 : memref<64x128xf32, #tpu.memory_space<vmem>>) target_semaphore(%arg21 : memref<!tpu.dma_semaphore, #tpu.memory_space<semaphore_mem>>)
      %dma_wait3A_705 = arith.constant 0 : i32
      %dma_wait3A_706 = tpu.memref_slice %arg3[%dma_wait3A_705, %multiple_of3A_497] : memref<64x1000000xf32, #tpu.memory_space<hbm>> -> memref<64x128xf32, #tpu.memory_space<hbm>>
      %dma_wait3A_707 = arith.constant 0 : i32
      %dma_wait3A_708 = tpu.memref_slice %arg3[%dma_wait3A_707, %multiple_of3A_497] : memref<64x1000000xf32, #tpu.memory_space<hbm>> -> memref<64x128xf32, #tpu.memory_space<hbm>>
      tpu.wait_dma2 semaphore(%arg22 : memref<!tpu.dma_semaphore, #tpu.memory_space<semaphore_mem>>) src(%dma_wait3A_708 : memref<64x128xf32, #tpu.memory_space<hbm>>) dst(%arg13 : memref<64x128xf32, #tpu.memory_space<vmem>>)
      %slice3A_709 = vector.extract_strided_slice %and3A_43 {offsets = [4], sizes = [1], strides = [1]} : vector<16xi32> to vector<1xi32>
      %squeeze3A_710 = vector.extract %slice3A_709[0] : i32 from vector<1xi32>
      %mul3A_711 = arith.constant 32 : i32
      %mul3A_712 = arith.muli %add3A_25, %mul3A_711 : i32
      %add3A_713 = arith.constant 28 : i32
      %add3A_714 = arith.addi %mul3A_712, %add3A_713 : i32
      %sub3A_715 = arith.constant 8 : i32
      %sub3A_716 = arith.subi %add3A_714, %sub3A_715 : i32
      %broadcast_in_dim3A_717 = vector.broadcast %squeeze3A_710 : i32 to vector<16xi32>
      %broadcast_in_dim3A_718 = vector.broadcast %sub3A_716 : i32 to vector<16xi32>
      %gather3A_719 = tpu.vector_load_idx %arg13[%add3A_6, %broadcast_in_dim3A_717] : memref<64x128xf32, #tpu.memory_space<vmem>>[vector<16xi32>, vector<16xi32>], vector<16xf32>,
      tpu.vector_store_idx %arg8[%add3A_6, %broadcast_in_dim3A_718], %gather3A_719 : memref<64x512xf32, #tpu.memory_space<vmem>>[vector<16xi32>, vector<16xi32>], vector<16xf32>,
      %gather3A_720 = tpu.vector_load_idx %arg13[%add3A_9, %broadcast_in_dim3A_717] : memref<64x128xf32, #tpu.memory_space<vmem>>[vector<16xi32>, vector<16xi32>], vector<16xf32>,
      tpu.vector_store_idx %arg8[%add3A_9, %broadcast_in_dim3A_718], %gather3A_720 : memref<64x512xf32, #tpu.memory_space<vmem>>[vector<16xi32>, vector<16xi32>], vector<16xf32>,
      %gather3A_721 = tpu.vector_load_idx %arg13[%add3A_12, %broadcast_in_dim3A_717] : memref<64x128xf32, #tpu.memory_space<vmem>>[vector<16xi32>, vector<16xi32>], vector<16xf32>,
      tpu.vector_store_idx %arg8[%add3A_12, %broadcast_in_dim3A_718], %gather3A_721 : memref<64x512xf32, #tpu.memory_space<vmem>>[vector<16xi32>, vector<16xi32>], vector<16xf32>,
      %gather3A_722 = tpu.vector_load_idx %arg13[%add3A_15, %broadcast_in_dim3A_717] : memref<64x128xf32, #tpu.memory_space<vmem>>[vector<16xi32>, vector<16xi32>], vector<16xf32>,
      tpu.vector_store_idx %arg8[%add3A_15, %broadcast_in_dim3A_718], %gather3A_722 : memref<64x512xf32, #tpu.memory_space<vmem>>[vector<16xi32>, vector<16xi32>], vector<16xf32>,
      %slice3A_723 = vector.extract_strided_slice %gather3A_38 {offsets = [12], sizes = [1], strides = [1]} : vector<16xi32> to vector<1xi32>
      %squeeze3A_724 = vector.extract %slice3A_723[0] : i32 from vector<1xi32>
      %shift_right_arithmetic3A_725 = arith.constant 7 : i32
      %shift_right_arithmetic3A_726 = arith.shrsi %squeeze3A_724, %shift_right_arithmetic3A_725 : i32
      %shift_left3A_727 = arith.constant 7 : i32
      %shift_left3A_728 = arith.shli %shift_right_arithmetic3A_726, %shift_left3A_727 : i32
      %multiple_of3A_729 = tpu.assume_multiple %shift_left3A_728, 128 : i32
      %dma_start3A_730 = arith.constant 0 : i32
      %dma_start3A_731 = tpu.memref_slice %arg3[%dma_start3A_730, %multiple_of3A_729] : memref<64x1000000xf32, #tpu.memory_space<hbm>> -> memref<64x128xf32, #tpu.memory_space<hbm>>
      %dma_start3A_732 = arith.constant 0 : i32
      %dma_start3A_733 = tpu.memref_slice %arg3[%dma_start3A_732, %multiple_of3A_729] : memref<64x1000000xf32, #tpu.memory_space<hbm>> -> memref<64x128xf32, #tpu.memory_space<hbm>>
      tpu.enqueue_dma source(%dma_start3A_733 : memref<64x128xf32, #tpu.memory_space<hbm>>) target(%arg13 : memref<64x128xf32, #tpu.memory_space<vmem>>) target_semaphore(%arg22 : memref<!tpu.dma_semaphore, #tpu.memory_space<semaphore_mem>>)
      %dma_wait3A_734 = arith.constant 0 : i32
      %dma_wait3A_735 = tpu.memref_slice %arg3[%dma_wait3A_734, %multiple_of3A_526] : memref<64x1000000xf32, #tpu.memory_space<hbm>> -> memref<64x128xf32, #tpu.memory_space<hbm>>
      %dma_wait3A_736 = arith.constant 0 : i32
      %dma_wait3A_737 = tpu.memref_slice %arg3[%dma_wait3A_736, %multiple_of3A_526] : memref<64x1000000xf32, #tpu.memory_space<hbm>> -> memref<64x128xf32, #tpu.memory_space<hbm>>
      tpu.wait_dma2 semaphore(%arg23 : memref<!tpu.dma_semaphore, #tpu.memory_space<semaphore_mem>>) src(%dma_wait3A_737 : memref<64x128xf32, #tpu.memory_space<hbm>>) dst(%arg14 : memref<64x128xf32, #tpu.memory_space<vmem>>)
      %slice3A_738 = vector.extract_strided_slice %and3A_43 {offsets = [5], sizes = [1], strides = [1]} : vector<16xi32> to vector<1xi32>
      %squeeze3A_739 = vector.extract %slice3A_738[0] : i32 from vector<1xi32>
      %mul3A_740 = arith.constant 32 : i32
      %mul3A_741 = arith.muli %add3A_25, %mul3A_740 : i32
      %add3A_742 = arith.constant 29 : i32
      %add3A_743 = arith.addi %mul3A_741, %add3A_742 : i32
      %sub3A_744 = arith.constant 8 : i32
      %sub3A_745 = arith.subi %add3A_743, %sub3A_744 : i32
      %broadcast_in_dim3A_746 = vector.broadcast %squeeze3A_739 : i32 to vector<16xi32>
      %broadcast_in_dim3A_747 = vector.broadcast %sub3A_745 : i32 to vector<16xi32>
      %gather3A_748 = tpu.vector_load_idx %arg14[%add3A_6, %broadcast_in_dim3A_746] : memref<64x128xf32, #tpu.memory_space<vmem>>[vector<16xi32>, vector<16xi32>], vector<16xf32>,
      tpu.vector_store_idx %arg8[%add3A_6, %broadcast_in_dim3A_747], %gather3A_748 : memref<64x512xf32, #tpu.memory_space<vmem>>[vector<16xi32>, vector<16xi32>], vector<16xf32>,
      %gather3A_749 = tpu.vector_load_idx %arg14[%add3A_9, %broadcast_in_dim3A_746] : memref<64x128xf32, #tpu.memory_space<vmem>>[vector<16xi32>, vector<16xi32>], vector<16xf32>,
      tpu.vector_store_idx %arg8[%add3A_9, %broadcast_in_dim3A_747], %gather3A_749 : memref<64x512xf32, #tpu.memory_space<vmem>>[vector<16xi32>, vector<16xi32>], vector<16xf32>,
      %gather3A_750 = tpu.vector_load_idx %arg14[%add3A_12, %broadcast_in_dim3A_746] : memref<64x128xf32, #tpu.memory_space<vmem>>[vector<16xi32>, vector<16xi32>], vector<16xf32>,
      tpu.vector_store_idx %arg8[%add3A_12, %broadcast_in_dim3A_747], %gather3A_750 : memref<64x512xf32, #tpu.memory_space<vmem>>[vector<16xi32>, vector<16xi32>], vector<16xf32>,
      %gather3A_751 = tpu.vector_load_idx %arg14[%add3A_15, %broadcast_in_dim3A_746] : memref<64x128xf32, #tpu.memory_space<vmem>>[vector<16xi32>, vector<16xi32>], vector<16xf32>,
      tpu.vector_store_idx %arg8[%add3A_15, %broadcast_in_dim3A_747], %gather3A_751 : memref<64x512xf32, #tpu.memory_space<vmem>>[vector<16xi32>, vector<16xi32>], vector<16xf32>,
      %slice3A_752 = vector.extract_strided_slice %gather3A_38 {offsets = [13], sizes = [1], strides = [1]} : vector<16xi32> to vector<1xi32>
      %squeeze3A_753 = vector.extract %slice3A_752[0] : i32 from vector<1xi32>
      %shift_right_arithmetic3A_754 = arith.constant 7 : i32
      %shift_right_arithmetic3A_755 = arith.shrsi %squeeze3A_753, %shift_right_arithmetic3A_754 : i32
      %shift_left3A_756 = arith.constant 7 : i32
      %shift_left3A_757 = arith.shli %shift_right_arithmetic3A_755, %shift_left3A_756 : i32
      %multiple_of3A_758 = tpu.assume_multiple %shift_left3A_757, 128 : i32
      %dma_start3A_759 = arith.constant 0 : i32
      %dma_start3A_760 = tpu.memref_slice %arg3[%dma_start3A_759, %multiple_of3A_758] : memref<64x1000000xf32, #tpu.memory_space<hbm>> -> memref<64x128xf32, #tpu.memory_space<hbm>>
      %dma_start3A_761 = arith.constant 0 : i32
      %dma_start3A_762 = tpu.memref_slice %arg3[%dma_start3A_761, %multiple_of3A_758] : memref<64x1000000xf32, #tpu.memory_space<hbm>> -> memref<64x128xf32, #tpu.memory_space<hbm>>
      tpu.enqueue_dma source(%dma_start3A_762 : memref<64x128xf32, #tpu.memory_space<hbm>>) target(%arg14 : memref<64x128xf32, #tpu.memory_space<vmem>>) target_semaphore(%arg23 : memref<!tpu.dma_semaphore, #tpu.memory_space<semaphore_mem>>)
      %dma_wait3A_763 = arith.constant 0 : i32
      %dma_wait3A_764 = tpu.memref_slice %arg3[%dma_wait3A_763, %multiple_of3A_555] : memref<64x1000000xf32, #tpu.memory_space<hbm>> -> memref<64x128xf32, #tpu.memory_space<hbm>>
      %dma_wait3A_765 = arith.constant 0 : i32
      %dma_wait3A_766 = tpu.memref_slice %arg3[%dma_wait3A_765, %multiple_of3A_555] : memref<64x1000000xf32, #tpu.memory_space<hbm>> -> memref<64x128xf32, #tpu.memory_space<hbm>>
      tpu.wait_dma2 semaphore(%arg24 : memref<!tpu.dma_semaphore, #tpu.memory_space<semaphore_mem>>) src(%dma_wait3A_766 : memref<64x128xf32, #tpu.memory_space<hbm>>) dst(%arg15 : memref<64x128xf32, #tpu.memory_space<vmem>>)
      %slice3A_767 = vector.extract_strided_slice %and3A_43 {offsets = [6], sizes = [1], strides = [1]} : vector<16xi32> to vector<1xi32>
      %squeeze3A_768 = vector.extract %slice3A_767[0] : i32 from vector<1xi32>
      %mul3A_769 = arith.constant 32 : i32
      %mul3A_770 = arith.muli %add3A_25, %mul3A_769 : i32
      %add3A_771 = arith.constant 30 : i32
      %add3A_772 = arith.addi %mul3A_770, %add3A_771 : i32
      %sub3A_773 = arith.constant 8 : i32
      %sub3A_774 = arith.subi %add3A_772, %sub3A_773 : i32
      %broadcast_in_dim3A_775 = vector.broadcast %squeeze3A_768 : i32 to vector<16xi32>
      %broadcast_in_dim3A_776 = vector.broadcast %sub3A_774 : i32 to vector<16xi32>
      %gather3A_777 = tpu.vector_load_idx %arg15[%add3A_6, %broadcast_in_dim3A_775] : memref<64x128xf32, #tpu.memory_space<vmem>>[vector<16xi32>, vector<16xi32>], vector<16xf32>,
      tpu.vector_store_idx %arg8[%add3A_6, %broadcast_in_dim3A_776], %gather3A_777 : memref<64x512xf32, #tpu.memory_space<vmem>>[vector<16xi32>, vector<16xi32>], vector<16xf32>,
      %gather3A_778 = tpu.vector_load_idx %arg15[%add3A_9, %broadcast_in_dim3A_775] : memref<64x128xf32, #tpu.memory_space<vmem>>[vector<16xi32>, vector<16xi32>], vector<16xf32>,
      tpu.vector_store_idx %arg8[%add3A_9, %broadcast_in_dim3A_776], %gather3A_778 : memref<64x512xf32, #tpu.memory_space<vmem>>[vector<16xi32>, vector<16xi32>], vector<16xf32>,
      %gather3A_779 = tpu.vector_load_idx %arg15[%add3A_12, %broadcast_in_dim3A_775] : memref<64x128xf32, #tpu.memory_space<vmem>>[vector<16xi32>, vector<16xi32>], vector<16xf32>,
      tpu.vector_store_idx %arg8[%add3A_12, %broadcast_in_dim3A_776], %gather3A_779 : memref<64x512xf32, #tpu.memory_space<vmem>>[vector<16xi32>, vector<16xi32>], vector<16xf32>,
      %gather3A_780 = tpu.vector_load_idx %arg15[%add3A_15, %broadcast_in_dim3A_775] : memref<64x128xf32, #tpu.memory_space<vmem>>[vector<16xi32>, vector<16xi32>], vector<16xf32>,
      tpu.vector_store_idx %arg8[%add3A_15, %broadcast_in_dim3A_776], %gather3A_780 : memref<64x512xf32, #tpu.memory_space<vmem>>[vector<16xi32>, vector<16xi32>], vector<16xf32>,
      %slice3A_781 = vector.extract_strided_slice %gather3A_38 {offsets = [14], sizes = [1], strides = [1]} : vector<16xi32> to vector<1xi32>
      %squeeze3A_782 = vector.extract %slice3A_781[0] : i32 from vector<1xi32>
      %shift_right_arithmetic3A_783 = arith.constant 7 : i32
      %shift_right_arithmetic3A_784 = arith.shrsi %squeeze3A_782, %shift_right_arithmetic3A_783 : i32
      %shift_left3A_785 = arith.constant 7 : i32
      %shift_left3A_786 = arith.shli %shift_right_arithmetic3A_784, %shift_left3A_785 : i32
      %multiple_of3A_787 = tpu.assume_multiple %shift_left3A_786, 128 : i32
      %dma_start3A_788 = arith.constant 0 : i32
      %dma_start3A_789 = tpu.memref_slice %arg3[%dma_start3A_788, %multiple_of3A_787] : memref<64x1000000xf32, #tpu.memory_space<hbm>> -> memref<64x128xf32, #tpu.memory_space<hbm>>
      %dma_start3A_790 = arith.constant 0 : i32
      %dma_start3A_791 = tpu.memref_slice %arg3[%dma_start3A_790, %multiple_of3A_787] : memref<64x1000000xf32, #tpu.memory_space<hbm>> -> memref<64x128xf32, #tpu.memory_space<hbm>>
      tpu.enqueue_dma source(%dma_start3A_791 : memref<64x128xf32, #tpu.memory_space<hbm>>) target(%arg15 : memref<64x128xf32, #tpu.memory_space<vmem>>) target_semaphore(%arg24 : memref<!tpu.dma_semaphore, #tpu.memory_space<semaphore_mem>>)
      %dma_wait3A_792 = arith.constant 0 : i32
      %dma_wait3A_793 = tpu.memref_slice %arg3[%dma_wait3A_792, %multiple_of3A_584] : memref<64x1000000xf32, #tpu.memory_space<hbm>> -> memref<64x128xf32, #tpu.memory_space<hbm>>
      %dma_wait3A_794 = arith.constant 0 : i32
      %dma_wait3A_795 = tpu.memref_slice %arg3[%dma_wait3A_794, %multiple_of3A_584] : memref<64x1000000xf32, #tpu.memory_space<hbm>> -> memref<64x128xf32, #tpu.memory_space<hbm>>
      tpu.wait_dma2 semaphore(%arg25 : memref<!tpu.dma_semaphore, #tpu.memory_space<semaphore_mem>>) src(%dma_wait3A_795 : memref<64x128xf32, #tpu.memory_space<hbm>>) dst(%arg16 : memref<64x128xf32, #tpu.memory_space<vmem>>)
      %slice3A_796 = vector.extract_strided_slice %and3A_43 {offsets = [7], sizes = [1], strides = [1]} : vector<16xi32> to vector<1xi32>
      %squeeze3A_797 = vector.extract %slice3A_796[0] : i32 from vector<1xi32>
      %mul3A_798 = arith.constant 32 : i32
      %mul3A_799 = arith.muli %add3A_25, %mul3A_798 : i32
      %add3A_800 = arith.constant 31 : i32
      %add3A_801 = arith.addi %mul3A_799, %add3A_800 : i32
      %sub3A_802 = arith.constant 8 : i32
      %sub3A_803 = arith.subi %add3A_801, %sub3A_802 : i32
      %broadcast_in_dim3A_804 = vector.broadcast %squeeze3A_797 : i32 to vector<16xi32>
      %broadcast_in_dim3A_805 = vector.broadcast %sub3A_803 : i32 to vector<16xi32>
      %gather3A_806 = tpu.vector_load_idx %arg16[%add3A_6, %broadcast_in_dim3A_804] : memref<64x128xf32, #tpu.memory_space<vmem>>[vector<16xi32>, vector<16xi32>], vector<16xf32>,
      tpu.vector_store_idx %arg8[%add3A_6, %broadcast_in_dim3A_805], %gather3A_806 : memref<64x512xf32, #tpu.memory_space<vmem>>[vector<16xi32>, vector<16xi32>], vector<16xf32>,
      %gather3A_807 = tpu.vector_load_idx %arg16[%add3A_9, %broadcast_in_dim3A_804] : memref<64x128xf32, #tpu.memory_space<vmem>>[vector<16xi32>, vector<16xi32>], vector<16xf32>,
      tpu.vector_store_idx %arg8[%add3A_9, %broadcast_in_dim3A_805], %gather3A_807 : memref<64x512xf32, #tpu.memory_space<vmem>>[vector<16xi32>, vector<16xi32>], vector<16xf32>,
      %gather3A_808 = tpu.vector_load_idx %arg16[%add3A_12, %broadcast_in_dim3A_804] : memref<64x128xf32, #tpu.memory_space<vmem>>[vector<16xi32>, vector<16xi32>], vector<16xf32>,
      tpu.vector_store_idx %arg8[%add3A_12, %broadcast_in_dim3A_805], %gather3A_808 : memref<64x512xf32, #tpu.memory_space<vmem>>[vector<16xi32>, vector<16xi32>], vector<16xf32>,
      %gather3A_809 = tpu.vector_load_idx %arg16[%add3A_15, %broadcast_in_dim3A_804] : memref<64x128xf32, #tpu.memory_space<vmem>>[vector<16xi32>, vector<16xi32>], vector<16xf32>,
      tpu.vector_store_idx %arg8[%add3A_15, %broadcast_in_dim3A_805], %gather3A_809 : memref<64x512xf32, #tpu.memory_space<vmem>>[vector<16xi32>, vector<16xi32>], vector<16xf32>,
      %slice3A_810 = vector.extract_strided_slice %gather3A_38 {offsets = [15], sizes = [1], strides = [1]} : vector<16xi32> to vector<1xi32>
      %squeeze3A_811 = vector.extract %slice3A_810[0] : i32 from vector<1xi32>
      %shift_right_arithmetic3A_812 = arith.constant 7 : i32
      %shift_right_arithmetic3A_813 = arith.shrsi %squeeze3A_811, %shift_right_arithmetic3A_812 : i32
      %shift_left3A_814 = arith.constant 7 : i32
      %shift_left3A_815 = arith.shli %shift_right_arithmetic3A_813, %shift_left3A_814 : i32
      %multiple_of3A_816 = tpu.assume_multiple %shift_left3A_815, 128 : i32
      %dma_start3A_817 = arith.constant 0 : i32
      %dma_start3A_818 = tpu.memref_slice %arg3[%dma_start3A_817, %multiple_of3A_816] : memref<64x1000000xf32, #tpu.memory_space<hbm>> -> memref<64x128xf32, #tpu.memory_space<hbm>>
      %dma_start3A_819 = arith.constant 0 : i32
      %dma_start3A_820 = tpu.memref_slice %arg3[%dma_start3A_819, %multiple_of3A_816] : memref<64x1000000xf32, #tpu.memory_space<hbm>> -> memref<64x128xf32, #tpu.memory_space<hbm>>
      tpu.enqueue_dma source(%dma_start3A_820 : memref<64x128xf32, #tpu.memory_space<hbm>>) target(%arg16 : memref<64x128xf32, #tpu.memory_space<vmem>>) target_semaphore(%arg25 : memref<!tpu.dma_semaphore, #tpu.memory_space<semaphore_mem>>)
      %dma_wait3A_821 = arith.constant 0 : i32
      %dma_wait3A_822 = tpu.memref_slice %arg3[%dma_wait3A_821, %multiple_of3A_613] : memref<64x1000000xf32, #tpu.memory_space<hbm>> -> memref<64x128xf32, #tpu.memory_space<hbm>>
      %dma_wait3A_823 = arith.constant 0 : i32
      %dma_wait3A_824 = tpu.memref_slice %arg3[%dma_wait3A_823, %multiple_of3A_613] : memref<64x1000000xf32, #tpu.memory_space<hbm>> -> memref<64x128xf32, #tpu.memory_space<hbm>>
      tpu.wait_dma2 semaphore(%arg18 : memref<!tpu.dma_semaphore, #tpu.memory_space<semaphore_mem>>) src(%dma_wait3A_824 : memref<64x128xf32, #tpu.memory_space<hbm>>) dst(%arg9 : memref<64x128xf32, #tpu.memory_space<vmem>>)
      %slice3A_825 = vector.extract_strided_slice %and3A_43 {offsets = [8], sizes = [1], strides = [1]} : vector<16xi32> to vector<1xi32>
      %squeeze3A_826 = vector.extract %slice3A_825[0] : i32 from vector<1xi32>
      %mul3A_827 = arith.constant 32 : i32
      %mul3A_828 = arith.muli %add3A_25, %mul3A_827 : i32
      %add3A_829 = arith.constant 24 : i32
      %add3A_830 = arith.addi %mul3A_828, %add3A_829 : i32
      %broadcast_in_dim3A_831 = vector.broadcast %squeeze3A_826 : i32 to vector<16xi32>
      %broadcast_in_dim3A_832 = vector.broadcast %add3A_830 : i32 to vector<16xi32>
      %gather3A_833 = tpu.vector_load_idx %arg9[%add3A_6, %broadcast_in_dim3A_831] : memref<64x128xf32, #tpu.memory_space<vmem>>[vector<16xi32>, vector<16xi32>], vector<16xf32>,
      tpu.vector_store_idx %arg8[%add3A_6, %broadcast_in_dim3A_832], %gather3A_833 : memref<64x512xf32, #tpu.memory_space<vmem>>[vector<16xi32>, vector<16xi32>], vector<16xf32>,
      %gather3A_834 = tpu.vector_load_idx %arg9[%add3A_9, %broadcast_in_dim3A_831] : memref<64x128xf32, #tpu.memory_space<vmem>>[vector<16xi32>, vector<16xi32>], vector<16xf32>,
      tpu.vector_store_idx %arg8[%add3A_9, %broadcast_in_dim3A_832], %gather3A_834 : memref<64x512xf32, #tpu.memory_space<vmem>>[vector<16xi32>, vector<16xi32>], vector<16xf32>,
      %gather3A_835 = tpu.vector_load_idx %arg9[%add3A_12, %broadcast_in_dim3A_831] : memref<64x128xf32, #tpu.memory_space<vmem>>[vector<16xi32>, vector<16xi32>], vector<16xf32>,
      tpu.vector_store_idx %arg8[%add3A_12, %broadcast_in_dim3A_832], %gather3A_835 : memref<64x512xf32, #tpu.memory_space<vmem>>[vector<16xi32>, vector<16xi32>], vector<16xf32>,
      %gather3A_836 = tpu.vector_load_idx %arg9[%add3A_15, %broadcast_in_dim3A_831] : memref<64x128xf32, #tpu.memory_space<vmem>>[vector<16xi32>, vector<16xi32>], vector<16xf32>,
      tpu.vector_store_idx %arg8[%add3A_15, %broadcast_in_dim3A_832], %gather3A_836 : memref<64x512xf32, #tpu.memory_space<vmem>>[vector<16xi32>, vector<16xi32>], vector<16xf32>,
      %dma_wait3A_837 = arith.constant 0 : i32
      %dma_wait3A_838 = tpu.memref_slice %arg3[%dma_wait3A_837, %multiple_of3A_642] : memref<64x1000000xf32, #tpu.memory_space<hbm>> -> memref<64x128xf32, #tpu.memory_space<hbm>>
      %dma_wait3A_839 = arith.constant 0 : i32
      %dma_wait3A_840 = tpu.memref_slice %arg3[%dma_wait3A_839, %multiple_of3A_642] : memref<64x1000000xf32, #tpu.memory_space<hbm>> -> memref<64x128xf32, #tpu.memory_space<hbm>>
      tpu.wait_dma2 semaphore(%arg19 : memref<!tpu.dma_semaphore, #tpu.memory_space<semaphore_mem>>) src(%dma_wait3A_840 : memref<64x128xf32, #tpu.memory_space<hbm>>) dst(%arg10 : memref<64x128xf32, #tpu.memory_space<vmem>>)
      %slice3A_841 = vector.extract_strided_slice %and3A_43 {offsets = [9], sizes = [1], strides = [1]} : vector<16xi32> to vector<1xi32>
      %squeeze3A_842 = vector.extract %slice3A_841[0] : i32 from vector<1xi32>
      %mul3A_843 = arith.constant 32 : i32
      %mul3A_844 = arith.muli %add3A_25, %mul3A_843 : i32
      %add3A_845 = arith.constant 25 : i32
      %add3A_846 = arith.addi %mul3A_844, %add3A_845 : i32
      %broadcast_in_dim3A_847 = vector.broadcast %squeeze3A_842 : i32 to vector<16xi32>
      %broadcast_in_dim3A_848 = vector.broadcast %add3A_846 : i32 to vector<16xi32>
      %gather3A_849 = tpu.vector_load_idx %arg10[%add3A_6, %broadcast_in_dim3A_847] : memref<64x128xf32, #tpu.memory_space<vmem>>[vector<16xi32>, vector<16xi32>], vector<16xf32>,
      tpu.vector_store_idx %arg8[%add3A_6, %broadcast_in_dim3A_848], %gather3A_849 : memref<64x512xf32, #tpu.memory_space<vmem>>[vector<16xi32>, vector<16xi32>], vector<16xf32>,
      %gather3A_850 = tpu.vector_load_idx %arg10[%add3A_9, %broadcast_in_dim3A_847] : memref<64x128xf32, #tpu.memory_space<vmem>>[vector<16xi32>, vector<16xi32>], vector<16xf32>,
      tpu.vector_store_idx %arg8[%add3A_9, %broadcast_in_dim3A_848], %gather3A_850 : memref<64x512xf32, #tpu.memory_space<vmem>>[vector<16xi32>, vector<16xi32>], vector<16xf32>,
      %gather3A_851 = tpu.vector_load_idx %arg10[%add3A_12, %broadcast_in_dim3A_847] : memref<64x128xf32, #tpu.memory_space<vmem>>[vector<16xi32>, vector<16xi32>], vector<16xf32>,
      tpu.vector_store_idx %arg8[%add3A_12, %broadcast_in_dim3A_848], %gather3A_851 : memref<64x512xf32, #tpu.memory_space<vmem>>[vector<16xi32>, vector<16xi32>], vector<16xf32>,
      %gather3A_852 = tpu.vector_load_idx %arg10[%add3A_15, %broadcast_in_dim3A_847] : memref<64x128xf32, #tpu.memory_space<vmem>>[vector<16xi32>, vector<16xi32>], vector<16xf32>,
      tpu.vector_store_idx %arg8[%add3A_15, %broadcast_in_dim3A_848], %gather3A_852 : memref<64x512xf32, #tpu.memory_space<vmem>>[vector<16xi32>, vector<16xi32>], vector<16xf32>,
      %dma_wait3A_853 = arith.constant 0 : i32
      %dma_wait3A_854 = tpu.memref_slice %arg3[%dma_wait3A_853, %multiple_of3A_671] : memref<64x1000000xf32, #tpu.memory_space<hbm>> -> memref<64x128xf32, #tpu.memory_space<hbm>>
      %dma_wait3A_855 = arith.constant 0 : i32
      %dma_wait3A_856 = tpu.memref_slice %arg3[%dma_wait3A_855, %multiple_of3A_671] : memref<64x1000000xf32, #tpu.memory_space<hbm>> -> memref<64x128xf32, #tpu.memory_space<hbm>>
      tpu.wait_dma2 semaphore(%arg20 : memref<!tpu.dma_semaphore, #tpu.memory_space<semaphore_mem>>) src(%dma_wait3A_856 : memref<64x128xf32, #tpu.memory_space<hbm>>) dst(%arg11 : memref<64x128xf32, #tpu.memory_space<vmem>>)
      %slice3A_857 = vector.extract_strided_slice %and3A_43 {offsets = [10], sizes = [1], strides = [1]} : vector<16xi32> to vector<1xi32>
      %squeeze3A_858 = vector.extract %slice3A_857[0] : i32 from vector<1xi32>
      %mul3A_859 = arith.constant 32 : i32
      %mul3A_860 = arith.muli %add3A_25, %mul3A_859 : i32
      %add3A_861 = arith.constant 26 : i32
      %add3A_862 = arith.addi %mul3A_860, %add3A_861 : i32
      %broadcast_in_dim3A_863 = vector.broadcast %squeeze3A_858 : i32 to vector<16xi32>
      %broadcast_in_dim3A_864 = vector.broadcast %add3A_862 : i32 to vector<16xi32>
      %gather3A_865 = tpu.vector_load_idx %arg11[%add3A_6, %broadcast_in_dim3A_863] : memref<64x128xf32, #tpu.memory_space<vmem>>[vector<16xi32>, vector<16xi32>], vector<16xf32>,
      tpu.vector_store_idx %arg8[%add3A_6, %broadcast_in_dim3A_864], %gather3A_865 : memref<64x512xf32, #tpu.memory_space<vmem>>[vector<16xi32>, vector<16xi32>], vector<16xf32>,
      %gather3A_866 = tpu.vector_load_idx %arg11[%add3A_9, %broadcast_in_dim3A_863] : memref<64x128xf32, #tpu.memory_space<vmem>>[vector<16xi32>, vector<16xi32>], vector<16xf32>,
      tpu.vector_store_idx %arg8[%add3A_9, %broadcast_in_dim3A_864], %gather3A_866 : memref<64x512xf32, #tpu.memory_space<vmem>>[vector<16xi32>, vector<16xi32>], vector<16xf32>,
      %gather3A_867 = tpu.vector_load_idx %arg11[%add3A_12, %broadcast_in_dim3A_863] : memref<64x128xf32, #tpu.memory_space<vmem>>[vector<16xi32>, vector<16xi32>], vector<16xf32>,
      tpu.vector_store_idx %arg8[%add3A_12, %broadcast_in_dim3A_864], %gather3A_867 : memref<64x512xf32, #tpu.memory_space<vmem>>[vector<16xi32>, vector<16xi32>], vector<16xf32>,
      %gather3A_868 = tpu.vector_load_idx %arg11[%add3A_15, %broadcast_in_dim3A_863] : memref<64x128xf32, #tpu.memory_space<vmem>>[vector<16xi32>, vector<16xi32>], vector<16xf32>,
      tpu.vector_store_idx %arg8[%add3A_15, %broadcast_in_dim3A_864], %gather3A_868 : memref<64x512xf32, #tpu.memory_space<vmem>>[vector<16xi32>, vector<16xi32>], vector<16xf32>,
      %dma_wait3A_869 = arith.constant 0 : i32
      %dma_wait3A_870 = tpu.memref_slice %arg3[%dma_wait3A_869, %multiple_of3A_700] : memref<64x1000000xf32, #tpu.memory_space<hbm>> -> memref<64x128xf32, #tpu.memory_space<hbm>>
      %dma_wait3A_871 = arith.constant 0 : i32
      %dma_wait3A_872 = tpu.memref_slice %arg3[%dma_wait3A_871, %multiple_of3A_700] : memref<64x1000000xf32, #tpu.memory_space<hbm>> -> memref<64x128xf32, #tpu.memory_space<hbm>>
      tpu.wait_dma2 semaphore(%arg21 : memref<!tpu.dma_semaphore, #tpu.memory_space<semaphore_mem>>) src(%dma_wait3A_872 : memref<64x128xf32, #tpu.memory_space<hbm>>) dst(%arg12 : memref<64x128xf32, #tpu.memory_space<vmem>>)
      %slice3A_873 = vector.extract_strided_slice %and3A_43 {offsets = [11], sizes = [1], strides = [1]} : vector<16xi32> to vector<1xi32>
      %squeeze3A_874 = vector.extract %slice3A_873[0] : i32 from vector<1xi32>
      %mul3A_875 = arith.constant 32 : i32
      %mul3A_876 = arith.muli %add3A_25, %mul3A_875 : i32
      %add3A_877 = arith.constant 27 : i32
      %add3A_878 = arith.addi %mul3A_876, %add3A_877 : i32
      %broadcast_in_dim3A_879 = vector.broadcast %squeeze3A_874 : i32 to vector<16xi32>
      %broadcast_in_dim3A_880 = vector.broadcast %add3A_878 : i32 to vector<16xi32>
      %gather3A_881 = tpu.vector_load_idx %arg12[%add3A_6, %broadcast_in_dim3A_879] : memref<64x128xf32, #tpu.memory_space<vmem>>[vector<16xi32>, vector<16xi32>], vector<16xf32>,
      tpu.vector_store_idx %arg8[%add3A_6, %broadcast_in_dim3A_880], %gather3A_881 : memref<64x512xf32, #tpu.memory_space<vmem>>[vector<16xi32>, vector<16xi32>], vector<16xf32>,
      %gather3A_882 = tpu.vector_load_idx %arg12[%add3A_9, %broadcast_in_dim3A_879] : memref<64x128xf32, #tpu.memory_space<vmem>>[vector<16xi32>, vector<16xi32>], vector<16xf32>,
      tpu.vector_store_idx %arg8[%add3A_9, %broadcast_in_dim3A_880], %gather3A_882 : memref<64x512xf32, #tpu.memory_space<vmem>>[vector<16xi32>, vector<16xi32>], vector<16xf32>,
      %gather3A_883 = tpu.vector_load_idx %arg12[%add3A_12, %broadcast_in_dim3A_879] : memref<64x128xf32, #tpu.memory_space<vmem>>[vector<16xi32>, vector<16xi32>], vector<16xf32>,
      tpu.vector_store_idx %arg8[%add3A_12, %broadcast_in_dim3A_880], %gather3A_883 : memref<64x512xf32, #tpu.memory_space<vmem>>[vector<16xi32>, vector<16xi32>], vector<16xf32>,
      %gather3A_884 = tpu.vector_load_idx %arg12[%add3A_15, %broadcast_in_dim3A_879] : memref<64x128xf32, #tpu.memory_space<vmem>>[vector<16xi32>, vector<16xi32>], vector<16xf32>,
      tpu.vector_store_idx %arg8[%add3A_15, %broadcast_in_dim3A_880], %gather3A_884 : memref<64x512xf32, #tpu.memory_space<vmem>>[vector<16xi32>, vector<16xi32>], vector<16xf32>,
      %dma_wait3A_885 = arith.constant 0 : i32
      %dma_wait3A_886 = tpu.memref_slice %arg3[%dma_wait3A_885, %multiple_of3A_729] : memref<64x1000000xf32, #tpu.memory_space<hbm>> -> memref<64x128xf32, #tpu.memory_space<hbm>>
      %dma_wait3A_887 = arith.constant 0 : i32
      %dma_wait3A_888 = tpu.memref_slice %arg3[%dma_wait3A_887, %multiple_of3A_729] : memref<64x1000000xf32, #tpu.memory_space<hbm>> -> memref<64x128xf32, #tpu.memory_space<hbm>>
      tpu.wait_dma2 semaphore(%arg22 : memref<!tpu.dma_semaphore, #tpu.memory_space<semaphore_mem>>) src(%dma_wait3A_888 : memref<64x128xf32, #tpu.memory_space<hbm>>) dst(%arg13 : memref<64x128xf32, #tpu.memory_space<vmem>>)
      %slice3A_889 = vector.extract_strided_slice %and3A_43 {offsets = [12], sizes = [1], strides = [1]} : vector<16xi32> to vector<1xi32>
      %squeeze3A_890 = vector.extract %slice3A_889[0] : i32 from vector<1xi32>
      %mul3A_891 = arith.constant 32 : i32
      %mul3A_892 = arith.muli %add3A_25, %mul3A_891 : i32
      %add3A_893 = arith.constant 28 : i32
      %add3A_894 = arith.addi %mul3A_892, %add3A_893 : i32
      %broadcast_in_dim3A_895 = vector.broadcast %squeeze3A_890 : i32 to vector<16xi32>
      %broadcast_in_dim3A_896 = vector.broadcast %add3A_894 : i32 to vector<16xi32>
      %gather3A_897 = tpu.vector_load_idx %arg13[%add3A_6, %broadcast_in_dim3A_895] : memref<64x128xf32, #tpu.memory_space<vmem>>[vector<16xi32>, vector<16xi32>], vector<16xf32>,
      tpu.vector_store_idx %arg8[%add3A_6, %broadcast_in_dim3A_896], %gather3A_897 : memref<64x512xf32, #tpu.memory_space<vmem>>[vector<16xi32>, vector<16xi32>], vector<16xf32>,
      %gather3A_898 = tpu.vector_load_idx %arg13[%add3A_9, %broadcast_in_dim3A_895] : memref<64x128xf32, #tpu.memory_space<vmem>>[vector<16xi32>, vector<16xi32>], vector<16xf32>,
      tpu.vector_store_idx %arg8[%add3A_9, %broadcast_in_dim3A_896], %gather3A_898 : memref<64x512xf32, #tpu.memory_space<vmem>>[vector<16xi32>, vector<16xi32>], vector<16xf32>,
      %gather3A_899 = tpu.vector_load_idx %arg13[%add3A_12, %broadcast_in_dim3A_895] : memref<64x128xf32, #tpu.memory_space<vmem>>[vector<16xi32>, vector<16xi32>], vector<16xf32>,
      tpu.vector_store_idx %arg8[%add3A_12, %broadcast_in_dim3A_896], %gather3A_899 : memref<64x512xf32, #tpu.memory_space<vmem>>[vector<16xi32>, vector<16xi32>], vector<16xf32>,
      %gather3A_900 = tpu.vector_load_idx %arg13[%add3A_15, %broadcast_in_dim3A_895] : memref<64x128xf32, #tpu.memory_space<vmem>>[vector<16xi32>, vector<16xi32>], vector<16xf32>,
      tpu.vector_store_idx %arg8[%add3A_15, %broadcast_in_dim3A_896], %gather3A_900 : memref<64x512xf32, #tpu.memory_space<vmem>>[vector<16xi32>, vector<16xi32>], vector<16xf32>,
      %dma_wait3A_901 = arith.constant 0 : i32
      %dma_wait3A_902 = tpu.memref_slice %arg3[%dma_wait3A_901, %multiple_of3A_758] : memref<64x1000000xf32, #tpu.memory_space<hbm>> -> memref<64x128xf32, #tpu.memory_space<hbm>>
      %dma_wait3A_903 = arith.constant 0 : i32
      %dma_wait3A_904 = tpu.memref_slice %arg3[%dma_wait3A_903, %multiple_of3A_758] : memref<64x1000000xf32, #tpu.memory_space<hbm>> -> memref<64x128xf32, #tpu.memory_space<hbm>>
      tpu.wait_dma2 semaphore(%arg23 : memref<!tpu.dma_semaphore, #tpu.memory_space<semaphore_mem>>) src(%dma_wait3A_904 : memref<64x128xf32, #tpu.memory_space<hbm>>) dst(%arg14 : memref<64x128xf32, #tpu.memory_space<vmem>>)
      %slice3A_905 = vector.extract_strided_slice %and3A_43 {offsets = [13], sizes = [1], strides = [1]} : vector<16xi32> to vector<1xi32>
      %squeeze3A_906 = vector.extract %slice3A_905[0] : i32 from vector<1xi32>
      %mul3A_907 = arith.constant 32 : i32
      %mul3A_908 = arith.muli %add3A_25, %mul3A_907 : i32
      %add3A_909 = arith.constant 29 : i32
      %add3A_910 = arith.addi %mul3A_908, %add3A_909 : i32
      %broadcast_in_dim3A_911 = vector.broadcast %squeeze3A_906 : i32 to vector<16xi32>
      %broadcast_in_dim3A_912 = vector.broadcast %add3A_910 : i32 to vector<16xi32>
      %gather3A_913 = tpu.vector_load_idx %arg14[%add3A_6, %broadcast_in_dim3A_911] : memref<64x128xf32, #tpu.memory_space<vmem>>[vector<16xi32>, vector<16xi32>], vector<16xf32>,
      tpu.vector_store_idx %arg8[%add3A_6, %broadcast_in_dim3A_912], %gather3A_913 : memref<64x512xf32, #tpu.memory_space<vmem>>[vector<16xi32>, vector<16xi32>], vector<16xf32>,
      %gather3A_914 = tpu.vector_load_idx %arg14[%add3A_9, %broadcast_in_dim3A_911] : memref<64x128xf32, #tpu.memory_space<vmem>>[vector<16xi32>, vector<16xi32>], vector<16xf32>,
      tpu.vector_store_idx %arg8[%add3A_9, %broadcast_in_dim3A_912], %gather3A_914 : memref<64x512xf32, #tpu.memory_space<vmem>>[vector<16xi32>, vector<16xi32>], vector<16xf32>,
      %gather3A_915 = tpu.vector_load_idx %arg14[%add3A_12, %broadcast_in_dim3A_911] : memref<64x128xf32, #tpu.memory_space<vmem>>[vector<16xi32>, vector<16xi32>], vector<16xf32>,
      tpu.vector_store_idx %arg8[%add3A_12, %broadcast_in_dim3A_912], %gather3A_915 : memref<64x512xf32, #tpu.memory_space<vmem>>[vector<16xi32>, vector<16xi32>], vector<16xf32>,
      %gather3A_916 = tpu.vector_load_idx %arg14[%add3A_15, %broadcast_in_dim3A_911] : memref<64x128xf32, #tpu.memory_space<vmem>>[vector<16xi32>, vector<16xi32>], vector<16xf32>,
      tpu.vector_store_idx %arg8[%add3A_15, %broadcast_in_dim3A_912], %gather3A_916 : memref<64x512xf32, #tpu.memory_space<vmem>>[vector<16xi32>, vector<16xi32>], vector<16xf32>,
      %dma_wait3A_917 = arith.constant 0 : i32
      %dma_wait3A_918 = tpu.memref_slice %arg3[%dma_wait3A_917, %multiple_of3A_787] : memref<64x1000000xf32, #tpu.memory_space<hbm>> -> memref<64x128xf32, #tpu.memory_space<hbm>>
      %dma_wait3A_919 = arith.constant 0 : i32
      %dma_wait3A_920 = tpu.memref_slice %arg3[%dma_wait3A_919, %multiple_of3A_787] : memref<64x1000000xf32, #tpu.memory_space<hbm>> -> memref<64x128xf32, #tpu.memory_space<hbm>>
      tpu.wait_dma2 semaphore(%arg24 : memref<!tpu.dma_semaphore, #tpu.memory_space<semaphore_mem>>) src(%dma_wait3A_920 : memref<64x128xf32, #tpu.memory_space<hbm>>) dst(%arg15 : memref<64x128xf32, #tpu.memory_space<vmem>>)
      %slice3A_921 = vector.extract_strided_slice %and3A_43 {offsets = [14], sizes = [1], strides = [1]} : vector<16xi32> to vector<1xi32>
      %squeeze3A_922 = vector.extract %slice3A_921[0] : i32 from vector<1xi32>
      %mul3A_923 = arith.constant 32 : i32
      %mul3A_924 = arith.muli %add3A_25, %mul3A_923 : i32
      %add3A_925 = arith.constant 30 : i32
      %add3A_926 = arith.addi %mul3A_924, %add3A_925 : i32
      %broadcast_in_dim3A_927 = vector.broadcast %squeeze3A_922 : i32 to vector<16xi32>
      %broadcast_in_dim3A_928 = vector.broadcast %add3A_926 : i32 to vector<16xi32>
      %gather3A_929 = tpu.vector_load_idx %arg15[%add3A_6, %broadcast_in_dim3A_927] : memref<64x128xf32, #tpu.memory_space<vmem>>[vector<16xi32>, vector<16xi32>], vector<16xf32>,
      tpu.vector_store_idx %arg8[%add3A_6, %broadcast_in_dim3A_928], %gather3A_929 : memref<64x512xf32, #tpu.memory_space<vmem>>[vector<16xi32>, vector<16xi32>], vector<16xf32>,
      %gather3A_930 = tpu.vector_load_idx %arg15[%add3A_9, %broadcast_in_dim3A_927] : memref<64x128xf32, #tpu.memory_space<vmem>>[vector<16xi32>, vector<16xi32>], vector<16xf32>,
      tpu.vector_store_idx %arg8[%add3A_9, %broadcast_in_dim3A_928], %gather3A_930 : memref<64x512xf32, #tpu.memory_space<vmem>>[vector<16xi32>, vector<16xi32>], vector<16xf32>,
      %gather3A_931 = tpu.vector_load_idx %arg15[%add3A_12, %broadcast_in_dim3A_927] : memref<64x128xf32, #tpu.memory_space<vmem>>[vector<16xi32>, vector<16xi32>], vector<16xf32>,
      tpu.vector_store_idx %arg8[%add3A_12, %broadcast_in_dim3A_928], %gather3A_931 : memref<64x512xf32, #tpu.memory_space<vmem>>[vector<16xi32>, vector<16xi32>], vector<16xf32>,
      %gather3A_932 = tpu.vector_load_idx %arg15[%add3A_15, %broadcast_in_dim3A_927] : memref<64x128xf32, #tpu.memory_space<vmem>>[vector<16xi32>, vector<16xi32>], vector<16xf32>,
      tpu.vector_store_idx %arg8[%add3A_15, %broadcast_in_dim3A_928], %gather3A_932 : memref<64x512xf32, #tpu.memory_space<vmem>>[vector<16xi32>, vector<16xi32>], vector<16xf32>,
      %dma_wait3A_933 = arith.constant 0 : i32
      %dma_wait3A_934 = tpu.memref_slice %arg3[%dma_wait3A_933, %multiple_of3A_816] : memref<64x1000000xf32, #tpu.memory_space<hbm>> -> memref<64x128xf32, #tpu.memory_space<hbm>>
      %dma_wait3A_935 = arith.constant 0 : i32
      %dma_wait3A_936 = tpu.memref_slice %arg3[%dma_wait3A_935, %multiple_of3A_816] : memref<64x1000000xf32, #tpu.memory_space<hbm>> -> memref<64x128xf32, #tpu.memory_space<hbm>>
      tpu.wait_dma2 semaphore(%arg25 : memref<!tpu.dma_semaphore, #tpu.memory_space<semaphore_mem>>) src(%dma_wait3A_936 : memref<64x128xf32, #tpu.memory_space<hbm>>) dst(%arg16 : memref<64x128xf32, #tpu.memory_space<vmem>>)
      %slice3A_937 = vector.extract_strided_slice %and3A_43 {offsets = [15], sizes = [1], strides = [1]} : vector<16xi32> to vector<1xi32>
      %squeeze3A_938 = vector.extract %slice3A_937[0] : i32 from vector<1xi32>
      %mul3A_939 = arith.constant 32 : i32
      %mul3A_940 = arith.muli %add3A_25, %mul3A_939 : i32
      %add3A_941 = arith.constant 31 : i32
      %add3A_942 = arith.addi %mul3A_940, %add3A_941 : i32
      %broadcast_in_dim3A_943 = vector.broadcast %squeeze3A_938 : i32 to vector<16xi32>
      %broadcast_in_dim3A_944 = vector.broadcast %add3A_942 : i32 to vector<16xi32>
      %gather3A_945 = tpu.vector_load_idx %arg16[%add3A_6, %broadcast_in_dim3A_943] : memref<64x128xf32, #tpu.memory_space<vmem>>[vector<16xi32>, vector<16xi32>], vector<16xf32>,
      tpu.vector_store_idx %arg8[%add3A_6, %broadcast_in_dim3A_944], %gather3A_945 : memref<64x512xf32, #tpu.memory_space<vmem>>[vector<16xi32>, vector<16xi32>], vector<16xf32>,
      %gather3A_946 = tpu.vector_load_idx %arg16[%add3A_9, %broadcast_in_dim3A_943] : memref<64x128xf32, #tpu.memory_space<vmem>>[vector<16xi32>, vector<16xi32>], vector<16xf32>,
      tpu.vector_store_idx %arg8[%add3A_9, %broadcast_in_dim3A_944], %gather3A_946 : memref<64x512xf32, #tpu.memory_space<vmem>>[vector<16xi32>, vector<16xi32>], vector<16xf32>,
      %gather3A_947 = tpu.vector_load_idx %arg16[%add3A_12, %broadcast_in_dim3A_943] : memref<64x128xf32, #tpu.memory_space<vmem>>[vector<16xi32>, vector<16xi32>], vector<16xf32>,
      tpu.vector_store_idx %arg8[%add3A_12, %broadcast_in_dim3A_944], %gather3A_947 : memref<64x512xf32, #tpu.memory_space<vmem>>[vector<16xi32>, vector<16xi32>], vector<16xf32>,
      %gather3A_948 = tpu.vector_load_idx %arg16[%add3A_15, %broadcast_in_dim3A_943] : memref<64x128xf32, #tpu.memory_space<vmem>>[vector<16xi32>, vector<16xi32>], vector<16xf32>,
      tpu.vector_store_idx %arg8[%add3A_15, %broadcast_in_dim3A_944], %gather3A_948 : memref<64x512xf32, #tpu.memory_space<vmem>>[vector<16xi32>, vector<16xi32>], vector<16xf32>,
    }
    %scan3A_19 = arith.constant 16 : i32
    %dma_wait3A = arith.constant 0 : i32
    %dma_wait3A_20 = tpu.memref_slice %arg4[%dma_wait3A] : memref<1000000xi32, #tpu.memory_space<hbm>> -> memref<1000000xi32, #tpu.memory_space<hbm>>
    tpu.wait_indirect_dma semaphore(%arg26 : memref<!tpu.dma_semaphore, #tpu.memory_space<semaphore_mem>>) src(%dma_wait3A_20 : memref<1000000xi32, #tpu.memory_space<hbm>>) dst(%arg17 : memref<512xi32, #tpu.memory_space<vmem>>)
    "tpu.region"() ({
      %run_scoped3A = tpu.sem_alloc : memref<!tpu.dma_semaphore, #tpu.memory_space<semaphore_mem>>
      %dma_start3A_21 = tpu.memref_slice %arg6[%mul3A_2] : memref<16384xi32, #tpu.memory_space<hbm>> -> memref<512xi32, #tpu.memory_space<hbm>>
      %dma_start3A_22 = tpu.memref_slice %arg6[%mul3A_2] : memref<16384xi32, #tpu.memory_space<hbm>> -> memref<512xi32, #tpu.memory_space<hbm>>
      tpu.enqueue_dma source(%arg17 : memref<512xi32, #tpu.memory_space<vmem>>) target(%dma_start3A_22 : memref<512xi32, #tpu.memory_space<hbm>>) target_semaphore(%run_scoped3A : memref<!tpu.dma_semaphore, #tpu.memory_space<semaphore_mem>>)
      %dma_wait3A_23 = tpu.memref_slice %arg6[%mul3A_2] : memref<16384xi32, #tpu.memory_space<hbm>> -> memref<512xi32, #tpu.memory_space<hbm>>
      %dma_wait3A_24 = tpu.memref_slice %arg6[%mul3A_2] : memref<16384xi32, #tpu.memory_space<hbm>> -> memref<512xi32, #tpu.memory_space<hbm>>
      tpu.wait_dma2 semaphore(%run_scoped3A : memref<!tpu.dma_semaphore, #tpu.memory_space<semaphore_mem>>) src(%arg17 : memref<512xi32, #tpu.memory_space<vmem>>) dst(%dma_wait3A_24 : memref<512xi32, #tpu.memory_space<hbm>>)
      tpu.yield
    }) : () -> ()
    "tpu.region"() ({
      %run_scoped3A = tpu.sem_alloc : memref<!tpu.dma_semaphore, #tpu.memory_space<semaphore_mem>>
      %dma_start3A_21 = arith.constant 0 : i32
      %dma_start3A_22 = tpu.memref_slice %arg5[%dma_start3A_21, %mul3A_2] : memref<64x16384xf32, #tpu.memory_space<hbm>> -> memref<64x512xf32, #tpu.memory_space<hbm>>
      %dma_start3A_23 = arith.constant 0 : i32
      %dma_start3A_24 = tpu.memref_slice %arg5[%dma_start3A_23, %mul3A_2] : memref<64x16384xf32, #tpu.memory_space<hbm>> -> memref<64x512xf32, #tpu.memory_space<hbm>>
      tpu.enqueue_dma source(%arg8 : memref<64x512xf32, #tpu.memory_space<vmem>>) target(%dma_start3A_24 : memref<64x512xf32, #tpu.memory_space<hbm>>) target_semaphore(%run_scoped3A : memref<!tpu.dma_semaphore, #tpu.memory_space<semaphore_mem>>)
      %dma_wait3A_25 = arith.constant 0 : i32
      %dma_wait3A_26 = tpu.memref_slice %arg5[%dma_wait3A_25, %mul3A_2] : memref<64x16384xf32, #tpu.memory_space<hbm>> -> memref<64x512xf32, #tpu.memory_space<hbm>>
      %dma_wait3A_27 = arith.constant 0 : i32
      %dma_wait3A_28 = tpu.memref_slice %arg5[%dma_wait3A_27, %mul3A_2] : memref<64x16384xf32, #tpu.memory_space<hbm>> -> memref<64x512xf32, #tpu.memory_space<hbm>>
      tpu.wait_dma2 semaphore(%run_scoped3A : memref<!tpu.dma_semaphore, #tpu.memory_space<semaphore_mem>>) src(%arg8 : memref<64x512xf32, #tpu.memory_space<vmem>>) dst(%dma_wait3A_28 : memref<64x512xf32, #tpu.memory_space<hbm>>)
      tpu.yield
    }) : () -> ()
    return
  }
}

</mosaic_0001>

<sc_bundles>
// kernel: kernel.3.cloned.1.call-start
scs
__scs_entry_jumppad:
0x0: {  	(pc) =	sbr.rel $0x88, $3  }
0x1: {  	(tag) =	ssettag $0x0;
	lr =	simm.s32 $0x1  }
0x2: {  	[smem:$0x3F9E] =	sst lr;
	_ =	strace $0xD0000000  }
0x3: {  	_ = 	snop  }
0x4: {  	_ = 	snop  }
0x5: {  	_ = 	snop  }
0x6: {  	_ = 	snop  }
0x7: {  	_ = 	snop  }
__scs_overlays_trampoline_lowered:
0x8: {  	[smem:$0x3FAD] =	sst s0  }
0x9: {  	[smem:$0x3FAE] =	sst s1  }
0xa: {  	[smem:$0x3FAF] =	sst s2  }
0xb: {  	[smem:$0x3FB0] =	sst s3  }
0xc: {  	[smem:$0x3FB1] =	sst s4  }
0xd: {  	[smem:$0x3FB2] =	sst s5  }
0xe: {  	[smem:$0x3FB3] =	sst s6  }
0xf: {  	[smem:$0x3FB4] =	sst s7  }
0x10: {  	[smem:$0x3FB5] =	sst s8  }
0x11: {  	[smem:$0x3FB6] =	sst s9;
	s0 =	simm.s32 @!p0 $0x0  }
0x12: {  	s1 =	sld [smem:$0x3F9C];
	s0 =	simm.s32 @p0 $0x1  }
0x13: {  	[smem:$0x3FB7] =	sst s0;
	s0 =	simm.s32 @!p1 $0x0  }
0x14: {  	s2 =	sld [smem:$0x3F9B];
	s0 =	simm.s32 @p1 $0x1  }
0x15: {  	[smem:$0x3FB8] =	sst s0;
	s0 =	simm.s32 @!p2 $0x0  }
0x16: {  	s3 =	sld [smem:$0x3FDB];
	s0 =	simm.s32 @p2 $0x1  }
0x17: {  	s4 =	simm.s32 $0x1BF5;
	[smem:$0x3FBA] =	sst s0  }
0x18: {  	s0 =	sld [smem:$0x3F9D];
	_ =	swait.ge [sflag:s4], $0x0  }
0x19: {  	s7 =	sld [smem:$0x3F9E]  }
0x1a: {  	s8 =	sadd.s32 $0xFFFFE003, lr  }
0x1b: {  	s9 =	sadd.s32 $0xFFFFFEF7, lr;
	s5 =	simm.s32 $0xFFFFFFFF;
	p2 =	slt.u32 s8, $0xFFFFF086  }
0x1c: {  	p1 =	slt.u32 s9, $0xF7A;
	s5 =	simm.s32 @!p2 $0x0  }
0x1d: {  	s5 =	simm.s32 @p1 $0x1;
	p0 =	seq.s32 s7, s2  }
0x1e: {  	s7 =	smul.u32 @!p0 $0xF7A, s2;
	p2 =	seq.s32 @!p0 s5, $0x0  }
0x1f: {  	s9 =	smul.u32 $0xF7A, s1;
	s8 =	simm.s32 @!p0 $0x1BF5;
	p2 =	por !p2, p0  }
0x20: {  	[sflag:s8] =	ssyncset.s32 @!p0 $0xFFFFF086;
	s6 =	sadd.s32 @!p0 s3, s7;
	s7 =	simm.s32 @!p0 $0x108  }
0x21: {  	s3 =	sadd.s32 s3, s9;
	s6 =	sadd.s32 @!p0 $0x88, s6;
	s7 =	simm.s32 @p2 $0x1082  }
0x22: {  	[simem:s7], [sflag:s8] =	dma.local @!p0 [hbm:s6], $0xF7A  }
0x23: {  	s9 =	sor.u32 $0xD0000000, s2;
	s6 =	simm.s32 $0x108;
	_ =	swait.ge @!p0 [sflag:s8], $0x0  }
0x24: {  	s3 =	sadd.s32 $0x88, s3;
	s6 =	simm.s32 @!p1 $0x1082;
	[sflag:s4] =	ssyncset.s32 $0xFFFFF086  }
0x25: {  	[simem:s6], [sflag:s4] =	dma.local [hbm:s3], $0xF7A  }
0x26: {  	[smem:$0x3F9E] =	sst s1;
	(tag) =	ssettag s2;
	_ =	strace s9  }
0x27: {  	s1 =	sld [smem:$0x3FAE]  }
0x28: {  	s2 =	sld [smem:$0x3FAF]  }
0x29: {  	s4 =	sld [smem:$0x3FB1]  }
0x2a: {  	p0 =	seq.s32 s5, $0x0;
	s5 =	sld [smem:$0x3FB2]  }
0x2b: {  	s6 =	sld [smem:$0x3FB3]  }
0x2c: {  	s7 =	sld [smem:$0x3FB4]  }
0x2d: {  	s3 =	simm.s32 $0x108;
	s8 =	sld [smem:$0x3FB5]  }
0x2e: {  	s3 =	simm.s32 @!p0 $0x1082;
	s9 =	sld [smem:$0x3FB6]  }
0x2f: {  	lr =	sadd.s32 s0, s3;
	s0 =	sld [smem:$0x3FAD]  }
0x30: {  	s3 =	sld [smem:$0x3FB0]  }
0x31: {  	[smem:$0x3FB9] =	sst s10  }
0x32: {  	s10 =	sld [smem:$0x3FB7];
	_ =	sdelay $0x3  }
0x33: {  	p0 =	seq.s32 s10, $0x1;
	s10 =	sld [smem:$0x3FB9];
	_ =	sdelay $0x3  }
0x34: {  	[smem:$0x3FB9] =	sst s10  }
0x35: {  	s10 =	sld [smem:$0x3FB8];
	_ =	sdelay $0x3  }
0x36: {  	p1 =	seq.s32 s10, $0x1;
	s10 =	sld [smem:$0x3FB9];
	_ =	sdelay $0x3  }
0x37: {  	[smem:$0x3FB9] =	sst s10  }
0x38: {  	s10 =	sld [smem:$0x3FBA]  }
0x39: {  	_ = 	snop;
	(pc) =	sbr.ind lr, $3  }
0x3a: {  	_ = 	snop  }
0x3b: {  	_ = 	snop  }
0x3c: {  	p2 =	seq.s32 s10, $0x1;
	s10 =	sld [smem:$0x3FB9]  }
0x3d: {  	_ =	shalt  }
0x3e: {  	_ =	shalt  }
0x3f: {  	_ =	shalt  }
0x40: {  	_ =	shalt  }
0x41: {  	_ =	shalt  }
0x42: {  	_ =	shalt  }
0x43: {  	_ =	shalt  }
0x44: {  	_ =	shalt  }
0x45: {  	_ =	shalt  }
0x46: {  	_ =	shalt  }
0x47: {  	_ =	shalt  }
0x48: {  	_ =	shalt  }
0x49: {  	_ =	shalt  }
0x4a: {  	_ =	shalt  }
0x4b: {  	_ =	shalt  }
0x4c: {  	_ =	shalt  }
0x4d: {  	_ =	shalt  }
0x4e: {  	_ =	shalt  }
0x4f: {  	_ =	shalt  }
0x50: {  	_ =	shalt  }
0x51: {  	_ =	shalt  }
0x52: {  	_ =	shalt  }
0x53: {  	_ =	shalt  }
0x54: {  	_ =	shalt  }
0x55: {  	_ =	shalt  }
0x56: {  	_ =	shalt  }
0x57: {  	_ =	shalt  }
0x58: {  	_ =	shalt  }
0x59: {  	_ =	shalt  }
0x5a: {  	_ =	shalt  }
0x5b: {  	_ =	shalt  }
0x5c: {  	_ =	shalt  }
0x5d: {  	_ =	shalt  }
0x5e: {  	_ =	shalt  }
0x5f: {  	_ =	shalt  }
0x60: {  	_ =	shalt  }
0x61: {  	_ =	shalt  }
0x62: {  	_ =	shalt  }
0x63: {  	_ =	shalt  }
0x64: {  	_ =	shalt  }
0x65: {  	_ =	shalt  }
0x66: {  	_ =	shalt  }
0x67: {  	_ =	shalt  }
0x68: {  	_ =	shalt  }
0x69: {  	_ =	shalt  }
0x6a: {  	_ =	shalt  }
0x6b: {  	_ =	shalt  }
0x6c: {  	_ =	shalt  }
0x6d: {  	_ =	shalt  }
0x6e: {  	_ =	shalt  }
0x6f: {  	_ =	shalt  }
0x70: {  	_ =	shalt  }
0x71: {  	_ =	shalt  }
0x72: {  	_ =	shalt  }
0x73: {  	_ =	shalt  }
0x74: {  	_ =	shalt  }
0x75: {  	_ =	shalt  }
0x76: {  	_ =	shalt  }
0x77: {  	_ =	shalt  }
0x78: {  	_ =	shalt  }
0x79: {  	_ =	shalt  }
0x7a: {  	_ =	shalt  }
0x7b: {  	_ =	shalt  }
0x7c: {  	_ =	shalt  }
0x7d: {  	_ =	shalt  }
0x7e: {  	_ =	shalt  }
0x7f: {  	_ =	shalt  }
0x80: {  	_ =	shalt  }
0x81: {  	_ =	shalt  }
0x82: {  	_ =	shalt  }
0x83: {  	_ =	shalt  }
0x84: {  	_ =	shalt  }
0x85: {  	_ =	shalt  }
0x86: {  	_ =	shalt  }
0x87: {  	_ =	shalt  }
.Lfunc_end0:
.L_simem_size_0:
called_computation_lowered:
.L_overlay_start_0:
0x88: {  	s2 =	sld [smem:$0x3FD9]  }
0x89: {  	s3 =	sld [smem:$0x3FFE];
	_ =	sdelay $0x1  }
0x8a: {  	s1 =	srdreg.scid  }
0x8b: {  	s0 =	sand.u32 $0x1, s1  }
0x8c: {  	s15 =	sshll.u32 s0, $0xA;
	s2 =	sadd.s32 s3, s2  }
0x8d: {  	s2 =	sadd.s32 s2, s15  }
0x8e: {  	[smem:$0x3FC5] =	sst s2  }
0x8f: {  	_ = 	snop  }
0x90: {  	s2 =	sld [smem:$0x3FD0]  }
0x91: {  	s16 =	sld [smem:$0x3FC9]  }
0x92: {  	s4 =	sld [smem:$0x3FC8]  }
0x93: {  	s6 =	simm.s32 $0xA;
	s7 =	simm.s32 $0x10;
	s5 =	sld [smem:$0x3FC7]  }
0x94: {  	[smem:s7], [sflag:s6] =	dma.local [hbm:s2], $0x1  }
0x95: {  	_ =	swait.eq [sflag:s6], $0x1  }
0x96: {  	[sflag:s6] =	ssyncset.done $0x0  }
0x97: {  	s17 =	sld [smem:$0x10];
	[sflag:s6] =	ssyncadd.s32 $0xFFFFFFFF  }
0x98: {  	s18 =	sld [smem:$0x11];
	(tm) =	ssettm $0x1  }
0x99: {  	s19 =	sld [smem:$0x3FFB];
	_ =	sdelay $0x3  }
0x9a: {  	_ =	strace s19  }
0x9b: {  	s7 =	sld [smem:$0x3FFC];
	_ =	sdelay $0x3  }
0x9c: {  	_ =	strace s7  }
0x9d: {  	s7 =	sld [smem:$0x3FFD];
	_ =	sdelay $0x3  }
0x9e: {  	_ =	strace s7  }
0x9f: {  	_ =	strace $0x8FFFFFFF  }
0xa0: {  	s20 =	sld [smem:$0x3FDB];
	_ =	sdelay $0x1  }
0xa1: {  	s8 =	simm.s32 $_scs_section_size  }
0xa2: {  	s9 =	simm.s32 $_size__tile_overlayer_lowered;
	s10 =	simm.s32 $_tile_overlayer_lowered  }
0xa3: {  	s23 =	simm.s32 $0x1BFF;
	s22 =	sshll.u32 s10, $0x1;
	s7 =	sadd.s32 s8, s20  }
0xa4: {  	s11 =	simm.s32 $0x0;
	s21 =	sshll.u32 s9, $0x1;
	s9 =	sadd.s32 s22, s7  }
0xa5: {  	[timem:s11], [sflag:s23] =	dma.local [hbm:s9], s21  }
0xa6: {  	_ =	swait.ge [sflag:s23], s21  }
0xa7: {  	s8 =	ssub.s32 $0x0, s21;
	[sflag:s23] =	ssyncset.done $0x0  }
0xa8: {  	[sflag:s23] =	ssyncadd.s32 s8;
	_ =	sdelay $0x1  }
0xa9: {  	s24 =	simm.s32 $0x1B8B  }
0xaa: {  	_ =	swait.ge [sflag:s24], $0x1  }
0xab: {  	[sflag:s24] =	ssyncset.done $0x0  }
0xac: {  	s25 =	simm.s32 $0x1B8E;
	[sflag:s24] =	ssyncadd.s32 $0xFFFFFFFF  }
0xad: {  	s26 =	simm.s32 $execute0_lowered;
	[smem:$0x3FD2] =	sst s25  }
0xae: {  	s8 =	sshll.u32 s26, $0x1;
	_ =	strace $0x80000046;
	[dreg:$0x1] =	wrdreg $0xFFFFFFFF  }
0xaf: {  	s28 =	simm.s32 $_size_execute0_lowered;
	s7 =	sadd.s32 s7, s8;
	[dreg:$0x0] =	wrdreg $0x0  }
0xb0: {  	s8 =	sshll.u32 s28, $0x1;
	[dreg:$0x2] =	wrdreg s7  }
0xb1: {  	[dreg:$0x3] =	wrdreg s8  }
0xb2: {  	[dreg:$0x4] =	wrdreg $0xC0  }
0xb3: {  	_ =	task [dreg:s11], $0x5FFFF  }
0xb4: {  	[dreg:$0x1] =	wrdreg $0xFFFFFFFF  }
0xb5: {  	[dreg:$0x0] =	wrdreg $0x60  }
0xb6: {  	[dreg:$0x2] =	wrdreg s16  }
0xb7: {  	[dreg:$0x3] =	wrdreg s4  }
0xb8: {  	[dreg:$0x4] =	wrdreg s5  }
0xb9: {  	[dreg:$0x5] =	wrdreg s17  }
0xba: {  	[dreg:$0x6] =	wrdreg s18  }
0xbb: {  	[dreg:$0x7] =	wrdreg $0x9  }
0xbc: {  	_ =	task.clear_ibuf [dreg:s11], $0x8FFFF;
	_ =	strace $0x90000046  }
0xbd: {  	s29 =	simm.s32 $0x9;
	_ =	strace $0x80000048  }
0xbe: {  	_ =	swait.ge [sflag:s29], $0x1  }
0xbf: {  	[sflag:s29] =	ssyncadd.s32 $0xFFFFFFFF  }
0xc0: {  	_ =	strace $0x90000048  }
0xc1: {  	_ =	sfence  }
0xc2: {  	s30 =	sld [smem:$0x0];
	_ =	sdelay $0x2  }
0xc3: {  	s31 =	sshll.u32 s1, $0xD;
	s1 =	sshrl.u32 s1, $0x2  }
0xc4: {  	s3 =	sand.u32 $0x4000, s31;
	s1 =	sadd.s32 s1, s30  }
0xc5: {  	s0 =	sor.u32 s3, s0;
	s1 =	sshll.u32 s1, $0x11  }
0xc6: {  	s0 =	sor.u32 s1, s0  }
0xc7: {  	s0 =	sadd.s32 $0x8F2B, s0  }
0xc8: {  	[sflag:s0] =	ssyncadd.remote.s32 $0x1  }
0xc9: {  	_ =	sfence.sel $0xFFFF  }
0xca: {  	[dreg:$0x0] =	wrdreg $0xFFFFFFFF;
	(pc) =	sbr.abs _section_cstart, $3  }
0xcb: {  	[dreg:$0x1] =	wrdreg $0xFFFFFFFF  }
0xcc: {  	_ =	task.clear_ibuf [dreg:s11], $0x2FFFF;
	_ =	strace $0x9FFFFFFF  }
0xcd: {  	(tm) =	ssettm $0x7FFFFFFF  }
tec
execute0_lowered:
.L_overlay_start_1:
0x0: {  	(tag) =	ssettag $0x1  }
0x1: {  	v0 =	vimm.s32 $0x1380;
	vm14 =	vcmask $0x300;
	vm13 =	vcmask $0x704  }
0x2: {  	vm12 =	vcmask $0xB08;
	vm11 =	vcmask $0xF0C;
	vm10 =	vcmask $0x1310  }
0x3: {  	vm9 =	vcmask $0x1714;
	vm8 =	vcmask $0x1B18;
	vm7 =	vcmask $0x1F1C  }
0x4: {  	vm6 =	vcmask $0x2320;
	vm5 =	vcmask $0x2724;
	vm4 =	vcmask $0x2B28  }
0x5: {  	vm3 =	vcmask $0x2F2C;
	vm2 =	vcmask $0x3330;
	vm1 =	vcmask $0x3734  }
0x6: {  	vm0 =	vcmask $0x3B38;
	v4 =	vimm.s32 $0x3380;
	v5 =	vimm.s32 $0x5380  }
0x7: {  	v6 =	vimm.s32 $0x7380;
	v0 =	vsel vm14, $0x0, v0;
	v4 =	vsel vm14, $0x2000, v4  }
0x8: {  	v5 =	vsel vm14, $0x4000, v5;
	v6 =	vsel vm14, $0x6000, v6;
	v0 =	vsel vm13, $0x80, v0  }
0x9: {  	v4 =	vsel vm13, $0x2080, v4;
	v5 =	vsel vm13, $0x4080, v5;
	v6 =	vsel vm13, $0x6080, v6  }
0xa: {  	v0 =	vsel vm12, $0x100, v0;
	v4 =	vsel vm12, $0x2100, v4;
	v5 =	vsel vm12, $0x4100, v5  }
0xb: {  	v6 =	vsel vm12, $0x6100, v6;
	v0 =	vsel vm11, $0x180, v0;
	v4 =	vsel vm11, $0x2180, v4  }
0xc: {  	s1 =	rddreg [dreg:$0x0];
	v5 =	vsel vm11, $0x4180, v5;
	v6 =	vsel vm11, $0x6180, v6;
	v0 =	vsel vm10, $0x200, v0  }
0xd: {  	s0 =	rddreg [dreg:$0x1];
	v4 =	vsel vm10, $0x2200, v4;
	v5 =	vsel vm10, $0x4200, v5;
	v6 =	vsel vm10, $0x6200, v6  }
0xe: {  	s2 =	rddreg [dreg:$0x3];
	v0 =	vsel vm9, $0x280, v0;
	v4 =	vsel vm9, $0x2280, v4;
	v5 =	vsel vm9, $0x4280, v5  }
0xf: {  	s3 =	rddreg [dreg:$0x4];
	s4 =	srdreg.scid;
	s9 =	simm.s32 $0x200;
	v6 =	vsel vm9, $0x6280, v6;
	v0 =	vsel vm8, $0x300, v0;
	v4 =	vsel vm8, $0x2300, v4  }
0x10: {  	s6 =	stileid.u32;
	s12 =	simm.s32 $0x7A1400;
	s13 =	simm.s32 $0x400;
	v5 =	vsel vm8, $0x4300, v5;
	v6 =	vsel vm8, $0x6300, v6;
	v0 =	vsel vm7, $0x380, v0  }
0x11: {  	s14 =	simm.s32 $0x8200;
	s15 =	simm.s32 $0xA200;
	s16 =	simm.s32 $0xC200;
	v4 =	vsel vm7, $0x2380, v4;
	v5 =	vsel vm7, $0x4380, v5;
	v6 =	vsel vm7, $0x6380, v6  }
0x12: {  	s17 =	simm.s32 $0xE200;
	s18 =	simm.s32 $0x10200;
	s19 =	simm.s32 $0x12200;
	v0 =	vsel vm6, $0x1000, v0;
	v4 =	vsel vm6, $0x3000, v4;
	v5 =	vsel vm6, $0x5000, v5  }
0x13: {  	s20 =	simm.s32 $0x14200;
	s21 =	simm.s32 $0x16200;
	s22 =	simm.s32 $0x1;
	v6 =	vsel vm6, $0x7000, v6;
	v0 =	vsel vm5, $0x1080, v0;
	v4 =	vsel vm5, $0x3080, v4  }
0x14: {  	s23 =	simm.s32 $0x2;
	s24 =	simm.s32 $0x3;
	s25 =	simm.s32 $0x4;
	v5 =	vsel vm5, $0x5080, v5;
	v6 =	vsel vm5, $0x7080, v6;
	v1 =	vsel vm4, $0x1100, v0  }
0x15: {  	s28 =	simm.s32 $0x6;
	s29 =	simm.s32 $0x7;
	s30 =	simm.s32 $0x8;
	v0 =	vlaneseq.u32;
	v4 =	vsel vm4, $0x3100, v4;
	v5 =	vsel vm4, $0x5100, v5  }
0x16: {  	s31 =	simm.s32 $0x9;
	s5 =	sand.u32 $0x1, s4;
	s4 =	simm.s32 $0x0;
	v6 =	vsel vm4, $0x7100, v6;
	v2 =	vsel vm3, $0x1180, v1;
	v1 =	vmul.u32 $0x80, v0  }
0x17: {  	s6 =	sshll.u32 s6, $0xA;
	s7 =	sshll.u32 s5, $0x9;
	s5 =	ssub.s32 $0x2, s5;
	v4 =	vsel vm3, $0x3180, v4;
	v5 =	vsel vm3, $0x5180, v5;
	v6 =	vsel vm3, $0x7180, v6  }
0x18: {  	[smem:$0x7FF] =	sst s4;
	s7 =	sor.u32 s7, s6;
	s26 =	sshrl.u32 s5, $0x1;
	v2 =	vsel vm2, $0x1200, v2;
	v4 =	vsel vm2, $0x3200, v4;
	v7 =	vsel vm2, $0x5200, v5  }
0x19: {  	_ =	strace $0x80000047;
	s8 =	sshrl.u32 s7, $0x3;
	s10 =	ssub.s32 s5, s26;
	v6 =	vsel vm2, $0x7200, v6;
	v2 =	vsel vm1, $0x1280, v2;
	v3 =	vor.u32 $0x800, v1  }
0x1a: {  	s7 =	sadd.s32 s2, s7;
	s26 =	simm.s32 $0x5;
	s1 =	sadd.s32 s1, s8;
	v4 =	vsel vm1, $0x3280, v4;
	v5 =	vor.u32 $0x1000, v1;
	v7 =	vsel vm1, $0x5280, v7  }
0x1b: {  	s6 =	sadd.s32 s3, s8;
	s8 =	simm.s32 $0xA;
	s10 =	smax.u32 s10, $0x1;
	v8 =	vsel vm1, $0x7280, v6;
	v2 =	vsel vm0, $0x1300, v2;
	v4 =	vsel vm0, $0x3300, v4  }
0x1c: {  	s3 =	simm.s32 $0x18200;
	[dreg:$0x6] =	wrdreg s1;
	s1 =	simm.s32 $0x0;
	v6 =	vsel vm0, $0x5300, v7;
	v7 =	vor.u32 $0x1800, v1;
	v8 =	vsel vm0, $0x7300, v8  }
.LBB2_1:
0x1d: {  	s2 =	rddreg [dreg:$0x6]  }
0x1e: {  	[tilespmem:s4], [sflag:$0xA] =	stream.linear.gather [hbm4b:s2+s4], $0x200, $0x38;
	[tilespmem:$0x18400] =	vst v63  }
0x1f: {  	_ =	swait.ge [sflag:s8], $0x200  }
0x20: {  	[sflag:s8] =	ssyncset.done $0x0  }
0x21: {  	[sflag:s8] =	ssyncadd.s32 $0xFFFFFE00  }
0x22: {  	s2 =	simm.s32 $0x1F;
	s11 =	rddreg [dreg:$0x2]  }
0x23: {  	[tilespmem:s3], [sflag:$0x9] =	stream.indirect.gather [hbm4b:s11+s9], $0x1, s4, s9, $0xb8;
	[tilespmem:$0x18400] =	vst v63  }
.LBB2_2:
0x24: {  	s11 =	sadd.s32 $0xFFFFFFE1, s2  }
0x25: {  	v9 =	vor.u32 s11, v0;
	_ =	sdelay $0x4  }
0x26: {  	v11 =	vld.idx.msk [tilespmem:v9+s4+$0x0], $0xffff;
	_ =	sdelay $0x4  }
0x27: {  	(v2sf) =	vpush v11, $0x0;
	_ =	sdelay $0x3  }
0x28: {  	(v2sf) =	vpush v11, $0x1;
	_ =	sdelay $0x3  }
0x29: {  	(v2sf) =	vpush v11, $0x2;
	_ =	sdelay $0x3  }
0x2a: {  	s3 =	sadd.s32 $0xFFFFFFF1, s2;
	(v2sf) =	vpush v11, $0x3  }
0x2b: {  	v9 =	vor.u32 s3, v0;
	_ =	sdelay $0x1  }
0x2c: {  	s5 =	spop (v2sf)  }
0x2d: {  	(v2sf) =	vpush v11, $0x4;
	s5 =	sand.u32 $0xFFFFF80, s5  }
0x2e: {  	s5 =	sadd.s32 s0, s5  }
0x2f: {  	v9 =	vld.idx.msk [tilespmem:v9+s4+$0x0], $0xffff;
	[tilespmem:s14], [sflag:$0x1] =	stream.strided.gather [hbm4b:s5+s13], $0x2000, s12, s13, $0x38  }
0x30: {  	s5 =	spop (v2sf)  }
0x31: {  	(v2sf) =	vpush v11, $0x5;
	s5 =	sand.u32 $0xFFFFF80, s5  }
0x32: {  	s5 =	sadd.s32 s0, s5  }
0x33: {  	[tilespmem:s15], [sflag:$0x2] =	stream.strided.gather [hbm4b:s5+s13], $0x2000, s12, s13, $0x38;
	[tilespmem:$0x18400] =	vst v63  }
0x34: {  	s5 =	spop (v2sf)  }
0x35: {  	(v2sf) =	vpush v11, $0x6;
	s5 =	sand.u32 $0xFFFFF80, s5  }
0x36: {  	s5 =	sadd.s32 s0, s5  }
0x37: {  	[tilespmem:s16], [sflag:$0x3] =	stream.strided.gather [hbm4b:s5+s13], $0x2000, s12, s13, $0x38;
	[tilespmem:$0x18400] =	vst v63  }
0x38: {  	s5 =	spop (v2sf)  }
0x39: {  	(v2sf) =	vpush v11, $0x7;
	s5 =	sand.u32 $0xFFFFF80, s5  }
0x3a: {  	s5 =	sadd.s32 s0, s5  }
0x3b: {  	[tilespmem:s17], [sflag:$0x4] =	stream.strided.gather [hbm4b:s5+s13], $0x2000, s12, s13, $0x38;
	[tilespmem:$0x18400] =	vst v63  }
0x3c: {  	s5 =	spop (v2sf)  }
0x3d: {  	s5 =	sand.u32 $0xFFFFF80, s5  }
0x3e: {  	s5 =	sadd.s32 s0, s5  }
0x3f: {  	[tilespmem:s18], [sflag:$0x5] =	stream.strided.gather [hbm4b:s5+s13], $0x2000, s12, s13, $0x38;
	[tilespmem:$0x18400] =	vst v63  }
0x40: {  	s5 =	spop (v2sf)  }
0x41: {  	s5 =	sand.u32 $0xFFFFF80, s5  }
0x42: {  	s5 =	sadd.s32 s0, s5  }
0x43: {  	[tilespmem:s19], [sflag:$0x6] =	stream.strided.gather [hbm4b:s5+s13], $0x2000, s12, s13, $0x38;
	[tilespmem:$0x18400] =	vst v63  }
0x44: {  	s5 =	spop (v2sf)  }
0x45: {  	s5 =	sand.u32 $0xFFFFF80, s5  }
0x46: {  	s5 =	sadd.s32 s0, s5  }
0x47: {  	v10 =	vand.u32 $0x7F, v11;
	[tilespmem:s20], [sflag:$0x7] =	stream.strided.gather [hbm4b:s5+s13], $0x2000, s12, s13, $0x38;
	[tilespmem:$0x18400] =	vst v63  }
0x48: {  	v12 =	vbroadcast v10, $0x0;
	s5 =	spop (v2sf)  }
0x49: {  	s5 =	sand.u32 $0xFFFFF80, s5  }
0x4a: {  	v13 =	vor.u32 v1, v12;
	s5 =	sadd.s32 s0, s5  }
0x4b: {  	v14 =	vmov s11;
	[tilespmem:s21], [sflag:$0x8] =	stream.strided.gather [hbm4b:s5+s13], $0x2000, s12, s13, $0x38;
	[tilespmem:$0x18400] =	vst v63  }
0x4c: {  	v15 =	vshll.u32 v14, $0x3;
	_ =	swait.ge [sflag:s22], $0x2000  }
0x4d: {  	v14 =	vand.u32 $0x60, v14;
	v15 =	vand.u32 $0xC00, v15;
	[sflag:s22] =	ssyncset.done $0x0  }
0x4e: {  	v14 =	vor.u32 v14, v15;
	[sflag:s22] =	ssyncadd.s32 $0xFFFFE000  }
0x4f: {  	v15 =	vor.u32 v2, v14;
	v13 =	vld.idx.msk [tilespmem:v13+s14+$0x0], $0xffff  }
0x50: {  	v16 =	vor.u32 v3, v12;
	_ =	sdelay $0x3  }
0x51: {  	[tilespmem:v15+s9+$0x0] =	vst.idx.msk $0xffff, v13  }
0x52: {  	v27 =	vor.u32 v4, v14;
	(v2sf) =	vpush v11, $0x8;
	v13 =	vld.idx.msk [tilespmem:v16+s14+$0x0], $0xffff  }
0x53: {  	v28 =	vor.u32 v5, v12;
	_ =	sdelay $0x3  }
0x54: {  	[tilespmem:v27+s9+$0x0] =	vst.idx.msk $0xffff, v13  }
0x55: {  	v29 =	vor.u32 v6, v14;
	v13 =	vld.idx.msk [tilespmem:v28+s14+$0x0], $0xffff  }
0x56: {  	v12 =	vor.u32 v7, v12;
	_ =	sdelay $0x3  }
0x57: {  	[tilespmem:v29+s9+$0x0] =	vst.idx.msk $0xffff, v13  }
0x58: {  	v30 =	vor.u32 v8, v14;
	v12 =	vld.idx.msk [tilespmem:v12+s14+$0x0], $0xffff;
	_ =	sdelay $0x2  }
0x59: {  	v31 =	vbroadcast v10, $0x1;
	s11 =	spop (v2sf)  }
0x5a: {  	s5 =	sand.u32 $0xFFFFF80, s11  }
0x5b: {  	v32 =	vor.u32 v1, v31;
	s11 =	sadd.s32 $0xFFFFFFE2, s2;
	s5 =	sadd.s32 s0, s5;
	[tilespmem:v30+s9+$0x0] =	vst.idx.msk $0xffff, v12  }
0x5c: {  	v33 =	vmov s11;
	[tilespmem:s14], [sflag:$0x1] =	stream.strided.gather [hbm4b:s5+s13], $0x2000, s12, s13, $0x38;
	[tilespmem:$0x18400] =	vst v63  }
0x5d: {  	v34 =	vshll.u32 v33, $0x3;
	_ =	swait.ge [sflag:s23], $0x2000  }
0x5e: {  	v13 =	vand.u32 $0x61, v33;
	v15 =	vand.u32 $0xC00, v34;
	[sflag:s23] =	ssyncset.done $0x0  }
0x5f: {  	v13 =	vor.u32 v13, v15;
	[sflag:s23] =	ssyncadd.s32 $0xFFFFE000  }
0x60: {  	v15 =	vor.u32 v2, v13;
	v12 =	vld.idx.msk [tilespmem:v32+s15+$0x0], $0xffff  }
0x61: {  	v35 =	vor.u32 v3, v31;
	_ =	sdelay $0x3  }
0x62: {  	[tilespmem:v15+s9+$0x0] =	vst.idx.msk $0xffff, v12  }
0x63: {  	v36 =	vor.u32 v4, v13;
	(v2sf) =	vpush v11, $0x9;
	v12 =	vld.idx.msk [tilespmem:v35+s15+$0x0], $0xffff  }
0x64: {  	v37 =	vor.u32 v5, v31;
	_ =	sdelay $0x3  }
0x65: {  	[tilespmem:v36+s9+$0x0] =	vst.idx.msk $0xffff, v12  }
0x66: {  	v38 =	vor.u32 v6, v13;
	v12 =	vld.idx.msk [tilespmem:v37+s15+$0x0], $0xffff  }
0x67: {  	v14 =	vor.u32 v7, v31;
	_ =	sdelay $0x3  }
0x68: {  	[tilespmem:v38+s9+$0x0] =	vst.idx.msk $0xffff, v12  }
0x69: {  	v13 =	vor.u32 v8, v13;
	v12 =	vld.idx.msk [tilespmem:v14+s15+$0x0], $0xffff;
	_ =	sdelay $0x2  }
0x6a: {  	v39 =	vbroadcast v10, $0x2;
	s11 =	spop (v2sf)  }
0x6b: {  	s5 =	sand.u32 $0xFFFFF80, s11  }
0x6c: {  	v40 =	vor.u32 v1, v39;
	s11 =	sadd.s32 $0xFFFFFFE3, s2;
	s5 =	sadd.s32 s0, s5;
	[tilespmem:v13+s9+$0x0] =	vst.idx.msk $0xffff, v12  }
0x6d: {  	v41 =	vmov s11;
	[tilespmem:s15], [sflag:$0x2] =	stream.strided.gather [hbm4b:s5+s13], $0x2000, s12, s13, $0x38;
	[tilespmem:$0x18400] =	vst v63  }
0x6e: {  	v42 =	vshll.u32 v41, $0x3;
	_ =	swait.ge [sflag:s24], $0x2000  }
0x6f: {  	v15 =	vand.u32 $0xC00, v42;
	v13 =	vand.u32 $0x62, v41;
	[sflag:s24] =	ssyncset.done $0x0  }
0x70: {  	v13 =	vor.u32 v13, v15;
	[sflag:s24] =	ssyncadd.s32 $0xFFFFE000  }
0x71: {  	v15 =	vor.u32 v2, v13;
	v12 =	vld.idx.msk [tilespmem:v40+s16+$0x0], $0xffff  }
0x72: {  	v43 =	vor.u32 v3, v39;
	_ =	sdelay $0x3  }
0x73: {  	[tilespmem:v15+s9+$0x0] =	vst.idx.msk $0xffff, v12  }
0x74: {  	v44 =	vor.u32 v4, v13;
	(v2sf) =	vpush v11, $0xA;
	v12 =	vld.idx.msk [tilespmem:v43+s16+$0x0], $0xffff  }
0x75: {  	v45 =	vor.u32 v5, v39;
	_ =	sdelay $0x3  }
0x76: {  	[tilespmem:v44+s9+$0x0] =	vst.idx.msk $0xffff, v12  }
0x77: {  	v46 =	vor.u32 v6, v13;
	v12 =	vld.idx.msk [tilespmem:v45+s16+$0x0], $0xffff  }
0x78: {  	v14 =	vor.u32 v7, v39;
	_ =	sdelay $0x3  }
0x79: {  	[tilespmem:v46+s9+$0x0] =	vst.idx.msk $0xffff, v12  }
0x7a: {  	v13 =	vor.u32 v8, v13;
	v12 =	vld.idx.msk [tilespmem:v14+s16+$0x0], $0xffff;
	_ =	sdelay $0x2  }
0x7b: {  	v47 =	vbroadcast v10, $0x3;
	s11 =	spop (v2sf)  }
0x7c: {  	s5 =	sand.u32 $0xFFFFF80, s11  }
0x7d: {  	v48 =	vor.u32 v1, v47;
	s11 =	sadd.s32 $0xFFFFFFE4, s2;
	s5 =	sadd.s32 s0, s5;
	[tilespmem:v13+s9+$0x0] =	vst.idx.msk $0xffff, v12  }
0x7e: {  	v49 =	vmov s11;
	[tilespmem:s16], [sflag:$0x3] =	stream.strided.gather [hbm4b:s5+s13], $0x2000, s12, s13, $0x38;
	[tilespmem:$0x18400] =	vst v63  }
0x7f: {  	v50 =	vshll.u32 v49, $0x3;
	_ =	swait.ge [sflag:s25], $0x2000  }
0x80: {  	v15 =	vand.u32 $0xC00, v50;
	v13 =	vand.u32 $0x63, v49;
	[sflag:s25] =	ssyncset.done $0x0  }
0x81: {  	v13 =	vor.u32 v13, v15;
	[sflag:s25] =	ssyncadd.s32 $0xFFFFE000  }
0x82: {  	v15 =	vor.u32 v2, v13;
	v12 =	vld.idx.msk [tilespmem:v48+s17+$0x0], $0xffff  }
0x83: {  	v51 =	vor.u32 v3, v47;
	_ =	sdelay $0x3  }
0x84: {  	[tilespmem:v15+s9+$0x0] =	vst.idx.msk $0xffff, v12  }
0x85: {  	v52 =	vor.u32 v4, v13;
	(v2sf) =	vpush v11, $0xB;
	v12 =	vld.idx.msk [tilespmem:v51+s17+$0x0], $0xffff  }
0x86: {  	v53 =	vor.u32 v5, v47;
	_ =	sdelay $0x3  }
0x87: {  	[tilespmem:v52+s9+$0x0] =	vst.idx.msk $0xffff, v12  }
0x88: {  	v54 =	vor.u32 v6, v13;
	v12 =	vld.idx.msk [tilespmem:v53+s17+$0x0], $0xffff  }
0x89: {  	v14 =	vor.u32 v7, v47;
	_ =	sdelay $0x3  }
0x8a: {  	[tilespmem:v54+s9+$0x0] =	vst.idx.msk $0xffff, v12  }
0x8b: {  	v13 =	vor.u32 v8, v13;
	v12 =	vld.idx.msk [tilespmem:v14+s17+$0x0], $0xffff;
	_ =	sdelay $0x2  }
0x8c: {  	v55 =	vbroadcast v10, $0x4;
	s11 =	spop (v2sf)  }
0x8d: {  	s5 =	sand.u32 $0xFFFFF80, s11  }
0x8e: {  	v56 =	vor.u32 v1, v55;
	s11 =	sadd.s32 $0xFFFFFFE5, s2;
	s5 =	sadd.s32 s0, s5;
	[tilespmem:v13+s9+$0x0] =	vst.idx.msk $0xffff, v12  }
0x8f: {  	v57 =	vmov s11;
	[tilespmem:s17], [sflag:$0x4] =	stream.strided.gather [hbm4b:s5+s13], $0x2000, s12, s13, $0x38;
	[tilespmem:$0x18400] =	vst v63  }
0x90: {  	v58 =	vshll.u32 v57, $0x3;
	_ =	swait.ge [sflag:s26], $0x2000  }
0x91: {  	v15 =	vand.u32 $0xC00, v58;
	v13 =	vand.u32 $0x64, v57;
	[sflag:s26] =	ssyncset.done $0x0  }
0x92: {  	v13 =	vor.u32 v13, v15;
	[sflag:s26] =	ssyncadd.s32 $0xFFFFE000  }
0x93: {  	v15 =	vor.u32 v2, v13;
	v12 =	vld.idx.msk [tilespmem:v56+s18+$0x0], $0xffff  }
0x94: {  	v59 =	vor.u32 v3, v55;
	_ =	sdelay $0x3  }
0x95: {  	[tilespmem:v15+s9+$0x0] =	vst.idx.msk $0xffff, v12  }
0x96: {  	v60 =	vor.u32 v4, v13;
	(v2sf) =	vpush v11, $0xC;
	v12 =	vld.idx.msk [tilespmem:v59+s18+$0x0], $0xffff  }
0x97: {  	v61 =	vor.u32 v5, v55;
	_ =	sdelay $0x3  }
0x98: {  	[tilespmem:v60+s9+$0x0] =	vst.idx.msk $0xffff, v12  }
0x99: {  	v62 =	vor.u32 v6, v13;
	v12 =	vld.idx.msk [tilespmem:v61+s18+$0x0], $0xffff  }
0x9a: {  	v14 =	vor.u32 v7, v55;
	_ =	sdelay $0x3  }
0x9b: {  	[tilespmem:v62+s9+$0x0] =	vst.idx.msk $0xffff, v12  }
0x9c: {  	v13 =	vor.u32 v8, v13;
	v12 =	vld.idx.msk [tilespmem:v14+s18+$0x0], $0xffff;
	_ =	sdelay $0x2  }
0x9d: {  	v63 =	vbroadcast v10, $0x5;
	s11 =	spop (v2sf)  }
0x9e: {  	s5 =	sand.u32 $0xFFFFF80, s11  }
0x9f: {  	v19 =	vor.u32 v1, v63;
	s11 =	sadd.s32 $0xFFFFFFE6, s2;
	s5 =	sadd.s32 s0, s5;
	[tilespmem:v13+s9+$0x0] =	vst.idx.msk $0xffff, v12  }
0xa0: {  	v20 =	vmov s11;
	[tilespmem:s18], [sflag:$0x5] =	stream.strided.gather [hbm4b:s5+s13], $0x2000, s12, s13, $0x38;
	[tilespmem:$0x18400] =	vst v63  }
0xa1: {  	v21 =	vshll.u32 v20, $0x3;
	_ =	swait.ge [sflag:s28], $0x2000  }
0xa2: {  	v15 =	vand.u32 $0xC00, v21;
	v13 =	vand.u32 $0x65, v20;
	[sflag:s28] =	ssyncset.done $0x0  }
0xa3: {  	v13 =	vor.u32 v13, v15;
	[sflag:s28] =	ssyncadd.s32 $0xFFFFE000  }
0xa4: {  	v15 =	vor.u32 v2, v13;
	v12 =	vld.idx.msk [tilespmem:v19+s19+$0x0], $0xffff  }
0xa5: {  	v22 =	vor.u32 v3, v63;
	_ =	sdelay $0x3  }
0xa6: {  	[tilespmem:v15+s9+$0x0] =	vst.idx.msk $0xffff, v12  }
0xa7: {  	v23 =	vor.u32 v4, v13;
	(v2sf) =	vpush v11, $0xD;
	v12 =	vld.idx.msk [tilespmem:v22+s19+$0x0], $0xffff  }
0xa8: {  	v24 =	vor.u32 v5, v63;
	_ =	sdelay $0x3  }
0xa9: {  	[tilespmem:v23+s9+$0x0] =	vst.idx.msk $0xffff, v12  }
0xaa: {  	v25 =	vor.u32 v6, v13;
	v12 =	vld.idx.msk [tilespmem:v24+s19+$0x0], $0xffff  }
0xab: {  	v14 =	vor.u32 v7, v63;
	_ =	sdelay $0x3  }
0xac: {  	[tilespmem:v25+s9+$0x0] =	vst.idx.msk $0xffff, v12  }
0xad: {  	v13 =	vor.u32 v8, v13;
	v12 =	vld.idx.msk [tilespmem:v14+s19+$0x0], $0xffff;
	_ =	sdelay $0x2  }
0xae: {  	v26 =	vbroadcast v10, $0x6;
	s11 =	spop (v2sf)  }
0xaf: {  	s5 =	sand.u32 $0xFFFFF80, s11  }
0xb0: {  	v27 =	vor.u32 v1, v26;
	s11 =	sadd.s32 $0xFFFFFFE7, s2;
	s5 =	sadd.s32 s0, s5;
	[tilespmem:v13+s9+$0x0] =	vst.idx.msk $0xffff, v12  }
0xb1: {  	v28 =	vmov s11;
	[tilespmem:s19], [sflag:$0x6] =	stream.strided.gather [hbm4b:s5+s13], $0x2000, s12, s13, $0x38;
	[tilespmem:$0x18400] =	vst v63  }
0xb2: {  	v29 =	vshll.u32 v28, $0x3;
	_ =	swait.ge [sflag:s29], $0x2000  }
0xb3: {  	v15 =	vand.u32 $0xC00, v29;
	v13 =	vand.u32 $0x66, v28;
	[sflag:s29] =	ssyncset.done $0x0  }
0xb4: {  	v13 =	vor.u32 v13, v15;
	[sflag:s29] =	ssyncadd.s32 $0xFFFFE000  }
0xb5: {  	v15 =	vor.u32 v2, v13;
	v12 =	vld.idx.msk [tilespmem:v27+s20+$0x0], $0xffff  }
0xb6: {  	v30 =	vor.u32 v3, v26;
	_ =	sdelay $0x3  }
0xb7: {  	[tilespmem:v15+s9+$0x0] =	vst.idx.msk $0xffff, v12  }
0xb8: {  	v31 =	vor.u32 v4, v13;
	(v2sf) =	vpush v11, $0xE;
	v12 =	vld.idx.msk [tilespmem:v30+s20+$0x0], $0xffff  }
0xb9: {  	v32 =	vor.u32 v5, v26;
	_ =	sdelay $0x3  }
0xba: {  	[tilespmem:v31+s9+$0x0] =	vst.idx.msk $0xffff, v12  }
0xbb: {  	v33 =	vor.u32 v6, v13;
	v12 =	vld.idx.msk [tilespmem:v32+s20+$0x0], $0xffff  }
0xbc: {  	v14 =	vor.u32 v7, v26;
	_ =	sdelay $0x3  }
0xbd: {  	[tilespmem:v33+s9+$0x0] =	vst.idx.msk $0xffff, v12  }
0xbe: {  	v13 =	vor.u32 v8, v13;
	v12 =	vld.idx.msk [tilespmem:v14+s20+$0x0], $0xffff;
	_ =	sdelay $0x2  }
0xbf: {  	v34 =	vbroadcast v10, $0x7;
	s11 =	spop (v2sf)  }
0xc0: {  	s5 =	sand.u32 $0xFFFFF80, s11  }
0xc1: {  	v35 =	vor.u32 v1, v34;
	s11 =	sadd.s32 $0xFFFFFFE8, s2;
	s5 =	sadd.s32 s0, s5;
	[tilespmem:v13+s9+$0x0] =	vst.idx.msk $0xffff, v12  }
0xc2: {  	v36 =	vmov s11;
	[tilespmem:s20], [sflag:$0x7] =	stream.strided.gather [hbm4b:s5+s13], $0x2000, s12, s13, $0x38;
	[tilespmem:$0x18400] =	vst v63  }
0xc3: {  	v37 =	vshll.u32 v36, $0x3;
	_ =	swait.ge [sflag:s30], $0x2000  }
0xc4: {  	v15 =	vand.u32 $0xC00, v37;
	v13 =	vand.u32 $0x67, v36;
	[sflag:s30] =	ssyncset.done $0x0  }
0xc5: {  	v13 =	vor.u32 v13, v15;
	[sflag:s30] =	ssyncadd.s32 $0xFFFFE000  }
0xc6: {  	v15 =	vor.u32 v2, v13;
	v12 =	vld.idx.msk [tilespmem:v35+s21+$0x0], $0xffff  }
0xc7: {  	v38 =	vor.u32 v3, v34;
	_ =	sdelay $0x3  }
0xc8: {  	[tilespmem:v15+s9+$0x0] =	vst.idx.msk $0xffff, v12  }
0xc9: {  	v39 =	vor.u32 v4, v13;
	(v2sf) =	vpush v11, $0xF;
	v12 =	vld.idx.msk [tilespmem:v38+s21+$0x0], $0xffff  }
0xca: {  	v11 =	vor.u32 v5, v34;
	_ =	sdelay $0x3  }
0xcb: {  	[tilespmem:v39+s9+$0x0] =	vst.idx.msk $0xffff, v12  }
0xcc: {  	v40 =	vor.u32 v6, v13;
	v11 =	vld.idx.msk [tilespmem:v11+s21+$0x0], $0xffff  }
0xcd: {  	v14 =	vor.u32 v7, v34;
	_ =	sdelay $0x3  }
0xce: {  	[tilespmem:v40+s9+$0x0] =	vst.idx.msk $0xffff, v11  }
0xcf: {  	v41 =	vor.u32 v8, v13;
	v11 =	vld.idx.msk [tilespmem:v14+s21+$0x0], $0xffff;
	_ =	sdelay $0x2  }
0xd0: {  	v42 =	vbroadcast v10, $0x8;
	s11 =	spop (v2sf)  }
0xd1: {  	s5 =	sand.u32 $0xFFFFF80, s11  }
0xd2: {  	s11 =	sadd.s32 $0xFFFFFFE9, s2;
	s5 =	sadd.s32 s0, s5;
	[tilespmem:v41+s9+$0x0] =	vst.idx.msk $0xffff, v11;
	v11 =	vor.u32 v1, v42  }
0xd3: {  	v43 =	vmov s11;
	[tilespmem:s21], [sflag:$0x8] =	stream.strided.gather [hbm4b:s5+s13], $0x2000, s12, s13, $0x38;
	[tilespmem:$0x18400] =	vst v63  }
0xd4: {  	v44 =	vshll.u32 v43, $0x3;
	_ =	swait.ge [sflag:s22], $0x2000  }
0xd5: {  	v12 =	vand.u32 $0x68, v43;
	v14 =	vand.u32 $0xC00, v44;
	[sflag:s22] =	ssyncset.done $0x0  }
0xd6: {  	v12 =	vor.u32 v12, v14;
	[sflag:s22] =	ssyncadd.s32 $0xFFFFE000  }
0xd7: {  	v14 =	vor.u32 v2, v12;
	v11 =	vld.idx.msk [tilespmem:v11+s14+$0x0], $0xffff  }
0xd8: {  	v45 =	vor.u32 v3, v42;
	_ =	sdelay $0x3  }
0xd9: {  	[tilespmem:v14+s9+$0x0] =	vst.idx.msk $0xffff, v11  }
0xda: {  	v46 =	vor.u32 v4, v12;
	(v2sf) =	vpush v9, $0x0;
	v11 =	vld.idx.msk [tilespmem:v45+s14+$0x0], $0xffff  }
0xdb: {  	v47 =	vor.u32 v5, v42;
	_ =	sdelay $0x3  }
0xdc: {  	[tilespmem:v46+s9+$0x0] =	vst.idx.msk $0xffff, v11  }
0xdd: {  	v48 =	vor.u32 v6, v12;
	v11 =	vld.idx.msk [tilespmem:v47+s14+$0x0], $0xffff  }
0xde: {  	v13 =	vor.u32 v7, v42;
	_ =	sdelay $0x3  }
0xdf: {  	[tilespmem:v48+s9+$0x0] =	vst.idx.msk $0xffff, v11  }
0xe0: {  	v12 =	vor.u32 v8, v12;
	v11 =	vld.idx.msk [tilespmem:v13+s14+$0x0], $0xffff;
	_ =	sdelay $0x2  }
0xe1: {  	v49 =	vbroadcast v10, $0x9;
	s11 =	spop (v2sf)  }
0xe2: {  	s5 =	sand.u32 $0xFFFFF80, s11  }
0xe3: {  	s11 =	sadd.s32 $0xFFFFFFEA, s2;
	s5 =	sadd.s32 s0, s5;
	[tilespmem:v12+s9+$0x0] =	vst.idx.msk $0xffff, v11;
	v11 =	vor.u32 v1, v49  }
0xe4: {  	v50 =	vmov s11;
	[tilespmem:s14], [sflag:$0x1] =	stream.strided.gather [hbm4b:s5+s13], $0x2000, s12, s13, $0x38;
	[tilespmem:$0x18400] =	vst v63  }
0xe5: {  	v51 =	vshll.u32 v50, $0x3;
	_ =	swait.ge [sflag:s23], $0x2000  }
0xe6: {  	v14 =	vand.u32 $0xC00, v51;
	v12 =	vand.u32 $0x69, v50;
	[sflag:s23] =	ssyncset.done $0x0  }
0xe7: {  	v12 =	vor.u32 v12, v14;
	[sflag:s23] =	ssyncadd.s32 $0xFFFFE000  }
0xe8: {  	v14 =	vor.u32 v2, v12;
	v11 =	vld.idx.msk [tilespmem:v11+s15+$0x0], $0xffff  }
0xe9: {  	v52 =	vor.u32 v3, v49;
	_ =	sdelay $0x3  }
0xea: {  	[tilespmem:v14+s9+$0x0] =	vst.idx.msk $0xffff, v11  }
0xeb: {  	v53 =	vor.u32 v4, v12;
	(v2sf) =	vpush v9, $0x1;
	v11 =	vld.idx.msk [tilespmem:v52+s15+$0x0], $0xffff  }
0xec: {  	v54 =	vor.u32 v5, v49;
	_ =	sdelay $0x3  }
0xed: {  	[tilespmem:v53+s9+$0x0] =	vst.idx.msk $0xffff, v11  }
0xee: {  	v55 =	vor.u32 v6, v12;
	v11 =	vld.idx.msk [tilespmem:v54+s15+$0x0], $0xffff  }
0xef: {  	v13 =	vor.u32 v7, v49;
	_ =	sdelay $0x3  }
0xf0: {  	[tilespmem:v55+s9+$0x0] =	vst.idx.msk $0xffff, v11  }
0xf1: {  	v12 =	vor.u32 v8, v12;
	v11 =	vld.idx.msk [tilespmem:v13+s15+$0x0], $0xffff;
	_ =	sdelay $0x2  }
0xf2: {  	v56 =	vbroadcast v10, $0xA;
	s11 =	spop (v2sf)  }
0xf3: {  	s5 =	sand.u32 $0xFFFFF80, s11  }
0xf4: {  	s11 =	sadd.s32 $0xFFFFFFEB, s2;
	s5 =	sadd.s32 s0, s5;
	[tilespmem:v12+s9+$0x0] =	vst.idx.msk $0xffff, v11;
	v11 =	vor.u32 v1, v56  }
0xf5: {  	v57 =	vmov s11;
	[tilespmem:s15], [sflag:$0x2] =	stream.strided.gather [hbm4b:s5+s13], $0x2000, s12, s13, $0x38;
	[tilespmem:$0x18400] =	vst v63  }
0xf6: {  	v58 =	vshll.u32 v57, $0x3;
	_ =	swait.ge [sflag:s24], $0x2000  }
0xf7: {  	v14 =	vand.u32 $0xC00, v58;
	v12 =	vand.u32 $0x6A, v57;
	[sflag:s24] =	ssyncset.done $0x0  }
0xf8: {  	v12 =	vor.u32 v12, v14;
	[sflag:s24] =	ssyncadd.s32 $0xFFFFE000  }
0xf9: {  	v14 =	vor.u32 v2, v12;
	v11 =	vld.idx.msk [tilespmem:v11+s16+$0x0], $0xffff  }
0xfa: {  	v59 =	vor.u32 v3, v56;
	_ =	sdelay $0x3  }
0xfb: {  	[tilespmem:v14+s9+$0x0] =	vst.idx.msk $0xffff, v11  }
0xfc: {  	v60 =	vor.u32 v4, v12;
	(v2sf) =	vpush v9, $0x2;
	v11 =	vld.idx.msk [tilespmem:v59+s16+$0x0], $0xffff  }
0xfd: {  	v61 =	vor.u32 v5, v56;
	_ =	sdelay $0x3  }
0xfe: {  	[tilespmem:v60+s9+$0x0] =	vst.idx.msk $0xffff, v11  }
0xff: {  	v62 =	vor.u32 v6, v12;
	v11 =	vld.idx.msk [tilespmem:v61+s16+$0x0], $0xffff  }
0x100: {  	v13 =	vor.u32 v7, v56;
	_ =	sdelay $0x3  }
0x101: {  	[tilespmem:v62+s9+$0x0] =	vst.idx.msk $0xffff, v11  }
0x102: {  	v12 =	vor.u32 v8, v12;
	v11 =	vld.idx.msk [tilespmem:v13+s16+$0x0], $0xffff;
	_ =	sdelay $0x2  }
0x103: {  	v63 =	vbroadcast v10, $0xB;
	s11 =	spop (v2sf)  }
0x104: {  	s5 =	sand.u32 $0xFFFFF80, s11  }
0x105: {  	s11 =	sadd.s32 $0xFFFFFFEC, s2;
	s5 =	sadd.s32 s0, s5;
	[tilespmem:v12+s9+$0x0] =	vst.idx.msk $0xffff, v11;
	v11 =	vor.u32 v1, v63  }
0x106: {  	v18 =	vmov s11;
	[tilespmem:s16], [sflag:$0x3] =	stream.strided.gather [hbm4b:s5+s13], $0x2000, s12, s13, $0x38;
	[tilespmem:$0x18400] =	vst v63  }
0x107: {  	v19 =	vshll.u32 v18, $0x3;
	_ =	swait.ge [sflag:s25], $0x2000  }
0x108: {  	v14 =	vand.u32 $0xC00, v19;
	v12 =	vand.u32 $0x6B, v18;
	[sflag:s25] =	ssyncset.done $0x0  }
0x109: {  	v12 =	vor.u32 v12, v14;
	[sflag:s25] =	ssyncadd.s32 $0xFFFFE000  }
0x10a: {  	v14 =	vor.u32 v2, v12;
	v11 =	vld.idx.msk [tilespmem:v11+s17+$0x0], $0xffff  }
0x10b: {  	v20 =	vor.u32 v3, v63;
	_ =	sdelay $0x3  }
0x10c: {  	[tilespmem:v14+s9+$0x0] =	vst.idx.msk $0xffff, v11  }
0x10d: {  	v21 =	vor.u32 v4, v12;
	(v2sf) =	vpush v9, $0x3;
	v11 =	vld.idx.msk [tilespmem:v20+s17+$0x0], $0xffff  }
0x10e: {  	v22 =	vor.u32 v5, v63;
	_ =	sdelay $0x3  }
0x10f: {  	[tilespmem:v21+s9+$0x0] =	vst.idx.msk $0xffff, v11  }
0x110: {  	v23 =	vor.u32 v6, v12;
	v11 =	vld.idx.msk [tilespmem:v22+s17+$0x0], $0xffff  }
0x111: {  	v13 =	vor.u32 v7, v63;
	_ =	sdelay $0x3  }
0x112: {  	[tilespmem:v23+s9+$0x0] =	vst.idx.msk $0xffff, v11  }
0x113: {  	v12 =	vor.u32 v8, v12;
	v11 =	vld.idx.msk [tilespmem:v13+s17+$0x0], $0xffff;
	_ =	sdelay $0x2  }
0x114: {  	v24 =	vbroadcast v10, $0xC;
	s11 =	spop (v2sf)  }
0x115: {  	s5 =	sand.u32 $0xFFFFF80, s11  }
0x116: {  	s11 =	sadd.s32 $0xFFFFFFED, s2;
	s5 =	sadd.s32 s0, s5;
	[tilespmem:v12+s9+$0x0] =	vst.idx.msk $0xffff, v11;
	v11 =	vor.u32 v1, v24  }
0x117: {  	v25 =	vmov s11;
	[tilespmem:s17], [sflag:$0x4] =	stream.strided.gather [hbm4b:s5+s13], $0x2000, s12, s13, $0x38;
	[tilespmem:$0x18400] =	vst v63  }
0x118: {  	v26 =	vshll.u32 v25, $0x3;
	_ =	swait.ge [sflag:s26], $0x2000  }
0x119: {  	v14 =	vand.u32 $0xC00, v26;
	v12 =	vand.u32 $0x6C, v25;
	[sflag:s26] =	ssyncset.done $0x0  }
0x11a: {  	v12 =	vor.u32 v12, v14;
	[sflag:s26] =	ssyncadd.s32 $0xFFFFE000  }
0x11b: {  	v14 =	vor.u32 v2, v12;
	v11 =	vld.idx.msk [tilespmem:v11+s18+$0x0], $0xffff  }
0x11c: {  	v27 =	vor.u32 v3, v24;
	_ =	sdelay $0x3  }
0x11d: {  	[tilespmem:v14+s9+$0x0] =	vst.idx.msk $0xffff, v11  }
0x11e: {  	v28 =	vor.u32 v4, v12;
	(v2sf) =	vpush v9, $0x4;
	v11 =	vld.idx.msk [tilespmem:v27+s18+$0x0], $0xffff  }
0x11f: {  	v29 =	vor.u32 v5, v24;
	_ =	sdelay $0x3  }
0x120: {  	[tilespmem:v28+s9+$0x0] =	vst.idx.msk $0xffff, v11  }
0x121: {  	v30 =	vor.u32 v6, v12;
	v11 =	vld.idx.msk [tilespmem:v29+s18+$0x0], $0xffff  }
0x122: {  	v13 =	vor.u32 v7, v24;
	_ =	sdelay $0x3  }
0x123: {  	[tilespmem:v30+s9+$0x0] =	vst.idx.msk $0xffff, v11  }
0x124: {  	v12 =	vor.u32 v8, v12;
	v11 =	vld.idx.msk [tilespmem:v13+s18+$0x0], $0xffff;
	_ =	sdelay $0x2  }
0x125: {  	v31 =	vbroadcast v10, $0xD;
	s11 =	spop (v2sf)  }
0x126: {  	s5 =	sand.u32 $0xFFFFF80, s11  }
0x127: {  	s11 =	sadd.s32 $0xFFFFFFEE, s2;
	s5 =	sadd.s32 s0, s5;
	[tilespmem:v12+s9+$0x0] =	vst.idx.msk $0xffff, v11;
	v11 =	vor.u32 v1, v31  }
0x128: {  	v32 =	vmov s11;
	[tilespmem:s18], [sflag:$0x5] =	stream.strided.gather [hbm4b:s5+s13], $0x2000, s12, s13, $0x38;
	[tilespmem:$0x18400] =	vst v63  }
0x129: {  	v33 =	vshll.u32 v32, $0x3;
	_ =	swait.ge [sflag:s28], $0x2000  }
0x12a: {  	v14 =	vand.u32 $0xC00, v33;
	v12 =	vand.u32 $0x6D, v32;
	[sflag:s28] =	ssyncset.done $0x0  }
0x12b: {  	v12 =	vor.u32 v12, v14;
	[sflag:s28] =	ssyncadd.s32 $0xFFFFE000  }
0x12c: {  	v14 =	vor.u32 v2, v12;
	v11 =	vld.idx.msk [tilespmem:v11+s19+$0x0], $0xffff  }
0x12d: {  	v34 =	vor.u32 v3, v31;
	_ =	sdelay $0x3  }
0x12e: {  	[tilespmem:v14+s9+$0x0] =	vst.idx.msk $0xffff, v11  }
0x12f: {  	v35 =	vor.u32 v4, v12;
	(v2sf) =	vpush v9, $0x5;
	v11 =	vld.idx.msk [tilespmem:v34+s19+$0x0], $0xffff  }
0x130: {  	v36 =	vor.u32 v5, v31;
	_ =	sdelay $0x3  }
0x131: {  	[tilespmem:v35+s9+$0x0] =	vst.idx.msk $0xffff, v11  }
0x132: {  	v37 =	vor.u32 v6, v12;
	v11 =	vld.idx.msk [tilespmem:v36+s19+$0x0], $0xffff  }
0x133: {  	v13 =	vor.u32 v7, v31;
	_ =	sdelay $0x3  }
0x134: {  	[tilespmem:v37+s9+$0x0] =	vst.idx.msk $0xffff, v11  }
0x135: {  	v12 =	vor.u32 v8, v12;
	v11 =	vld.idx.msk [tilespmem:v13+s19+$0x0], $0xffff;
	_ =	sdelay $0x2  }
0x136: {  	v38 =	vbroadcast v10, $0xE;
	s11 =	spop (v2sf)  }
0x137: {  	s5 =	sand.u32 $0xFFFFF80, s11  }
0x138: {  	s11 =	sadd.s32 $0xFFFFFFEF, s2;
	s5 =	sadd.s32 s0, s5;
	[tilespmem:v12+s9+$0x0] =	vst.idx.msk $0xffff, v11;
	v11 =	vor.u32 v1, v38  }
0x139: {  	v39 =	vmov s11;
	[tilespmem:s19], [sflag:$0x6] =	stream.strided.gather [hbm4b:s5+s13], $0x2000, s12, s13, $0x38;
	[tilespmem:$0x18400] =	vst v63  }
0x13a: {  	v40 =	vshll.u32 v39, $0x3;
	_ =	swait.ge [sflag:s29], $0x2000  }
0x13b: {  	v14 =	vand.u32 $0xC00, v40;
	v12 =	vand.u32 $0x6E, v39;
	[sflag:s29] =	ssyncset.done $0x0  }
0x13c: {  	v12 =	vor.u32 v12, v14;
	[sflag:s29] =	ssyncadd.s32 $0xFFFFE000  }
0x13d: {  	v14 =	vor.u32 v2, v12;
	v11 =	vld.idx.msk [tilespmem:v11+s20+$0x0], $0xffff  }
0x13e: {  	v41 =	vor.u32 v3, v38;
	_ =	sdelay $0x3  }
0x13f: {  	[tilespmem:v14+s9+$0x0] =	vst.idx.msk $0xffff, v11  }
0x140: {  	v42 =	vor.u32 v4, v12;
	(v2sf) =	vpush v9, $0x6;
	v11 =	vld.idx.msk [tilespmem:v41+s20+$0x0], $0xffff  }
0x141: {  	v43 =	vor.u32 v5, v38;
	_ =	sdelay $0x3  }
0x142: {  	[tilespmem:v42+s9+$0x0] =	vst.idx.msk $0xffff, v11  }
0x143: {  	v44 =	vor.u32 v6, v12;
	v11 =	vld.idx.msk [tilespmem:v43+s20+$0x0], $0xffff  }
0x144: {  	v13 =	vor.u32 v7, v38;
	_ =	sdelay $0x3  }
0x145: {  	[tilespmem:v44+s9+$0x0] =	vst.idx.msk $0xffff, v11  }
0x146: {  	v12 =	vor.u32 v8, v12;
	v11 =	vld.idx.msk [tilespmem:v13+s20+$0x0], $0xffff;
	_ =	sdelay $0x2  }
0x147: {  	v10 =	vbroadcast v10, $0xF;
	s11 =	spop (v2sf)  }
0x148: {  	s5 =	sand.u32 $0xFFFFF80, s11  }
0x149: {  	s11 =	sadd.s32 $0xFFFFFFF0, s2;
	s5 =	sadd.s32 s0, s5;
	[tilespmem:v12+s9+$0x0] =	vst.idx.msk $0xffff, v11;
	v11 =	vor.u32 v1, v10  }
0x14a: {  	v45 =	vmov s11;
	[tilespmem:s20], [sflag:$0x7] =	stream.strided.gather [hbm4b:s5+s13], $0x2000, s12, s13, $0x38;
	[tilespmem:$0x18400] =	vst v63  }
0x14b: {  	v46 =	vshll.u32 v45, $0x3;
	_ =	swait.ge [sflag:s30], $0x2000  }
0x14c: {  	v13 =	vand.u32 $0xC00, v46;
	v12 =	vand.u32 $0x6F, v45;
	[sflag:s30] =	ssyncset.done $0x0  }
0x14d: {  	v12 =	vor.u32 v12, v13;
	[sflag:s30] =	ssyncadd.s32 $0xFFFFE000  }
0x14e: {  	v13 =	vor.u32 v2, v12;
	v11 =	vld.idx.msk [tilespmem:v11+s21+$0x0], $0xffff  }
0x14f: {  	v47 =	vor.u32 v3, v10;
	_ =	sdelay $0x3  }
0x150: {  	[tilespmem:v13+s9+$0x0] =	vst.idx.msk $0xffff, v11  }
0x151: {  	v48 =	vor.u32 v4, v12;
	(v2sf) =	vpush v9, $0x7;
	v11 =	vld.idx.msk [tilespmem:v47+s21+$0x0], $0xffff  }
0x152: {  	v49 =	vor.u32 v5, v10;
	_ =	sdelay $0x3  }
0x153: {  	[tilespmem:v48+s9+$0x0] =	vst.idx.msk $0xffff, v11  }
0x154: {  	v50 =	vor.u32 v6, v12;
	v11 =	vld.idx.msk [tilespmem:v49+s21+$0x0], $0xffff  }
0x155: {  	v10 =	vor.u32 v7, v10;
	_ =	sdelay $0x3  }
0x156: {  	[tilespmem:v50+s9+$0x0] =	vst.idx.msk $0xffff, v11  }
0x157: {  	v12 =	vor.u32 v8, v12;
	v11 =	vld.idx.msk [tilespmem:v10+s21+$0x0], $0xffff;
	_ =	sdelay $0x1  }
0x158: {  	v10 =	vand.u32 $0x7F, v9  }
0x159: {  	s11 =	spop (v2sf);
	v51 =	vbroadcast v10, $0x0  }
0x15a: {  	s5 =	sand.u32 $0xFFFFF80, s11  }
0x15b: {  	s5 =	sadd.s32 s0, s5;
	[tilespmem:v12+s9+$0x0] =	vst.idx.msk $0xffff, v11;
	v11 =	vor.u32 v1, v51  }
0x15c: {  	v52 =	vmov s3;
	[tilespmem:s21], [sflag:$0x8] =	stream.strided.gather [hbm4b:s5+s13], $0x2000, s12, s13, $0x38;
	[tilespmem:$0x18400] =	vst v63  }
0x15d: {  	v53 =	vshll.u32 v52, $0x3;
	_ =	swait.ge [sflag:s22], $0x2000  }
0x15e: {  	v14 =	vand.u32 $0xC00, v53;
	v12 =	vand.u32 $0x70, v52;
	[sflag:s22] =	ssyncset.done $0x0  }
0x15f: {  	v12 =	vor.u32 v12, v14;
	[sflag:s22] =	ssyncadd.s32 $0xFFFFE000  }
0x160: {  	v14 =	vor.u32 v2, v12;
	v11 =	vld.idx.msk [tilespmem:v11+s14+$0x0], $0xffff  }
0x161: {  	v54 =	vor.u32 v3, v51;
	_ =	sdelay $0x3  }
0x162: {  	[tilespmem:v14+s9+$0x0] =	vst.idx.msk $0xffff, v11  }
0x163: {  	v55 =	vor.u32 v4, v12;
	(v2sf) =	vpush v9, $0x8;
	v11 =	vld.idx.msk [tilespmem:v54+s14+$0x0], $0xffff  }
0x164: {  	v56 =	vor.u32 v5, v51;
	_ =	sdelay $0x3  }
0x165: {  	[tilespmem:v55+s9+$0x0] =	vst.idx.msk $0xffff, v11  }
0x166: {  	v57 =	vor.u32 v6, v12;
	v11 =	vld.idx.msk [tilespmem:v56+s14+$0x0], $0xffff  }
0x167: {  	v13 =	vor.u32 v7, v51;
	_ =	sdelay $0x3  }
0x168: {  	[tilespmem:v57+s9+$0x0] =	vst.idx.msk $0xffff, v11  }
0x169: {  	v12 =	vor.u32 v8, v12;
	v11 =	vld.idx.msk [tilespmem:v13+s14+$0x0], $0xffff;
	_ =	sdelay $0x2  }
0x16a: {  	v58 =	vbroadcast v10, $0x1;
	s5 =	spop (v2sf)  }
0x16b: {  	s3 =	sand.u32 $0xFFFFF80, s5  }
0x16c: {  	s11 =	sadd.s32 $0xFFFFFFF2, s2;
	s3 =	sadd.s32 s0, s3;
	[tilespmem:v12+s9+$0x0] =	vst.idx.msk $0xffff, v11;
	v11 =	vor.u32 v1, v58  }
0x16d: {  	v59 =	vmov s11;
	[tilespmem:s14], [sflag:$0x1] =	stream.strided.gather [hbm4b:s3+s13], $0x2000, s12, s13, $0x38;
	[tilespmem:$0x18400] =	vst v63  }
0x16e: {  	v60 =	vshll.u32 v59, $0x3;
	_ =	swait.ge [sflag:s23], $0x2000  }
0x16f: {  	v14 =	vand.u32 $0xC00, v60;
	v12 =	vand.u32 $0x71, v59;
	[sflag:s23] =	ssyncset.done $0x0  }
0x170: {  	v12 =	vor.u32 v12, v14;
	[sflag:s23] =	ssyncadd.s32 $0xFFFFE000  }
0x171: {  	v14 =	vor.u32 v2, v12;
	v11 =	vld.idx.msk [tilespmem:v11+s15+$0x0], $0xffff  }
0x172: {  	v61 =	vor.u32 v3, v58;
	_ =	sdelay $0x3  }
0x173: {  	[tilespmem:v14+s9+$0x0] =	vst.idx.msk $0xffff, v11  }
0x174: {  	v62 =	vor.u32 v4, v12;
	(v2sf) =	vpush v9, $0x9;
	v11 =	vld.idx.msk [tilespmem:v61+s15+$0x0], $0xffff  }
0x175: {  	v63 =	vor.u32 v5, v58;
	_ =	sdelay $0x3  }
0x176: {  	[tilespmem:v62+s9+$0x0] =	vst.idx.msk $0xffff, v11  }
0x177: {  	v17 =	vor.u32 v6, v12;
	v11 =	vld.idx.msk [tilespmem:v63+s15+$0x0], $0xffff  }
0x178: {  	v13 =	vor.u32 v7, v58;
	_ =	sdelay $0x3  }
0x179: {  	[tilespmem:v17+s9+$0x0] =	vst.idx.msk $0xffff, v11  }
0x17a: {  	v12 =	vor.u32 v8, v12;
	v11 =	vld.idx.msk [tilespmem:v13+s15+$0x0], $0xffff;
	_ =	sdelay $0x2  }
0x17b: {  	v18 =	vbroadcast v10, $0x2;
	s5 =	spop (v2sf)  }
0x17c: {  	s3 =	sand.u32 $0xFFFFF80, s5  }
0x17d: {  	s11 =	sadd.s32 $0xFFFFFFF3, s2;
	s3 =	sadd.s32 s0, s3;
	[tilespmem:v12+s9+$0x0] =	vst.idx.msk $0xffff, v11;
	v11 =	vor.u32 v1, v18  }
0x17e: {  	v19 =	vmov s11;
	[tilespmem:s15], [sflag:$0x2] =	stream.strided.gather [hbm4b:s3+s13], $0x2000, s12, s13, $0x38;
	[tilespmem:$0x18400] =	vst v63  }
0x17f: {  	v20 =	vshll.u32 v19, $0x3;
	_ =	swait.ge [sflag:s24], $0x2000  }
0x180: {  	v14 =	vand.u32 $0xC00, v20;
	v12 =	vand.u32 $0x72, v19;
	[sflag:s24] =	ssyncset.done $0x0  }
0x181: {  	v12 =	vor.u32 v12, v14;
	[sflag:s24] =	ssyncadd.s32 $0xFFFFE000  }
0x182: {  	v14 =	vor.u32 v2, v12;
	v11 =	vld.idx.msk [tilespmem:v11+s16+$0x0], $0xffff  }
0x183: {  	v21 =	vor.u32 v3, v18;
	_ =	sdelay $0x3  }
0x184: {  	[tilespmem:v14+s9+$0x0] =	vst.idx.msk $0xffff, v11  }
0x185: {  	v22 =	vor.u32 v4, v12;
	(v2sf) =	vpush v9, $0xA;
	v11 =	vld.idx.msk [tilespmem:v21+s16+$0x0], $0xffff  }
0x186: {  	v23 =	vor.u32 v5, v18;
	_ =	sdelay $0x3  }
0x187: {  	[tilespmem:v22+s9+$0x0] =	vst.idx.msk $0xffff, v11  }
0x188: {  	v24 =	vor.u32 v6, v12;
	v11 =	vld.idx.msk [tilespmem:v23+s16+$0x0], $0xffff  }
0x189: {  	v13 =	vor.u32 v7, v18;
	_ =	sdelay $0x3  }
0x18a: {  	[tilespmem:v24+s9+$0x0] =	vst.idx.msk $0xffff, v11  }
0x18b: {  	v12 =	vor.u32 v8, v12;
	v11 =	vld.idx.msk [tilespmem:v13+s16+$0x0], $0xffff;
	_ =	sdelay $0x2  }
0x18c: {  	v25 =	vbroadcast v10, $0x3;
	s5 =	spop (v2sf)  }
0x18d: {  	s3 =	sand.u32 $0xFFFFF80, s5  }
0x18e: {  	s11 =	sadd.s32 $0xFFFFFFF4, s2;
	s3 =	sadd.s32 s0, s3;
	[tilespmem:v12+s9+$0x0] =	vst.idx.msk $0xffff, v11;
	v11 =	vor.u32 v1, v25  }
0x18f: {  	v26 =	vmov s11;
	[tilespmem:s16], [sflag:$0x3] =	stream.strided.gather [hbm4b:s3+s13], $0x2000, s12, s13, $0x38;
	[tilespmem:$0x18400] =	vst v63  }
0x190: {  	v27 =	vshll.u32 v26, $0x3;
	_ =	swait.ge [sflag:s25], $0x2000  }
0x191: {  	v14 =	vand.u32 $0xC00, v27;
	v12 =	vand.u32 $0x73, v26;
	[sflag:s25] =	ssyncset.done $0x0  }
0x192: {  	v12 =	vor.u32 v12, v14;
	[sflag:s25] =	ssyncadd.s32 $0xFFFFE000  }
0x193: {  	v14 =	vor.u32 v2, v12;
	v11 =	vld.idx.msk [tilespmem:v11+s17+$0x0], $0xffff  }
0x194: {  	v28 =	vor.u32 v3, v25;
	_ =	sdelay $0x3  }
0x195: {  	[tilespmem:v14+s9+$0x0] =	vst.idx.msk $0xffff, v11  }
0x196: {  	v29 =	vor.u32 v4, v12;
	(v2sf) =	vpush v9, $0xB;
	v11 =	vld.idx.msk [tilespmem:v28+s17+$0x0], $0xffff  }
0x197: {  	v30 =	vor.u32 v5, v25;
	_ =	sdelay $0x3  }
0x198: {  	[tilespmem:v29+s9+$0x0] =	vst.idx.msk $0xffff, v11  }
0x199: {  	v31 =	vor.u32 v6, v12;
	v11 =	vld.idx.msk [tilespmem:v30+s17+$0x0], $0xffff  }
0x19a: {  	v13 =	vor.u32 v7, v25;
	_ =	sdelay $0x3  }
0x19b: {  	[tilespmem:v31+s9+$0x0] =	vst.idx.msk $0xffff, v11  }
0x19c: {  	v12 =	vor.u32 v8, v12;
	v11 =	vld.idx.msk [tilespmem:v13+s17+$0x0], $0xffff;
	_ =	sdelay $0x2  }
0x19d: {  	v32 =	vbroadcast v10, $0x4;
	s5 =	spop (v2sf)  }
0x19e: {  	s3 =	sand.u32 $0xFFFFF80, s5  }
0x19f: {  	s11 =	sadd.s32 $0xFFFFFFF5, s2;
	s3 =	sadd.s32 s0, s3;
	[tilespmem:v12+s9+$0x0] =	vst.idx.msk $0xffff, v11;
	v11 =	vor.u32 v1, v32  }
0x1a0: {  	v33 =	vmov s11;
	[tilespmem:s17], [sflag:$0x4] =	stream.strided.gather [hbm4b:s3+s13], $0x2000, s12, s13, $0x38;
	[tilespmem:$0x18400] =	vst v63  }
0x1a1: {  	v34 =	vshll.u32 v33, $0x3;
	_ =	swait.ge [sflag:s26], $0x2000  }
0x1a2: {  	v14 =	vand.u32 $0xC00, v34;
	v12 =	vand.u32 $0x74, v33;
	[sflag:s26] =	ssyncset.done $0x0  }
0x1a3: {  	v12 =	vor.u32 v12, v14;
	[sflag:s26] =	ssyncadd.s32 $0xFFFFE000  }
0x1a4: {  	v14 =	vor.u32 v2, v12;
	v11 =	vld.idx.msk [tilespmem:v11+s18+$0x0], $0xffff  }
0x1a5: {  	v35 =	vor.u32 v3, v32;
	_ =	sdelay $0x3  }
0x1a6: {  	[tilespmem:v14+s9+$0x0] =	vst.idx.msk $0xffff, v11  }
0x1a7: {  	v36 =	vor.u32 v4, v12;
	(v2sf) =	vpush v9, $0xC;
	v11 =	vld.idx.msk [tilespmem:v35+s18+$0x0], $0xffff  }
0x1a8: {  	v37 =	vor.u32 v5, v32;
	_ =	sdelay $0x3  }
0x1a9: {  	[tilespmem:v36+s9+$0x0] =	vst.idx.msk $0xffff, v11  }
0x1aa: {  	v38 =	vor.u32 v6, v12;
	v11 =	vld.idx.msk [tilespmem:v37+s18+$0x0], $0xffff  }
0x1ab: {  	v13 =	vor.u32 v7, v32;
	_ =	sdelay $0x3  }
0x1ac: {  	[tilespmem:v38+s9+$0x0] =	vst.idx.msk $0xffff, v11  }
0x1ad: {  	v12 =	vor.u32 v8, v12;
	v11 =	vld.idx.msk [tilespmem:v13+s18+$0x0], $0xffff;
	_ =	sdelay $0x2  }
0x1ae: {  	v39 =	vbroadcast v10, $0x5;
	s5 =	spop (v2sf)  }
0x1af: {  	s3 =	sand.u32 $0xFFFFF80, s5  }
0x1b0: {  	s11 =	sadd.s32 $0xFFFFFFF6, s2;
	s3 =	sadd.s32 s0, s3;
	[tilespmem:v12+s9+$0x0] =	vst.idx.msk $0xffff, v11;
	v11 =	vor.u32 v1, v39  }
0x1b1: {  	v40 =	vmov s11;
	[tilespmem:s18], [sflag:$0x5] =	stream.strided.gather [hbm4b:s3+s13], $0x2000, s12, s13, $0x38;
	[tilespmem:$0x18400] =	vst v63  }
0x1b2: {  	v41 =	vshll.u32 v40, $0x3;
	_ =	swait.ge [sflag:s28], $0x2000  }
0x1b3: {  	v14 =	vand.u32 $0xC00, v41;
	v12 =	vand.u32 $0x75, v40;
	[sflag:s28] =	ssyncset.done $0x0  }
0x1b4: {  	v12 =	vor.u32 v12, v14;
	[sflag:s28] =	ssyncadd.s32 $0xFFFFE000  }
0x1b5: {  	v14 =	vor.u32 v2, v12;
	v11 =	vld.idx.msk [tilespmem:v11+s19+$0x0], $0xffff  }
0x1b6: {  	v42 =	vor.u32 v3, v39;
	_ =	sdelay $0x3  }
0x1b7: {  	[tilespmem:v14+s9+$0x0] =	vst.idx.msk $0xffff, v11  }
0x1b8: {  	v43 =	vor.u32 v4, v12;
	(v2sf) =	vpush v9, $0xD;
	v11 =	vld.idx.msk [tilespmem:v42+s19+$0x0], $0xffff  }
0x1b9: {  	v44 =	vor.u32 v5, v39;
	_ =	sdelay $0x3  }
0x1ba: {  	[tilespmem:v43+s9+$0x0] =	vst.idx.msk $0xffff, v11  }
0x1bb: {  	v45 =	vor.u32 v6, v12;
	v11 =	vld.idx.msk [tilespmem:v44+s19+$0x0], $0xffff  }
0x1bc: {  	v13 =	vor.u32 v7, v39;
	_ =	sdelay $0x3  }
0x1bd: {  	[tilespmem:v45+s9+$0x0] =	vst.idx.msk $0xffff, v11  }
0x1be: {  	v12 =	vor.u32 v8, v12;
	v11 =	vld.idx.msk [tilespmem:v13+s19+$0x0], $0xffff;
	_ =	sdelay $0x2  }
0x1bf: {  	v46 =	vbroadcast v10, $0x6;
	s5 =	spop (v2sf)  }
0x1c0: {  	s3 =	sand.u32 $0xFFFFF80, s5  }
0x1c1: {  	s11 =	sadd.s32 $0xFFFFFFF7, s2;
	s3 =	sadd.s32 s0, s3;
	[tilespmem:v12+s9+$0x0] =	vst.idx.msk $0xffff, v11;
	v11 =	vor.u32 v1, v46  }
0x1c2: {  	v47 =	vmov s11;
	[tilespmem:s19], [sflag:$0x6] =	stream.strided.gather [hbm4b:s3+s13], $0x2000, s12, s13, $0x38;
	[tilespmem:$0x18400] =	vst v63  }
0x1c3: {  	v48 =	vshll.u32 v47, $0x3;
	_ =	swait.ge [sflag:s29], $0x2000  }
0x1c4: {  	v14 =	vand.u32 $0xC00, v48;
	v12 =	vand.u32 $0x76, v47;
	[sflag:s29] =	ssyncset.done $0x0  }
0x1c5: {  	v12 =	vor.u32 v12, v14;
	[sflag:s29] =	ssyncadd.s32 $0xFFFFE000  }
0x1c6: {  	v14 =	vor.u32 v2, v12;
	v11 =	vld.idx.msk [tilespmem:v11+s20+$0x0], $0xffff  }
0x1c7: {  	v49 =	vor.u32 v3, v46;
	_ =	sdelay $0x3  }
0x1c8: {  	[tilespmem:v14+s9+$0x0] =	vst.idx.msk $0xffff, v11  }
0x1c9: {  	v50 =	vor.u32 v4, v12;
	(v2sf) =	vpush v9, $0xE;
	v11 =	vld.idx.msk [tilespmem:v49+s20+$0x0], $0xffff  }
0x1ca: {  	v51 =	vor.u32 v5, v46;
	_ =	sdelay $0x3  }
0x1cb: {  	[tilespmem:v50+s9+$0x0] =	vst.idx.msk $0xffff, v11  }
0x1cc: {  	v52 =	vor.u32 v6, v12;
	v11 =	vld.idx.msk [tilespmem:v51+s20+$0x0], $0xffff  }
0x1cd: {  	v13 =	vor.u32 v7, v46;
	_ =	sdelay $0x3  }
0x1ce: {  	[tilespmem:v52+s9+$0x0] =	vst.idx.msk $0xffff, v11  }
0x1cf: {  	v12 =	vor.u32 v8, v12;
	v11 =	vld.idx.msk [tilespmem:v13+s20+$0x0], $0xffff;
	_ =	sdelay $0x2  }
0x1d0: {  	v53 =	vbroadcast v10, $0x7;
	s5 =	spop (v2sf)  }
0x1d1: {  	s3 =	sand.u32 $0xFFFFF80, s5  }
0x1d2: {  	s11 =	sadd.s32 $0xFFFFFFF8, s2;
	s3 =	sadd.s32 s0, s3;
	[tilespmem:v12+s9+$0x0] =	vst.idx.msk $0xffff, v11;
	v11 =	vor.u32 v1, v53  }
0x1d3: {  	v54 =	vmov s11;
	[tilespmem:s20], [sflag:$0x7] =	stream.strided.gather [hbm4b:s3+s13], $0x2000, s12, s13, $0x38;
	[tilespmem:$0x18400] =	vst v63  }
0x1d4: {  	v55 =	vshll.u32 v54, $0x3;
	_ =	swait.ge [sflag:s30], $0x2000  }
0x1d5: {  	v14 =	vand.u32 $0xC00, v55;
	v12 =	vand.u32 $0x77, v54;
	[sflag:s30] =	ssyncset.done $0x0  }
0x1d6: {  	v12 =	vor.u32 v12, v14;
	[sflag:s30] =	ssyncadd.s32 $0xFFFFE000  }
0x1d7: {  	v14 =	vor.u32 v2, v12;
	v11 =	vld.idx.msk [tilespmem:v11+s21+$0x0], $0xffff  }
0x1d8: {  	v56 =	vor.u32 v3, v53;
	_ =	sdelay $0x3  }
0x1d9: {  	[tilespmem:v14+s9+$0x0] =	vst.idx.msk $0xffff, v11  }
0x1da: {  	v57 =	vor.u32 v4, v12;
	(v2sf) =	vpush v9, $0xF;
	v11 =	vld.idx.msk [tilespmem:v56+s21+$0x0], $0xffff  }
0x1db: {  	v9 =	vor.u32 v5, v53;
	_ =	sdelay $0x3  }
0x1dc: {  	[tilespmem:v57+s9+$0x0] =	vst.idx.msk $0xffff, v11  }
0x1dd: {  	v11 =	vor.u32 v6, v12;
	v9 =	vld.idx.msk [tilespmem:v9+s21+$0x0], $0xffff  }
0x1de: {  	v13 =	vor.u32 v7, v53;
	_ =	sdelay $0x3  }
0x1df: {  	[tilespmem:v11+s9+$0x0] =	vst.idx.msk $0xffff, v9  }
0x1e0: {  	v11 =	vor.u32 v8, v12;
	v9 =	vld.idx.msk [tilespmem:v13+s21+$0x0], $0xffff;
	_ =	sdelay $0x2  }
0x1e1: {  	v58 =	vbroadcast v10, $0x8;
	s5 =	spop (v2sf)  }
0x1e2: {  	s3 =	sand.u32 $0xFFFFF80, s5  }
0x1e3: {  	s11 =	sadd.s32 $0xFFFFFFF9, s2;
	s3 =	sadd.s32 s0, s3;
	[tilespmem:v11+s9+$0x0] =	vst.idx.msk $0xffff, v9;
	v9 =	vor.u32 v1, v58  }
0x1e4: {  	v11 =	vmov s11;
	[tilespmem:s21], [sflag:$0x8] =	stream.strided.gather [hbm4b:s3+s13], $0x2000, s12, s13, $0x38;
	[tilespmem:$0x18400] =	vst v63  }
0x1e5: {  	v59 =	vshll.u32 v11, $0x3;
	_ =	swait.ge [sflag:s22], $0x2000  }
0x1e6: {  	v11 =	vand.u32 $0x78, v11;
	v13 =	vand.u32 $0xC00, v59;
	[sflag:s22] =	ssyncset.done $0x0  }
0x1e7: {  	v11 =	vor.u32 v11, v13;
	[sflag:s22] =	ssyncadd.s32 $0xFFFFE000  }
0x1e8: {  	v13 =	vor.u32 v2, v11;
	v9 =	vld.idx.msk [tilespmem:v9+s14+$0x0], $0xffff  }
0x1e9: {  	v60 =	vor.u32 v3, v58;
	_ =	sdelay $0x3  }
0x1ea: {  	[tilespmem:v13+s9+$0x0] =	vst.idx.msk $0xffff, v9  }
0x1eb: {  	v61 =	vor.u32 v4, v11;
	v9 =	vld.idx.msk [tilespmem:v60+s14+$0x0], $0xffff  }
0x1ec: {  	v62 =	vor.u32 v5, v58;
	_ =	sdelay $0x3  }
0x1ed: {  	[tilespmem:v61+s9+$0x0] =	vst.idx.msk $0xffff, v9  }
0x1ee: {  	v63 =	vor.u32 v6, v11;
	v9 =	vld.idx.msk [tilespmem:v62+s14+$0x0], $0xffff  }
0x1ef: {  	v12 =	vor.u32 v7, v58;
	_ =	sdelay $0x3  }
0x1f0: {  	[tilespmem:v63+s9+$0x0] =	vst.idx.msk $0xffff, v9  }
0x1f1: {  	v11 =	vor.u32 v8, v11;
	v9 =	vld.idx.msk [tilespmem:v12+s14+$0x0], $0xffff;
	_ =	sdelay $0x1  }
0x1f2: {  	v16 =	vbroadcast v10, $0x9;
	_ =	sdelay $0x1  }
0x1f3: {  	v17 =	vor.u32 v1, v16;
	s5 =	sadd.s32 $0xFFFFFFFA, s2  }
0x1f4: {  	[tilespmem:v11+s9+$0x0] =	vst.idx.msk $0xffff, v9;
	v9 =	vmov s5  }
0x1f5: {  	_ =	swait.ge [sflag:s23], $0x2000;
	v11 =	vshll.u32 v9, $0x3  }
0x1f6: {  	v9 =	vand.u32 $0x79, v9;
	[sflag:s23] =	ssyncset.done $0x0;
	v11 =	vand.u32 $0xC00, v11  }
0x1f7: {  	[sflag:s23] =	ssyncadd.s32 $0xFFFFE000;
	v9 =	vor.u32 v9, v11  }
0x1f8: {  	v11 =	vld.idx.msk [tilespmem:v17+s15+$0x0], $0xffff;
	v18 =	vor.u32 v2, v9  }
0x1f9: {  	v19 =	vor.u32 v3, v16;
	_ =	sdelay $0x3  }
0x1fa: {  	[tilespmem:v18+s9+$0x0] =	vst.idx.msk $0xffff, v11  }
0x1fb: {  	v20 =	vor.u32 v4, v9;
	v11 =	vld.idx.msk [tilespmem:v19+s15+$0x0], $0xffff  }
0x1fc: {  	v21 =	vor.u32 v5, v16;
	_ =	sdelay $0x3  }
0x1fd: {  	[tilespmem:v20+s9+$0x0] =	vst.idx.msk $0xffff, v11  }
0x1fe: {  	v22 =	vor.u32 v6, v9;
	v11 =	vld.idx.msk [tilespmem:v21+s15+$0x0], $0xffff  }
0x1ff: {  	v12 =	vor.u32 v7, v16;
	_ =	sdelay $0x3  }
0x200: {  	[tilespmem:v22+s9+$0x0] =	vst.idx.msk $0xffff, v11  }
0x201: {  	v9 =	vor.u32 v8, v9;
	v11 =	vld.idx.msk [tilespmem:v12+s15+$0x0], $0xffff;
	_ =	sdelay $0x1  }
0x202: {  	v23 =	vbroadcast v10, $0xA;
	_ =	sdelay $0x1  }
0x203: {  	v24 =	vor.u32 v1, v23;
	s11 =	sadd.s32 $0xFFFFFFFB, s2  }
0x204: {  	[tilespmem:v9+s9+$0x0] =	vst.idx.msk $0xffff, v11;
	v9 =	vmov s11  }
0x205: {  	_ =	swait.ge [sflag:s24], $0x2000;
	v11 =	vshll.u32 v9, $0x3  }
0x206: {  	v9 =	vand.u32 $0x7A, v9;
	[sflag:s24] =	ssyncset.done $0x0;
	v11 =	vand.u32 $0xC00, v11  }
0x207: {  	[sflag:s24] =	ssyncadd.s32 $0xFFFFE000;
	v9 =	vor.u32 v9, v11  }
0x208: {  	v11 =	vld.idx.msk [tilespmem:v24+s16+$0x0], $0xffff;
	v25 =	vor.u32 v2, v9  }
0x209: {  	v26 =	vor.u32 v3, v23;
	_ =	sdelay $0x3  }
0x20a: {  	[tilespmem:v25+s9+$0x0] =	vst.idx.msk $0xffff, v11  }
0x20b: {  	v27 =	vor.u32 v4, v9;
	v11 =	vld.idx.msk [tilespmem:v26+s16+$0x0], $0xffff  }
0x20c: {  	v28 =	vor.u32 v5, v23;
	_ =	sdelay $0x3  }
0x20d: {  	[tilespmem:v27+s9+$0x0] =	vst.idx.msk $0xffff, v11  }
0x20e: {  	v29 =	vor.u32 v6, v9;
	v11 =	vld.idx.msk [tilespmem:v28+s16+$0x0], $0xffff  }
0x20f: {  	v12 =	vor.u32 v7, v23;
	_ =	sdelay $0x3  }
0x210: {  	[tilespmem:v29+s9+$0x0] =	vst.idx.msk $0xffff, v11  }
0x211: {  	v9 =	vor.u32 v8, v9;
	v11 =	vld.idx.msk [tilespmem:v12+s16+$0x0], $0xffff;
	_ =	sdelay $0x1  }
0x212: {  	v30 =	vbroadcast v10, $0xB;
	_ =	sdelay $0x1  }
0x213: {  	v31 =	vor.u32 v1, v30;
	s5 =	sadd.s32 $0xFFFFFFFC, s2  }
0x214: {  	[tilespmem:v9+s9+$0x0] =	vst.idx.msk $0xffff, v11;
	v9 =	vmov s5  }
0x215: {  	_ =	swait.ge [sflag:s25], $0x2000;
	v11 =	vshll.u32 v9, $0x3  }
0x216: {  	v9 =	vand.u32 $0x7B, v9;
	[sflag:s25] =	ssyncset.done $0x0;
	v11 =	vand.u32 $0xC00, v11  }
0x217: {  	[sflag:s25] =	ssyncadd.s32 $0xFFFFE000;
	v9 =	vor.u32 v9, v11  }
0x218: {  	v11 =	vld.idx.msk [tilespmem:v31+s17+$0x0], $0xffff;
	v32 =	vor.u32 v2, v9  }
0x219: {  	v33 =	vor.u32 v3, v30;
	_ =	sdelay $0x3  }
0x21a: {  	[tilespmem:v32+s9+$0x0] =	vst.idx.msk $0xffff, v11  }
0x21b: {  	v34 =	vor.u32 v4, v9;
	v11 =	vld.idx.msk [tilespmem:v33+s17+$0x0], $0xffff  }
0x21c: {  	v35 =	vor.u32 v5, v30;
	_ =	sdelay $0x3  }
0x21d: {  	[tilespmem:v34+s9+$0x0] =	vst.idx.msk $0xffff, v11  }
0x21e: {  	v36 =	vor.u32 v6, v9;
	v11 =	vld.idx.msk [tilespmem:v35+s17+$0x0], $0xffff  }
0x21f: {  	v12 =	vor.u32 v7, v30;
	_ =	sdelay $0x3  }
0x220: {  	[tilespmem:v36+s9+$0x0] =	vst.idx.msk $0xffff, v11  }
0x221: {  	v9 =	vor.u32 v8, v9;
	v11 =	vld.idx.msk [tilespmem:v12+s17+$0x0], $0xffff;
	_ =	sdelay $0x1  }
0x222: {  	v37 =	vbroadcast v10, $0xC;
	_ =	sdelay $0x1  }
0x223: {  	v38 =	vor.u32 v1, v37;
	s11 =	sadd.s32 $0xFFFFFFFD, s2  }
0x224: {  	[tilespmem:v9+s9+$0x0] =	vst.idx.msk $0xffff, v11;
	v9 =	vmov s11  }
0x225: {  	_ =	swait.ge [sflag:s26], $0x2000;
	v11 =	vshll.u32 v9, $0x3  }
0x226: {  	v9 =	vand.u32 $0x7C, v9;
	[sflag:s26] =	ssyncset.done $0x0;
	v11 =	vand.u32 $0xC00, v11  }
0x227: {  	[sflag:s26] =	ssyncadd.s32 $0xFFFFE000;
	v9 =	vor.u32 v9, v11  }
0x228: {  	v11 =	vld.idx.msk [tilespmem:v38+s18+$0x0], $0xffff;
	v39 =	vor.u32 v2, v9  }
0x229: {  	v40 =	vor.u32 v3, v37;
	_ =	sdelay $0x3  }
0x22a: {  	[tilespmem:v39+s9+$0x0] =	vst.idx.msk $0xffff, v11  }
0x22b: {  	v41 =	vor.u32 v4, v9;
	v11 =	vld.idx.msk [tilespmem:v40+s18+$0x0], $0xffff  }
0x22c: {  	v42 =	vor.u32 v5, v37;
	_ =	sdelay $0x3  }
0x22d: {  	[tilespmem:v41+s9+$0x0] =	vst.idx.msk $0xffff, v11  }
0x22e: {  	v43 =	vor.u32 v6, v9;
	v11 =	vld.idx.msk [tilespmem:v42+s18+$0x0], $0xffff  }
0x22f: {  	v12 =	vor.u32 v7, v37;
	_ =	sdelay $0x3  }
0x230: {  	[tilespmem:v43+s9+$0x0] =	vst.idx.msk $0xffff, v11  }
0x231: {  	v9 =	vor.u32 v8, v9;
	v11 =	vld.idx.msk [tilespmem:v12+s18+$0x0], $0xffff;
	_ =	sdelay $0x1  }
0x232: {  	v44 =	vbroadcast v10, $0xD;
	_ =	sdelay $0x1  }
0x233: {  	v45 =	vor.u32 v1, v44;
	s5 =	sadd.s32 $0xFFFFFFFE, s2  }
0x234: {  	[tilespmem:v9+s9+$0x0] =	vst.idx.msk $0xffff, v11;
	v9 =	vmov s5  }
0x235: {  	_ =	swait.ge [sflag:s28], $0x2000;
	v11 =	vshll.u32 v9, $0x3  }
0x236: {  	v9 =	vand.u32 $0x7D, v9;
	[sflag:s28] =	ssyncset.done $0x0;
	v11 =	vand.u32 $0xC00, v11  }
0x237: {  	[sflag:s28] =	ssyncadd.s32 $0xFFFFE000;
	v9 =	vor.u32 v9, v11  }
0x238: {  	v11 =	vld.idx.msk [tilespmem:v45+s19+$0x0], $0xffff;
	v46 =	vor.u32 v2, v9  }
0x239: {  	v47 =	vor.u32 v3, v44;
	_ =	sdelay $0x3  }
0x23a: {  	[tilespmem:v46+s9+$0x0] =	vst.idx.msk $0xffff, v11  }
0x23b: {  	v48 =	vor.u32 v4, v9;
	v11 =	vld.idx.msk [tilespmem:v47+s19+$0x0], $0xffff  }
0x23c: {  	v49 =	vor.u32 v5, v44;
	_ =	sdelay $0x3  }
0x23d: {  	[tilespmem:v48+s9+$0x0] =	vst.idx.msk $0xffff, v11  }
0x23e: {  	v50 =	vor.u32 v6, v9;
	v11 =	vld.idx.msk [tilespmem:v49+s19+$0x0], $0xffff  }
0x23f: {  	v12 =	vor.u32 v7, v44;
	_ =	sdelay $0x3  }
0x240: {  	[tilespmem:v50+s9+$0x0] =	vst.idx.msk $0xffff, v11  }
0x241: {  	v9 =	vor.u32 v8, v9;
	v11 =	vld.idx.msk [tilespmem:v12+s19+$0x0], $0xffff;
	_ =	sdelay $0x1  }
0x242: {  	v51 =	vbroadcast v10, $0xE;
	_ =	sdelay $0x1  }
0x243: {  	v52 =	vor.u32 v1, v51;
	s11 =	sadd.s32 $0xFFFFFFFF, s2  }
0x244: {  	[tilespmem:v9+s9+$0x0] =	vst.idx.msk $0xffff, v11;
	v9 =	vmov s11  }
0x245: {  	_ =	swait.ge [sflag:s29], $0x2000;
	v11 =	vshll.u32 v9, $0x3  }
0x246: {  	v9 =	vand.u32 $0x7E, v9;
	[sflag:s29] =	ssyncset.done $0x0;
	v11 =	vand.u32 $0xC00, v11  }
0x247: {  	[sflag:s29] =	ssyncadd.s32 $0xFFFFE000;
	v9 =	vor.u32 v9, v11  }
0x248: {  	v11 =	vld.idx.msk [tilespmem:v52+s20+$0x0], $0xffff;
	v53 =	vor.u32 v2, v9  }
0x249: {  	v54 =	vor.u32 v3, v51;
	_ =	sdelay $0x3  }
0x24a: {  	[tilespmem:v53+s9+$0x0] =	vst.idx.msk $0xffff, v11  }
0x24b: {  	v55 =	vor.u32 v4, v9;
	v11 =	vld.idx.msk [tilespmem:v54+s20+$0x0], $0xffff  }
0x24c: {  	v56 =	vor.u32 v5, v51;
	_ =	sdelay $0x3  }
0x24d: {  	[tilespmem:v55+s9+$0x0] =	vst.idx.msk $0xffff, v11  }
0x24e: {  	v57 =	vor.u32 v6, v9;
	v11 =	vld.idx.msk [tilespmem:v56+s20+$0x0], $0xffff  }
0x24f: {  	v12 =	vor.u32 v7, v51;
	_ =	sdelay $0x3  }
0x250: {  	[tilespmem:v57+s9+$0x0] =	vst.idx.msk $0xffff, v11  }
0x251: {  	v9 =	vor.u32 v8, v9;
	v11 =	vld.idx.msk [tilespmem:v12+s20+$0x0], $0xffff;
	_ =	sdelay $0x1  }
0x252: {  	v10 =	vbroadcast v10, $0xF;
	_ =	sdelay $0x1  }
0x253: {  	v58 =	vor.u32 v1, v10  }
0x254: {  	[tilespmem:v9+s9+$0x0] =	vst.idx.msk $0xffff, v11;
	v9 =	vmov s2  }
0x255: {  	_ =	swait.ge [sflag:s30], $0x2000;
	v11 =	vshll.u32 v9, $0x3  }
0x256: {  	v9 =	vand.u32 $0x7F, v9;
	[sflag:s30] =	ssyncset.done $0x0;
	v11 =	vand.u32 $0xC00, v11  }
0x257: {  	[sflag:s30] =	ssyncadd.s32 $0xFFFFE000;
	v9 =	vor.u32 v9, v11  }
0x258: {  	v11 =	vld.idx.msk [tilespmem:v58+s21+$0x0], $0xffff;
	v59 =	vor.u32 v2, v9  }
0x259: {  	v60 =	vor.u32 v3, v10;
	_ =	sdelay $0x3  }
0x25a: {  	[tilespmem:v59+s9+$0x0] =	vst.idx.msk $0xffff, v11  }
0x25b: {  	v61 =	vor.u32 v4, v9;
	v11 =	vld.idx.msk [tilespmem:v60+s21+$0x0], $0xffff  }
0x25c: {  	v62 =	vor.u32 v5, v10;
	_ =	sdelay $0x3  }
0x25d: {  	[tilespmem:v61+s9+$0x0] =	vst.idx.msk $0xffff, v11  }
0x25e: {  	v63 =	vor.u32 v6, v9;
	v11 =	vld.idx.msk [tilespmem:v62+s21+$0x0], $0xffff  }
0x25f: {  	v10 =	vor.u32 v7, v10;
	_ =	sdelay $0x3  }
0x260: {  	[tilespmem:v63+s9+$0x0] =	vst.idx.msk $0xffff, v11  }
0x261: {  	p0 =	sne.s32 s2, $0x1FF;
	v9 =	vor.u32 v8, v9;
	v10 =	vld.idx.msk [tilespmem:v10+s21+$0x0], $0xffff  }
.Ltmp0:
0x262: {  	_ = 	snop;
	(pc) =	sbr.rel @p0 .LBB2_2-.Ltmp0, $2  }
0x263: {  	_ =	sdelay $0x2  }
0x264: {  	s2 =	sadd.s32 $0x20, s2;
	[tilespmem:v9+s9+$0x0] =	vst.idx.msk $0xffff, v10  }
0x265: {  	_ =	swait.ge [sflag:s31], $0x200  }
0x266: {  	[sflag:s31] =	ssyncset.done $0x0  }
0x267: {  	s3 =	simm.s32 $0x18200;
	[sflag:s31] =	ssyncadd.s32 $0xFFFFFE00  }
0x268: {  	[hbm4b:s6+s4] =	stream.linear.scatter [tilespmem:s3], [sflag:$0xA], $0x200, $0x38;
	[tilespmem:$0x18400] =	vst v63  }
0x269: {  	s1 =	sadd.s32 $0x1, s1;
	_ =	swait.ge [sflag:s8], $0x200  }
0x26a: {  	s2 =	simm.s32 $0x1000;
	p0 =	sne.s32 s1, s10;
	[sflag:s8] =	ssyncset.done $0x0  }
.Ltmp1:
0x26b: {  	s5 =	simm.s32 $0x20000;
	[sflag:s8] =	ssyncadd.s32 $0xFFFFFE00;
	(pc) =	sbr.rel @p0 .LBB2_1-.Ltmp1, $4  }
0x26c: {  	[hbm4b:s7+s2] =	stream.strided.scatter [tilespmem:s9], [sflag:$0xA], $0x8000, s5, s2, $0x38;
	[tilespmem:$0x18400] =	vst v63  }
0x26d: {  	_ =	swait.ge [sflag:s8], $0x8000  }
0x26e: {  	[sflag:s8] =	ssyncset.done $0x0  }
0x26f: {  	[sflag:s8] =	ssyncadd.s32 $0xFFFF8000  }
0x270: {  	_ =	sfence.sel $0x180000  }
0x271: {  	[bflag:$0x0] =	sbarrier.arrive $0xFFFF  }
0x272: {  	_ =	strace $0x90000047  }
0x273: {  	s0 =	stileid.u32;
	[bflag:$0x2] =	sbarrier.arrive $0xFFFF  }
0x274: {  	p0 =	sne.s32 s0, $0x0;
	s0 =	rddreg [dreg:$0x5]  }
0x275: {  	s0 =	sadd.s32 @!p0 $0x100000, s0  }
0x276: {  	[sflag:s0] =	ssyncadd.tile.s32 @!p0 $0x1;
	_ =	shalt  }
.Lfunc_end2:
_tile_overlayer_lowered:
.L_overlay_start_2:
0x277: {  	(tag) =	ssettag $0x2  }
0x278: {  	s0 =	rddreg [dreg:$0x0];
	s2 =	stileid.u32  }
0x279: {  	s1 =	rddreg [dreg:$0x1];
	p0 =	sne.s32 s2, $0x0  }
0x27a: {  	s3 =	rddreg [dreg:$0x2];
	[bflag:$0x3] =	sbarrier.arrive $0xFFFF;
	s2 =	simm.s32 @!p0 $0x1C0A  }
0x27b: {  	[timem:s3], [sflag:s2] =	dma.local @!p0 [hbm:s0], s1  }
0x27c: {  	s0 =	simm.s32 @!p0 $0xA  }
0x27d: {  	_ =	swait.ge @!p0 [sflag:s0], s1  }
0x27e: {  	s1 =	ssub.s32 @!p0 $0x0, s1;
	[sflag:s0] =	ssyncset.done @!p0 $0x0  }
0x27f: {  	[sflag:s0] =	ssyncadd.s32 @!p0 s1  }
0x280: {  	[bflag:$0x3] =	sbarrier.arrive $0xFFFF  }
0x281: {  	_ =	shalt  }

</sc_bundles>
